<compile_context>
chip_gen: v7x
topology: tpu7x:2x2x1
jax: 0.10.2.dev20260603
libtpu: 0.0.44.dev20260713+nightly
codegen_flags: <defaults>
</compile_context>

<pallas_src>
import functools

import jax
import jax.numpy as jnp
from jax import lax
from jax.experimental import pallas as pl
from jax.experimental.pallas import tpu as pltpu
from jax.experimental.pallas import tpu_sc as plsc

N = 10000
E = 320000
F_IN = 128
F_OUT = 16
H = 8
D = H * F_OUT

NP = 10112
NTILES = 32
C2 = 64
CPT2 = 160
PHASES = 2
PER_PHASE = CPT2 // PHASES
EDGES_PER_TILE = C2 * CPT2
EP = EDGES_PER_TILE * NTILES
ROWS_PER_TILE = NP // 16

_f32 = jnp.float32

_GDN = lax.GatherDimensionNumbers(offset_dims=(), collapsed_slice_dims=(0,),
                                  start_index_map=(0,))


def _bcast(vec, h):
    idx = jnp.full((16, 1), h, jnp.int32)
    return lax.gather(vec, idx, _GDN, slice_sizes=(1,),
                      mode=lax.GatherScatterMode.PROMISE_IN_BOUNDS)


def _proj_body(h_ref, wt_ref, b_ref, af_src_ref, af_tgt_ref, g2_ref,
               hp_ref, ss_ref, st_ref):
    hp = jnp.dot(h_ref[...], wt_ref[...],
                 preferred_element_type=_f32) + b_ref[...]
    hp_ref[0:N, :] = hp
    hp_ref[N:NP, :] = jnp.zeros((NP - N, D), _f32)
    g2 = g2_ref[...]
    ss_ref[0:N, :] = jnp.dot(hp * af_src_ref[...], g2,
                             preferred_element_type=_f32)
    st_ref[0:N, :] = jnp.dot(hp * af_tgt_ref[...], g2,
                             preferred_element_type=_f32)
    pad = jnp.full((NP - N, 16), -1e30, _f32)
    ss_ref[N:NP, :] = pad
    st_ref[N:NP, :] = pad


def _finish_body(dp_ref, op_ref, gt_ref, out_ref):
    r = 1.0 / (dp_ref[0, 0:N, :] + dp_ref[1, 0:N, :] + 1e-16)
    r128 = jnp.dot(r, gt_ref[...], preferred_element_type=_f32)
    out_ref[...] = (op_ref[0, 0:N, :] + op_ref[1, 0:N, :]) * r128


def _fused_body(src_hbm, tgt_hbm, ss_hbm, st_hbm, hp_hbm, z16_hbm,
                z128_hbm, dp_hbm, op_hbm,
                sidx_ph, tidx_ph, srows0, trows0, hrows0,
                srows1, trows1, hrows1, denom_sh, out_sh, sem0, sem1,
                semsc):
    c = lax.axis_index("c")
    s = lax.axis_index("s")
    wid = c * 16 + s
    rsl = pl.ds(s * ROWS_PER_TILE, ROWS_PER_TILE)
    pltpu.sync_copy(z16_hbm.at[rsl], denom_sh.at[rsl])
    pltpu.sync_copy(z128_hbm.at[rsl], out_sh.at[rsl])
    plsc.subcore_barrier()
    base_t = wid * EDGES_PER_TILE

    for ph in range(PHASES):
        isl = pl.ds(wid * CPT2 + ph * PER_PHASE, PER_PHASE)
        pltpu.sync_copy(src_hbm.at[isl], sidx_ph)
        pltpu.sync_copy(tgt_hbm.at[isl], tidx_ph)

        def _start(j, sr, tr, hr, sem):
            pltpu.async_copy(ss_hbm.at[sidx_ph.at[j]], sr, sem)
            pltpu.async_copy(st_hbm.at[tidx_ph.at[j]], tr, sem)
            pltpu.async_copy(hp_hbm.at[sidx_ph.at[j]], hr, sem)

        def _work(j, sr, tr, hr, sem):
            pltpu.make_async_copy(ss_hbm.at[sidx_ph.at[j]], sr, sem).wait()
            pltpu.make_async_copy(st_hbm.at[tidx_ph.at[j]], tr, sem).wait()
            pltpu.make_async_copy(hp_hbm.at[sidx_ph.at[j]], hr, sem).wait()

            @plsc.parallel_loop(0, C2, unroll=4)
            def _edges(i):
                w = sr[i] + tr[i]
                e = jnp.exp(jnp.maximum(w, w * 0.2))
                sr[i] = e
                for h in range(H):
                    sl = pl.ds(h * F_OUT, F_OUT)
                    hr[i, sl] = hr[i, sl] * _bcast(e, h)

            d1 = pltpu.async_copy(hr, out_sh.at[tidx_ph.at[j]], semsc,
                                  add=True)
            d2 = pltpu.async_copy(sr, denom_sh.at[tidx_ph.at[j]], semsc,
                                  add=True)
            d1.wait()
            d2.wait()

            @pl.when(j + 2 < PER_PHASE)
            def _next():
                _start(j + 2, sr, tr, hr, sem)

        _start(0, srows0, trows0, hrows0, sem0)
        _start(1, srows1, trows1, hrows1, sem1)

        @pl.loop(0, PER_PHASE, step=2)
        def _chunks(j):
            _work(j, srows0, trows0, hrows0, sem0)
            _work(j + 1, srows1, trows1, hrows1, sem1)

    plsc.subcore_barrier()
    pltpu.sync_copy(out_sh.at[rsl], op_hbm.at[c].at[rsl])

    @pl.when(s == 0)
    def _dump():
        pltpu.sync_copy(denom_sh, dp_hbm.at[c])


_MESH = plsc.VectorSubcoreMesh(core_axis_name="c", subcore_axis_name="s",
                               num_cores=2, num_subcores=16)

_SC_PARAMS = pltpu.CompilerParams(use_tc_tiling_on_sc=False,
                                  needs_layout_passes=False)

_fused = functools.partial(
    pl.kernel,
    out_type=(jax.ShapeDtypeStruct((2, NP, 16), _f32),
              jax.ShapeDtypeStruct((2, NP, D), _f32)),
    mesh=_MESH,
    scratch_types=[
        pltpu.VMEM((PER_PHASE, C2), jnp.int32),
        pltpu.VMEM((PER_PHASE, C2), jnp.int32),
        pltpu.VMEM((C2, 16), _f32),
        pltpu.VMEM((C2, 16), _f32),
        pltpu.VMEM((C2, D), _f32),
        pltpu.VMEM((C2, 16), _f32),
        pltpu.VMEM((C2, 16), _f32),
        pltpu.VMEM((C2, D), _f32),
        pltpu.VMEM_SHARED((NP, 16), _f32),
        pltpu.VMEM_SHARED((NP, D), _f32),
        pltpu.SemaphoreType.DMA,
        pltpu.SemaphoreType.DMA,
        pltpu.SemaphoreType.DMA,
    ],
    compiler_params=_SC_PARAMS)(_fused_body)


def kernel(h_in, edge_index, W, b, a_src, a_tgt):
    src = edge_index[0].astype(jnp.int32)
    tgt = edge_index[1].astype(jnp.int32)
    pad = jnp.full((EP - E,), N, jnp.int32)
    src_p2 = jnp.concatenate([src, pad]).reshape(EP // C2, C2)
    tgt_p2 = jnp.concatenate([tgt, pad]).reshape(EP // C2, C2)

    wt = W.T
    b2 = b.reshape(1, D)
    af_src = a_src.reshape(1, D)
    af_tgt = a_tgt.reshape(1, D)
    j = jnp.arange(D) // F_OUT
    g = (j[:, None] == jnp.arange(H)[None, :]).astype(_f32)
    g2 = jnp.concatenate([g, g], axis=1)
    gt = jnp.concatenate([g, jnp.zeros((D, H), _f32)], axis=1).T

    hp, ss, st = pl.pallas_call(
        _proj_body,
        out_shape=(jax.ShapeDtypeStruct((NP, D), _f32),
                   jax.ShapeDtypeStruct((NP, 16), _f32),
                   jax.ShapeDtypeStruct((NP, 16), _f32)),
    )(h_in, wt, b2, af_src, af_tgt, g2)

    z16 = jnp.zeros((NP, 16), _f32)
    z128 = jnp.zeros((NP, D), _f32)

    dp, op = _fused(src_p2, tgt_p2, ss, st, hp, z16, z128)

    out = pl.pallas_call(
        _finish_body,
        out_shape=jax.ShapeDtypeStruct((N, D), _f32),
    )(dp, op, gt)
    return out

# --- scband reference (transcript-rebuilt; emitter-appended) ---
"""Pipeline reference for scband-gat-layer-66700842107292 (READ-ONLY COPY).

The authoritative reference and input builder live on the scoring server;
editing this copy changes nothing except your own understanding.
"""

import jax, jax.numpy as jnp
import numpy as np

N = 10000
E = 320000
F_IN = 128
F_OUT = 16
H = 8


def setup_inputs(seed: int = 0) -> dict:
    key = jax.random.key(seed)
    k1, k2, k3, k4, k5, k6 = jax.random.split(key, 6)
    h_in = jax.random.normal(k1, (N, F_IN), dtype=jnp.float32)
    edge_index = jax.random.randint(k2, (2, E), 0, N, dtype=jnp.int64)
    # nn.Linear(F_IN, H*F_OUT): weight [H*F_OUT, F_IN], bias [H*F_OUT]
    W = jax.random.normal(k3, (H * F_OUT, F_IN), dtype=jnp.float32) * (1.0 / np.sqrt(F_IN))
    b = jnp.zeros((H * F_OUT,), dtype=jnp.float32)
    a_src = jax.random.normal(k4, (1, H, F_OUT), dtype=jnp.float32) * 0.1
    a_tgt = jax.random.normal(k5, (1, H, F_OUT), dtype=jnp.float32) * 0.1
    return {"h_in": h_in, "edge_index": edge_index, "W": W, "b": b, "a_src": a_src, "a_tgt": a_tgt}


def reference(h_in, edge_index, W, b, a_src, a_tgt):
    # dropout_prob=0.0 / eval mode -> dropout is identity
    h_proj = (h_in @ W.T + b).reshape(N, H, F_OUT)
    # per-node attention contributions [N, H]
    score_src = jnp.sum(h_proj * a_src, axis=-1)
    score_tgt = jnp.sum(h_proj * a_tgt, axis=-1)
    src = edge_index[0]
    tgt = edge_index[1]
    # lift to edges (gather)
    h_lift = jnp.take(h_proj, src, axis=0)            # [E, H, F_OUT]
    s_src = jnp.take(score_src, src, axis=0)          # [E, H]
    s_tgt = jnp.take(score_tgt, tgt, axis=0)          # [E, H]
    e = jax.nn.leaky_relu(s_tgt + s_src, negative_slope=0.2)
    # neighborhood softmax over edges sharing the same target node
    exp_e = jnp.exp(e)
    denom = jnp.zeros((N, H), dtype=exp_e.dtype).at[tgt].add(exp_e)
    alpha = exp_e / (jnp.take(denom, tgt, axis=0) + 1e-16)   # [E, H]
    alpha = alpha[..., None]                                  # [E, H, 1]
    # weighted message aggregation (scatter-add)
    msg = alpha * h_lift                                      # [E, H, F_OUT]
    new_features = jnp.zeros((N, H, F_OUT), dtype=msg.dtype).at[tgt].add(msg)
    # concat=True path: original code computes activation but returns the
    # un-activated reshaped features (faithful to the torch code)
    out = new_features.reshape(N, H * F_OUT)
    return out

if __name__ == "__main__":
    import jax
    _d = setup_inputs()
    print(jax.jit(kernel)(*tuple(_d.values())))

</pallas_src>

<mosaic_0001>
#map = affine_map<(d0, d1) -> (0, 0)>
#map1 = affine_map<(d0, d1) -> (0, 0, 0)>
module attributes {stable_mosaic.version = 14 : i64} {
  func.func @_fused_body(%arg0: i32, %arg1: i32, %arg2: memref<5120x64xi32, #tpu.memory_space<hbm>>, %arg3: memref<5120x64xi32, #tpu.memory_space<hbm>>, %arg4: memref<10112x16xf32, #tpu.memory_space<hbm>>, %arg5: memref<10112x16xf32, #tpu.memory_space<hbm>>, %arg6: memref<10112x128xf32, #tpu.memory_space<hbm>>, %arg7: memref<10112x16xf32, #tpu.memory_space<hbm>>, %arg8: memref<10112x128xf32, #tpu.memory_space<hbm>>, %arg9: memref<2x10112x16xf32, #tpu.memory_space<hbm>>, %arg10: memref<2x10112x128xf32, #tpu.memory_space<hbm>>, %arg11: memref<80x64xi32, #tpu.memory_space<vmem>>, %arg12: memref<80x64xi32, #tpu.memory_space<vmem>>, %arg13: memref<64x16xf32, #tpu.memory_space<vmem>>, %arg14: memref<64x16xf32, #tpu.memory_space<vmem>>, %arg15: memref<64x128xf32, #tpu.memory_space<vmem>>, %arg16: memref<64x16xf32, #tpu.memory_space<vmem>>, %arg17: memref<64x16xf32, #tpu.memory_space<vmem>>, %arg18: memref<64x128xf32, #tpu.memory_space<vmem>>, %arg19: memref<10112x16xf32, #tpu.memory_space<vmem_shared>>, %arg20: memref<10112x128xf32, #tpu.memory_space<vmem_shared>>, %arg21: memref<!tpu.dma_semaphore, #tpu.memory_space<semaphore_mem>>, %arg22: memref<!tpu.dma_semaphore, #tpu.memory_space<semaphore_mem>>, %arg23: memref<!tpu.dma_semaphore, #tpu.memory_space<semaphore_mem>>) attributes {dimension_semantics = [#tpu.dimension_semantics<core_parallel>, #tpu.dimension_semantics<subcore_parallel>], iteration_bounds = array<i64: 2, 16>, scalar_prefetch = 0 : i64, scratch_operands = 13 : i64, tpu.core_type = #tpu.core_type<sc_vector_subcore>, window_params = [{transform_indices = #map}, {transform_indices = #map}, {transform_indices = #map}, {transform_indices = #map}, {transform_indices = #map}, {transform_indices = #map}, {transform_indices = #map}, {transform_indices = #map1}, {transform_indices = #map1}]} {
    %mul3A = arith.constant 16 : i32
    %mul3A_0 = arith.muli %arg0, %mul3A : i32
    %add3A = arith.addi %mul3A_0, %arg1 : i32
    %mul3A_1 = arith.constant 632 : i32
    %mul3A_2 = arith.muli %arg1, %mul3A_1 : i32
    "tpu.region"() ({
      %run_scoped3A = tpu.sem_alloc : memref<!tpu.dma_semaphore, #tpu.memory_space<semaphore_mem>>
      %dma_start3A_108 = arith.constant 0 : i32
      %dma_start3A_109 = tpu.memref_slice %arg19[%mul3A_2, %dma_start3A_108] : memref<10112x16xf32, #tpu.memory_space<vmem_shared>> -> memref<632x16xf32, #tpu.memory_space<vmem_shared>>
      %dma_start3A_110 = arith.constant 0 : i32
      %dma_start3A_111 = tpu.memref_slice %arg7[%mul3A_2, %dma_start3A_110] : memref<10112x16xf32, #tpu.memory_space<hbm>> -> memref<632x16xf32, #tpu.memory_space<hbm>>
      tpu.enqueue_dma source(%dma_start3A_111 : memref<632x16xf32, #tpu.memory_space<hbm>>) target(%dma_start3A_109 : memref<632x16xf32, #tpu.memory_space<vmem_shared>>) target_semaphore(%run_scoped3A : memref<!tpu.dma_semaphore, #tpu.memory_space<semaphore_mem>>)
      %dma_wait3A = arith.constant 0 : i32
      %dma_wait3A_112 = tpu.memref_slice %arg19[%mul3A_2, %dma_wait3A] : memref<10112x16xf32, #tpu.memory_space<vmem_shared>> -> memref<632x16xf32, #tpu.memory_space<vmem_shared>>
      %dma_wait3A_113 = arith.constant 0 : i32
      %dma_wait3A_114 = tpu.memref_slice %arg7[%mul3A_2, %dma_wait3A_113] : memref<10112x16xf32, #tpu.memory_space<hbm>> -> memref<632x16xf32, #tpu.memory_space<hbm>>
      tpu.wait_dma2 semaphore(%run_scoped3A : memref<!tpu.dma_semaphore, #tpu.memory_space<semaphore_mem>>) src(%dma_wait3A_114 : memref<632x16xf32, #tpu.memory_space<hbm>>) dst(%dma_wait3A_112 : memref<632x16xf32, #tpu.memory_space<vmem_shared>>)
      tpu.yield
    }) : () -> ()
    "tpu.region"() ({
      %run_scoped3A = tpu.sem_alloc : memref<!tpu.dma_semaphore, #tpu.memory_space<semaphore_mem>>
      %dma_start3A_108 = arith.constant 0 : i32
      %dma_start3A_109 = tpu.memref_slice %arg20[%mul3A_2, %dma_start3A_108] : memref<10112x128xf32, #tpu.memory_space<vmem_shared>> -> memref<632x128xf32, #tpu.memory_space<vmem_shared>>
      %dma_start3A_110 = arith.constant 0 : i32
      %dma_start3A_111 = tpu.memref_slice %arg8[%mul3A_2, %dma_start3A_110] : memref<10112x128xf32, #tpu.memory_space<hbm>> -> memref<632x128xf32, #tpu.memory_space<hbm>>
      tpu.enqueue_dma source(%dma_start3A_111 : memref<632x128xf32, #tpu.memory_space<hbm>>) target(%dma_start3A_109 : memref<632x128xf32, #tpu.memory_space<vmem_shared>>) target_semaphore(%run_scoped3A : memref<!tpu.dma_semaphore, #tpu.memory_space<semaphore_mem>>)
      %dma_wait3A = arith.constant 0 : i32
      %dma_wait3A_112 = tpu.memref_slice %arg20[%mul3A_2, %dma_wait3A] : memref<10112x128xf32, #tpu.memory_space<vmem_shared>> -> memref<632x128xf32, #tpu.memory_space<vmem_shared>>
      %dma_wait3A_113 = arith.constant 0 : i32
      %dma_wait3A_114 = tpu.memref_slice %arg8[%mul3A_2, %dma_wait3A_113] : memref<10112x128xf32, #tpu.memory_space<hbm>> -> memref<632x128xf32, #tpu.memory_space<hbm>>
      tpu.wait_dma2 semaphore(%run_scoped3A : memref<!tpu.dma_semaphore, #tpu.memory_space<semaphore_mem>>) src(%dma_wait3A_114 : memref<632x128xf32, #tpu.memory_space<hbm>>) dst(%dma_wait3A_112 : memref<632x128xf32, #tpu.memory_space<vmem_shared>>)
      tpu.yield
    }) : () -> ()
    %barrier3A = arith.constant 0 : index
    tpu.barrier barrier_id(%barrier3A)
    %mul3A_3 = arith.constant 10240 : i32
    %mul3A_4 = arith.muli %add3A, %mul3A_3 : i32
    %mul3A_5 = arith.constant 160 : i32
    %mul3A_6 = arith.muli %add3A, %mul3A_5 : i32
    %add3A_7 = arith.constant 0 : i32
    %add3A_8 = arith.addi %mul3A_6, %add3A_7 : i32
    "tpu.region"() ({
      %run_scoped3A = tpu.sem_alloc : memref<!tpu.dma_semaphore, #tpu.memory_space<semaphore_mem>>
      %dma_start3A_108 = arith.constant 0 : i32
      %dma_start3A_109 = tpu.memref_slice %arg2[%add3A_8, %dma_start3A_108] : memref<5120x64xi32, #tpu.memory_space<hbm>> -> memref<80x64xi32, #tpu.memory_space<hbm>>
      %dma_start3A_110 = arith.constant 0 : i32
      %dma_start3A_111 = tpu.memref_slice %arg2[%add3A_8, %dma_start3A_110] : memref<5120x64xi32, #tpu.memory_space<hbm>> -> memref<80x64xi32, #tpu.memory_space<hbm>>
      tpu.enqueue_dma source(%dma_start3A_111 : memref<80x64xi32, #tpu.memory_space<hbm>>) target(%arg11 : memref<80x64xi32, #tpu.memory_space<vmem>>) target_semaphore(%run_scoped3A : memref<!tpu.dma_semaphore, #tpu.memory_space<semaphore_mem>>)
      %dma_wait3A = arith.constant 0 : i32
      %dma_wait3A_112 = tpu.memref_slice %arg2[%add3A_8, %dma_wait3A] : memref<5120x64xi32, #tpu.memory_space<hbm>> -> memref<80x64xi32, #tpu.memory_space<hbm>>
      %dma_wait3A_113 = arith.constant 0 : i32
      %dma_wait3A_114 = tpu.memref_slice %arg2[%add3A_8, %dma_wait3A_113] : memref<5120x64xi32, #tpu.memory_space<hbm>> -> memref<80x64xi32, #tpu.memory_space<hbm>>
      tpu.wait_dma2 semaphore(%run_scoped3A : memref<!tpu.dma_semaphore, #tpu.memory_space<semaphore_mem>>) src(%dma_wait3A_114 : memref<80x64xi32, #tpu.memory_space<hbm>>) dst(%arg11 : memref<80x64xi32, #tpu.memory_space<vmem>>)
      tpu.yield
    }) : () -> ()
    "tpu.region"() ({
      %run_scoped3A = tpu.sem_alloc : memref<!tpu.dma_semaphore, #tpu.memory_space<semaphore_mem>>
      %dma_start3A_108 = arith.constant 0 : i32
      %dma_start3A_109 = tpu.memref_slice %arg3[%add3A_8, %dma_start3A_108] : memref<5120x64xi32, #tpu.memory_space<hbm>> -> memref<80x64xi32, #tpu.memory_space<hbm>>
      %dma_start3A_110 = arith.constant 0 : i32
      %dma_start3A_111 = tpu.memref_slice %arg3[%add3A_8, %dma_start3A_110] : memref<5120x64xi32, #tpu.memory_space<hbm>> -> memref<80x64xi32, #tpu.memory_space<hbm>>
      tpu.enqueue_dma source(%dma_start3A_111 : memref<80x64xi32, #tpu.memory_space<hbm>>) target(%arg12 : memref<80x64xi32, #tpu.memory_space<vmem>>) target_semaphore(%run_scoped3A : memref<!tpu.dma_semaphore, #tpu.memory_space<semaphore_mem>>)
      %dma_wait3A = arith.constant 0 : i32
      %dma_wait3A_112 = tpu.memref_slice %arg3[%add3A_8, %dma_wait3A] : memref<5120x64xi32, #tpu.memory_space<hbm>> -> memref<80x64xi32, #tpu.memory_space<hbm>>
      %dma_wait3A_113 = arith.constant 0 : i32
      %dma_wait3A_114 = tpu.memref_slice %arg3[%add3A_8, %dma_wait3A_113] : memref<5120x64xi32, #tpu.memory_space<hbm>> -> memref<80x64xi32, #tpu.memory_space<hbm>>
      tpu.wait_dma2 semaphore(%run_scoped3A : memref<!tpu.dma_semaphore, #tpu.memory_space<semaphore_mem>>) src(%dma_wait3A_114 : memref<80x64xi32, #tpu.memory_space<hbm>>) dst(%arg12 : memref<80x64xi32, #tpu.memory_space<vmem>>)
      tpu.yield
    }) : () -> ()
    %dma_start3A = arith.constant 0 : i32
    %dma_start3A_9 = arith.constant 0 : i32
    %dma_start3A_10 = tpu.memref_slice %arg11[%dma_start3A, %dma_start3A_9] : memref<80x64xi32, #tpu.memory_space<vmem>> -> memref<1x64xi32, #tpu.memory_space<vmem>>
    %dma_start3A_11 = tpu.memref_squeeze %dma_start3A_10 : memref<1x64xi32, #tpu.memory_space<vmem>> -> memref<64xi32, #tpu.memory_space<vmem>>
    %dma_start3A_12 = arith.constant 0 : i32
    %dma_start3A_13 = arith.constant 0 : i32
    %dma_start3A_14 = tpu.memref_slice %arg4[%dma_start3A_12, %dma_start3A_13] : memref<10112x16xf32, #tpu.memory_space<hbm>> -> memref<10112x16xf32, #tpu.memory_space<hbm>>
    tpu.enqueue_indirect_dma source(%dma_start3A_14 : memref<10112x16xf32, #tpu.memory_space<hbm>>) target(%arg13 : memref<64x16xf32, #tpu.memory_space<vmem>>) offsets(%dma_start3A_11 : memref<64xi32, #tpu.memory_space<vmem>>) semaphore(%arg21 : memref<!tpu.dma_semaphore, #tpu.memory_space<semaphore_mem>>)
    %dma_start3A_15 = arith.constant 0 : i32
    %dma_start3A_16 = arith.constant 0 : i32
    %dma_start3A_17 = tpu.memref_slice %arg12[%dma_start3A_15, %dma_start3A_16] : memref<80x64xi32, #tpu.memory_space<vmem>> -> memref<1x64xi32, #tpu.memory_space<vmem>>
    %dma_start3A_18 = tpu.memref_squeeze %dma_start3A_17 : memref<1x64xi32, #tpu.memory_space<vmem>> -> memref<64xi32, #tpu.memory_space<vmem>>
    %dma_start3A_19 = arith.constant 0 : i32
    %dma_start3A_20 = arith.constant 0 : i32
    %dma_start3A_21 = tpu.memref_slice %arg5[%dma_start3A_19, %dma_start3A_20] : memref<10112x16xf32, #tpu.memory_space<hbm>> -> memref<10112x16xf32, #tpu.memory_space<hbm>>
    tpu.enqueue_indirect_dma source(%dma_start3A_21 : memref<10112x16xf32, #tpu.memory_space<hbm>>) target(%arg14 : memref<64x16xf32, #tpu.memory_space<vmem>>) offsets(%dma_start3A_18 : memref<64xi32, #tpu.memory_space<vmem>>) semaphore(%arg21 : memref<!tpu.dma_semaphore, #tpu.memory_space<semaphore_mem>>)
    %dma_start3A_22 = arith.constant 0 : i32
    %dma_start3A_23 = arith.constant 0 : i32
    %dma_start3A_24 = tpu.memref_slice %arg11[%dma_start3A_22, %dma_start3A_23] : memref<80x64xi32, #tpu.memory_space<vmem>> -> memref<1x64xi32, #tpu.memory_space<vmem>>
    %dma_start3A_25 = tpu.memref_squeeze %dma_start3A_24 : memref<1x64xi32, #tpu.memory_space<vmem>> -> memref<64xi32, #tpu.memory_space<vmem>>
    %dma_start3A_26 = arith.constant 0 : i32
    %dma_start3A_27 = arith.constant 0 : i32
    %dma_start3A_28 = tpu.memref_slice %arg6[%dma_start3A_26, %dma_start3A_27] : memref<10112x128xf32, #tpu.memory_space<hbm>> -> memref<10112x128xf32, #tpu.memory_space<hbm>>
    tpu.enqueue_indirect_dma source(%dma_start3A_28 : memref<10112x128xf32, #tpu.memory_space<hbm>>) target(%arg15 : memref<64x128xf32, #tpu.memory_space<vmem>>) offsets(%dma_start3A_25 : memref<64xi32, #tpu.memory_space<vmem>>) semaphore(%arg21 : memref<!tpu.dma_semaphore, #tpu.memory_space<semaphore_mem>>)
    %dma_start3A_29 = arith.constant 1 : i32
    %dma_start3A_30 = arith.constant 0 : i32
    %dma_start3A_31 = tpu.memref_slice %arg11[%dma_start3A_29, %dma_start3A_30] : memref<80x64xi32, #tpu.memory_space<vmem>> -> memref<1x64xi32, #tpu.memory_space<vmem>>
    %dma_start3A_32 = tpu.memref_squeeze %dma_start3A_31 : memref<1x64xi32, #tpu.memory_space<vmem>> -> memref<64xi32, #tpu.memory_space<vmem>>
    %dma_start3A_33 = arith.constant 0 : i32
    %dma_start3A_34 = arith.constant 0 : i32
    %dma_start3A_35 = tpu.memref_slice %arg4[%dma_start3A_33, %dma_start3A_34] : memref<10112x16xf32, #tpu.memory_space<hbm>> -> memref<10112x16xf32, #tpu.memory_space<hbm>>
    tpu.enqueue_indirect_dma source(%dma_start3A_35 : memref<10112x16xf32, #tpu.memory_space<hbm>>) target(%arg16 : memref<64x16xf32, #tpu.memory_space<vmem>>) offsets(%dma_start3A_32 : memref<64xi32, #tpu.memory_space<vmem>>) semaphore(%arg22 : memref<!tpu.dma_semaphore, #tpu.memory_space<semaphore_mem>>)
    %dma_start3A_36 = arith.constant 1 : i32
    %dma_start3A_37 = arith.constant 0 : i32
    %dma_start3A_38 = tpu.memref_slice %arg12[%dma_start3A_36, %dma_start3A_37] : memref<80x64xi32, #tpu.memory_space<vmem>> -> memref<1x64xi32, #tpu.memory_space<vmem>>
    %dma_start3A_39 = tpu.memref_squeeze %dma_start3A_38 : memref<1x64xi32, #tpu.memory_space<vmem>> -> memref<64xi32, #tpu.memory_space<vmem>>
    %dma_start3A_40 = arith.constant 0 : i32
    %dma_start3A_41 = arith.constant 0 : i32
    %dma_start3A_42 = tpu.memref_slice %arg5[%dma_start3A_40, %dma_start3A_41] : memref<10112x16xf32, #tpu.memory_space<hbm>> -> memref<10112x16xf32, #tpu.memory_space<hbm>>
    tpu.enqueue_indirect_dma source(%dma_start3A_42 : memref<10112x16xf32, #tpu.memory_space<hbm>>) target(%arg17 : memref<64x16xf32, #tpu.memory_space<vmem>>) offsets(%dma_start3A_39 : memref<64xi32, #tpu.memory_space<vmem>>) semaphore(%arg22 : memref<!tpu.dma_semaphore, #tpu.memory_space<semaphore_mem>>)
    %dma_start3A_43 = arith.constant 1 : i32
    %dma_start3A_44 = arith.constant 0 : i32
    %dma_start3A_45 = tpu.memref_slice %arg11[%dma_start3A_43, %dma_start3A_44] : memref<80x64xi32, #tpu.memory_space<vmem>> -> memref<1x64xi32, #tpu.memory_space<vmem>>
    %dma_start3A_46 = tpu.memref_squeeze %dma_start3A_45 : memref<1x64xi32, #tpu.memory_space<vmem>> -> memref<64xi32, #tpu.memory_space<vmem>>
    %dma_start3A_47 = arith.constant 0 : i32
    %dma_start3A_48 = arith.constant 0 : i32
    %dma_start3A_49 = tpu.memref_slice %arg6[%dma_start3A_47, %dma_start3A_48] : memref<10112x128xf32, #tpu.memory_space<hbm>> -> memref<10112x128xf32, #tpu.memory_space<hbm>>
    tpu.enqueue_indirect_dma source(%dma_start3A_49 : memref<10112x128xf32, #tpu.memory_space<hbm>>) target(%arg18 : memref<64x128xf32, #tpu.memory_space<vmem>>) offsets(%dma_start3A_46 : memref<64xi32, #tpu.memory_space<vmem>>) semaphore(%arg22 : memref<!tpu.dma_semaphore, #tpu.memory_space<semaphore_mem>>)
    %scan3A = arith.constant 0 : i32
    %scan3A_50 = arith.constant 40 : i32
    %scan3A_51 = arith.addi %scan3A, %scan3A_50 : i32
    %scan3A_52 = arith.constant 1 : i32
    scf.for %scan3A_108 = %scan3A to %scan3A_51 step %scan3A_52  : i32 {
      %mul3A_109 = arith.constant 2 : i32
      %mul3A_110 = arith.muli %scan3A_108, %mul3A_109 : i32
      %add3A_111 = arith.constant 0 : i32
      %add3A_112 = arith.addi %add3A_111, %mul3A_110 : i32
      %dma_wait3A = arith.constant 0 : i32
      %dma_wait3A_113 = tpu.memref_slice %arg11[%add3A_112, %dma_wait3A] : memref<80x64xi32, #tpu.memory_space<vmem>> -> memref<1x64xi32, #tpu.memory_space<vmem>>
      %dma_wait3A_114 = tpu.memref_squeeze %dma_wait3A_113 : memref<1x64xi32, #tpu.memory_space<vmem>> -> memref<64xi32, #tpu.memory_space<vmem>>
      %dma_wait3A_115 = arith.constant 0 : i32
      %dma_wait3A_116 = arith.constant 0 : i32
      %dma_wait3A_117 = tpu.memref_slice %arg4[%dma_wait3A_115, %dma_wait3A_116] : memref<10112x16xf32, #tpu.memory_space<hbm>> -> memref<10112x16xf32, #tpu.memory_space<hbm>>
      tpu.wait_indirect_dma semaphore(%arg21 : memref<!tpu.dma_semaphore, #tpu.memory_space<semaphore_mem>>) src(%dma_wait3A_117 : memref<10112x16xf32, #tpu.memory_space<hbm>>) dst(%arg13 : memref<64x16xf32, #tpu.memory_space<vmem>>)
      %dma_wait3A_118 = arith.constant 0 : i32
      %dma_wait3A_119 = tpu.memref_slice %arg12[%add3A_112, %dma_wait3A_118] : memref<80x64xi32, #tpu.memory_space<vmem>> -> memref<1x64xi32, #tpu.memory_space<vmem>>
      %dma_wait3A_120 = tpu.memref_squeeze %dma_wait3A_119 : memref<1x64xi32, #tpu.memory_space<vmem>> -> memref<64xi32, #tpu.memory_space<vmem>>
      %dma_wait3A_121 = arith.constant 0 : i32
      %dma_wait3A_122 = arith.constant 0 : i32
      %dma_wait3A_123 = tpu.memref_slice %arg5[%dma_wait3A_121, %dma_wait3A_122] : memref<10112x16xf32, #tpu.memory_space<hbm>> -> memref<10112x16xf32, #tpu.memory_space<hbm>>
      tpu.wait_indirect_dma semaphore(%arg21 : memref<!tpu.dma_semaphore, #tpu.memory_space<semaphore_mem>>) src(%dma_wait3A_123 : memref<10112x16xf32, #tpu.memory_space<hbm>>) dst(%arg14 : memref<64x16xf32, #tpu.memory_space<vmem>>)
      %dma_wait3A_124 = arith.constant 0 : i32
      %dma_wait3A_125 = tpu.memref_slice %arg11[%add3A_112, %dma_wait3A_124] : memref<80x64xi32, #tpu.memory_space<vmem>> -> memref<1x64xi32, #tpu.memory_space<vmem>>
      %dma_wait3A_126 = tpu.memref_squeeze %dma_wait3A_125 : memref<1x64xi32, #tpu.memory_space<vmem>> -> memref<64xi32, #tpu.memory_space<vmem>>
      %dma_wait3A_127 = arith.constant 0 : i32
      %dma_wait3A_128 = arith.constant 0 : i32
      %dma_wait3A_129 = tpu.memref_slice %arg6[%dma_wait3A_127, %dma_wait3A_128] : memref<10112x128xf32, #tpu.memory_space<hbm>> -> memref<10112x128xf32, #tpu.memory_space<hbm>>
      tpu.wait_indirect_dma semaphore(%arg21 : memref<!tpu.dma_semaphore, #tpu.memory_space<semaphore_mem>>) src(%dma_wait3A_129 : memref<10112x128xf32, #tpu.memory_space<hbm>>) dst(%arg15 : memref<64x128xf32, #tpu.memory_space<vmem>>)
      %parallel_loop3A = arith.constant 0 : i32
      %parallel_loop3A_130 = arith.constant 64 : i32
      %parallel_loop3A_131 = arith.constant 1 : i32
      scf.for %parallel_loop3A_216 = %parallel_loop3A to %parallel_loop3A_130 step %parallel_loop3A_131  : i32 {
        %parallel_loop3A_217 = arith.index_cast %parallel_loop3A_216 : i32 to index
        %parallel_loop3A_218 = arith.constant 0 : index
        %parallel_loop3A_219 = tpu.vector_load %arg13[%parallel_loop3A_217, %parallel_loop3A_218] {strides = array<i32>} : memref<64x16xf32, #tpu.memory_space<vmem>>, vector<16xf32>,
        %parallel_loop3A_220 = arith.index_cast %parallel_loop3A_216 : i32 to index
        %parallel_loop3A_221 = arith.constant 0 : index
        %parallel_loop3A_222 = tpu.vector_load %arg14[%parallel_loop3A_220, %parallel_loop3A_221] {strides = array<i32>} : memref<64x16xf32, #tpu.memory_space<vmem>>, vector<16xf32>,
        %parallel_loop3A_223 = arith.addf %parallel_loop3A_219, %parallel_loop3A_222 : vector<16xf32>
        %parallel_loop3A_224 = arith.constant 2.000000e-01 : f32
        %parallel_loop3A_225 = vector.broadcast %parallel_loop3A_224 : f32 to vector<16xf32>
        %parallel_loop3A_226 = arith.mulf %parallel_loop3A_223, %parallel_loop3A_225 : vector<16xf32>
        %parallel_loop3A_227 = arith.maximumf %parallel_loop3A_223, %parallel_loop3A_226 : vector<16xf32>
        %parallel_loop3A_228 = math.exp %parallel_loop3A_227 : vector<16xf32>
        %parallel_loop3A_229 = arith.index_cast %parallel_loop3A_216 : i32 to index
        %parallel_loop3A_230 = arith.constant 0 : index
        %parallel_loop3A_231 = tpu.vector_load %arg13[%parallel_loop3A_229, %parallel_loop3A_230] {strides = array<i32>} : memref<64x16xf32, #tpu.memory_space<vmem>>, vector<16xf32>,
        tpu.vector_store %arg13[%parallel_loop3A_229, %parallel_loop3A_230], %parallel_loop3A_228 {strides = array<i32>} : memref<64x16xf32, #tpu.memory_space<vmem>>, vector<16xf32>,
        %parallel_loop3A_232 = arith.index_cast %parallel_loop3A_216 : i32 to index
        %parallel_loop3A_233 = arith.constant 0 : index
        %parallel_loop3A_234 = tpu.vector_load %arg15[%parallel_loop3A_232, %parallel_loop3A_233] {strides = array<i32>} : memref<64x128xf32, #tpu.memory_space<vmem>>, vector<16xf32>,
        %parallel_loop3A_235 = arith.constant 0 : i32
        %parallel_loop3A_236 = vector.broadcast %parallel_loop3A_235 : i32 to vector<16x1xi32>
        %parallel_loop3A_237 = vector.shape_cast %parallel_loop3A_236 : vector<16x1xi32> to vector<16xi32>
        %parallel_loop3A_238 = tpu.dynamic_gather %parallel_loop3A_228[%parallel_loop3A_237] in [0] : vector<16xf32>, vector<16xi32> -> vector<16xf32>
        %parallel_loop3A_239 = arith.mulf %parallel_loop3A_234, %parallel_loop3A_238 : vector<16xf32>
        %parallel_loop3A_240 = arith.index_cast %parallel_loop3A_216 : i32 to index
        %parallel_loop3A_241 = arith.constant 0 : index
        %parallel_loop3A_242 = tpu.vector_load %arg15[%parallel_loop3A_240, %parallel_loop3A_241] {strides = array<i32>} : memref<64x128xf32, #tpu.memory_space<vmem>>, vector<16xf32>,
        tpu.vector_store %arg15[%parallel_loop3A_240, %parallel_loop3A_241], %parallel_loop3A_239 {strides = array<i32>} : memref<64x128xf32, #tpu.memory_space<vmem>>, vector<16xf32>,
        %parallel_loop3A_243 = arith.index_cast %parallel_loop3A_216 : i32 to index
        %parallel_loop3A_244 = arith.constant 16 : index
        %parallel_loop3A_245 = tpu.vector_load %arg15[%parallel_loop3A_243, %parallel_loop3A_244] {strides = array<i32>} : memref<64x128xf32, #tpu.memory_space<vmem>>, vector<16xf32>,
        %parallel_loop3A_246 = arith.constant 1 : i32
        %parallel_loop3A_247 = vector.broadcast %parallel_loop3A_246 : i32 to vector<16x1xi32>
        %parallel_loop3A_248 = vector.shape_cast %parallel_loop3A_247 : vector<16x1xi32> to vector<16xi32>
        %parallel_loop3A_249 = tpu.dynamic_gather %parallel_loop3A_228[%parallel_loop3A_248] in [0] : vector<16xf32>, vector<16xi32> -> vector<16xf32>
        %parallel_loop3A_250 = arith.mulf %parallel_loop3A_245, %parallel_loop3A_249 : vector<16xf32>
        %parallel_loop3A_251 = arith.index_cast %parallel_loop3A_216 : i32 to index
        %parallel_loop3A_252 = arith.constant 16 : index
        %parallel_loop3A_253 = tpu.vector_load %arg15[%parallel_loop3A_251, %parallel_loop3A_252] {strides = array<i32>} : memref<64x128xf32, #tpu.memory_space<vmem>>, vector<16xf32>,
        tpu.vector_store %arg15[%parallel_loop3A_251, %parallel_loop3A_252], %parallel_loop3A_250 {strides = array<i32>} : memref<64x128xf32, #tpu.memory_space<vmem>>, vector<16xf32>,
        %parallel_loop3A_254 = arith.index_cast %parallel_loop3A_216 : i32 to index
        %parallel_loop3A_255 = arith.constant 32 : index
        %parallel_loop3A_256 = tpu.vector_load %arg15[%parallel_loop3A_254, %parallel_loop3A_255] {strides = array<i32>} : memref<64x128xf32, #tpu.memory_space<vmem>>, vector<16xf32>,
        %parallel_loop3A_257 = arith.constant 2 : i32
        %parallel_loop3A_258 = vector.broadcast %parallel_loop3A_257 : i32 to vector<16x1xi32>
        %parallel_loop3A_259 = vector.shape_cast %parallel_loop3A_258 : vector<16x1xi32> to vector<16xi32>
        %parallel_loop3A_260 = tpu.dynamic_gather %parallel_loop3A_228[%parallel_loop3A_259] in [0] : vector<16xf32>, vector<16xi32> -> vector<16xf32>
        %parallel_loop3A_261 = arith.mulf %parallel_loop3A_256, %parallel_loop3A_260 : vector<16xf32>
        %parallel_loop3A_262 = arith.index_cast %parallel_loop3A_216 : i32 to index
        %parallel_loop3A_263 = arith.constant 32 : index
        %parallel_loop3A_264 = tpu.vector_load %arg15[%parallel_loop3A_262, %parallel_loop3A_263] {strides = array<i32>} : memref<64x128xf32, #tpu.memory_space<vmem>>, vector<16xf32>,
        tpu.vector_store %arg15[%parallel_loop3A_262, %parallel_loop3A_263], %parallel_loop3A_261 {strides = array<i32>} : memref<64x128xf32, #tpu.memory_space<vmem>>, vector<16xf32>,
        %parallel_loop3A_265 = arith.index_cast %parallel_loop3A_216 : i32 to index
        %parallel_loop3A_266 = arith.constant 48 : index
        %parallel_loop3A_267 = tpu.vector_load %arg15[%parallel_loop3A_265, %parallel_loop3A_266] {strides = array<i32>} : memref<64x128xf32, #tpu.memory_space<vmem>>, vector<16xf32>,
        %parallel_loop3A_268 = arith.constant 3 : i32
        %parallel_loop3A_269 = vector.broadcast %parallel_loop3A_268 : i32 to vector<16x1xi32>
        %parallel_loop3A_270 = vector.shape_cast %parallel_loop3A_269 : vector<16x1xi32> to vector<16xi32>
        %parallel_loop3A_271 = tpu.dynamic_gather %parallel_loop3A_228[%parallel_loop3A_270] in [0] : vector<16xf32>, vector<16xi32> -> vector<16xf32>
        %parallel_loop3A_272 = arith.mulf %parallel_loop3A_267, %parallel_loop3A_271 : vector<16xf32>
        %parallel_loop3A_273 = arith.index_cast %parallel_loop3A_216 : i32 to index
        %parallel_loop3A_274 = arith.constant 48 : index
        %parallel_loop3A_275 = tpu.vector_load %arg15[%parallel_loop3A_273, %parallel_loop3A_274] {strides = array<i32>} : memref<64x128xf32, #tpu.memory_space<vmem>>, vector<16xf32>,
        tpu.vector_store %arg15[%parallel_loop3A_273, %parallel_loop3A_274], %parallel_loop3A_272 {strides = array<i32>} : memref<64x128xf32, #tpu.memory_space<vmem>>, vector<16xf32>,
        %parallel_loop3A_276 = arith.index_cast %parallel_loop3A_216 : i32 to index
        %parallel_loop3A_277 = arith.constant 64 : index
        %parallel_loop3A_278 = tpu.vector_load %arg15[%parallel_loop3A_276, %parallel_loop3A_277] {strides = array<i32>} : memref<64x128xf32, #tpu.memory_space<vmem>>, vector<16xf32>,
        %parallel_loop3A_279 = arith.constant 4 : i32
        %parallel_loop3A_280 = vector.broadcast %parallel_loop3A_279 : i32 to vector<16x1xi32>
        %parallel_loop3A_281 = vector.shape_cast %parallel_loop3A_280 : vector<16x1xi32> to vector<16xi32>
        %parallel_loop3A_282 = tpu.dynamic_gather %parallel_loop3A_228[%parallel_loop3A_281] in [0] : vector<16xf32>, vector<16xi32> -> vector<16xf32>
        %parallel_loop3A_283 = arith.mulf %parallel_loop3A_278, %parallel_loop3A_282 : vector<16xf32>
        %parallel_loop3A_284 = arith.index_cast %parallel_loop3A_216 : i32 to index
        %parallel_loop3A_285 = arith.constant 64 : index
        %parallel_loop3A_286 = tpu.vector_load %arg15[%parallel_loop3A_284, %parallel_loop3A_285] {strides = array<i32>} : memref<64x128xf32, #tpu.memory_space<vmem>>, vector<16xf32>,
        tpu.vector_store %arg15[%parallel_loop3A_284, %parallel_loop3A_285], %parallel_loop3A_283 {strides = array<i32>} : memref<64x128xf32, #tpu.memory_space<vmem>>, vector<16xf32>,
        %parallel_loop3A_287 = arith.index_cast %parallel_loop3A_216 : i32 to index
        %parallel_loop3A_288 = arith.constant 80 : index
        %parallel_loop3A_289 = tpu.vector_load %arg15[%parallel_loop3A_287, %parallel_loop3A_288] {strides = array<i32>} : memref<64x128xf32, #tpu.memory_space<vmem>>, vector<16xf32>,
        %parallel_loop3A_290 = arith.constant 5 : i32
        %parallel_loop3A_291 = vector.broadcast %parallel_loop3A_290 : i32 to vector<16x1xi32>
        %parallel_loop3A_292 = vector.shape_cast %parallel_loop3A_291 : vector<16x1xi32> to vector<16xi32>
        %parallel_loop3A_293 = tpu.dynamic_gather %parallel_loop3A_228[%parallel_loop3A_292] in [0] : vector<16xf32>, vector<16xi32> -> vector<16xf32>
        %parallel_loop3A_294 = arith.mulf %parallel_loop3A_289, %parallel_loop3A_293 : vector<16xf32>
        %parallel_loop3A_295 = arith.index_cast %parallel_loop3A_216 : i32 to index
        %parallel_loop3A_296 = arith.constant 80 : index
        %parallel_loop3A_297 = tpu.vector_load %arg15[%parallel_loop3A_295, %parallel_loop3A_296] {strides = array<i32>} : memref<64x128xf32, #tpu.memory_space<vmem>>, vector<16xf32>,
        tpu.vector_store %arg15[%parallel_loop3A_295, %parallel_loop3A_296], %parallel_loop3A_294 {strides = array<i32>} : memref<64x128xf32, #tpu.memory_space<vmem>>, vector<16xf32>,
        %parallel_loop3A_298 = arith.index_cast %parallel_loop3A_216 : i32 to index
        %parallel_loop3A_299 = arith.constant 96 : index
        %parallel_loop3A_300 = tpu.vector_load %arg15[%parallel_loop3A_298, %parallel_loop3A_299] {strides = array<i32>} : memref<64x128xf32, #tpu.memory_space<vmem>>, vector<16xf32>,
        %parallel_loop3A_301 = arith.constant 6 : i32
        %parallel_loop3A_302 = vector.broadcast %parallel_loop3A_301 : i32 to vector<16x1xi32>
        %parallel_loop3A_303 = vector.shape_cast %parallel_loop3A_302 : vector<16x1xi32> to vector<16xi32>
        %parallel_loop3A_304 = tpu.dynamic_gather %parallel_loop3A_228[%parallel_loop3A_303] in [0] : vector<16xf32>, vector<16xi32> -> vector<16xf32>
        %parallel_loop3A_305 = arith.mulf %parallel_loop3A_300, %parallel_loop3A_304 : vector<16xf32>
        %parallel_loop3A_306 = arith.index_cast %parallel_loop3A_216 : i32 to index
        %parallel_loop3A_307 = arith.constant 96 : index
        %parallel_loop3A_308 = tpu.vector_load %arg15[%parallel_loop3A_306, %parallel_loop3A_307] {strides = array<i32>} : memref<64x128xf32, #tpu.memory_space<vmem>>, vector<16xf32>,
        tpu.vector_store %arg15[%parallel_loop3A_306, %parallel_loop3A_307], %parallel_loop3A_305 {strides = array<i32>} : memref<64x128xf32, #tpu.memory_space<vmem>>, vector<16xf32>,
        %parallel_loop3A_309 = arith.index_cast %parallel_loop3A_216 : i32 to index
        %parallel_loop3A_310 = arith.constant 112 : index
        %parallel_loop3A_311 = tpu.vector_load %arg15[%parallel_loop3A_309, %parallel_loop3A_310] {strides = array<i32>} : memref<64x128xf32, #tpu.memory_space<vmem>>, vector<16xf32>,
        %parallel_loop3A_312 = arith.constant 7 : i32
        %parallel_loop3A_313 = vector.broadcast %parallel_loop3A_312 : i32 to vector<16x1xi32>
        %parallel_loop3A_314 = vector.shape_cast %parallel_loop3A_313 : vector<16x1xi32> to vector<16xi32>
        %parallel_loop3A_315 = tpu.dynamic_gather %parallel_loop3A_228[%parallel_loop3A_314] in [0] : vector<16xf32>, vector<16xi32> -> vector<16xf32>
        %parallel_loop3A_316 = arith.mulf %parallel_loop3A_311, %parallel_loop3A_315 : vector<16xf32>
        %parallel_loop3A_317 = arith.index_cast %parallel_loop3A_216 : i32 to index
        %parallel_loop3A_318 = arith.constant 112 : index
        %parallel_loop3A_319 = tpu.vector_load %arg15[%parallel_loop3A_317, %parallel_loop3A_318] {strides = array<i32>} : memref<64x128xf32, #tpu.memory_space<vmem>>, vector<16xf32>,
        tpu.vector_store %arg15[%parallel_loop3A_317, %parallel_loop3A_318], %parallel_loop3A_316 {strides = array<i32>} : memref<64x128xf32, #tpu.memory_space<vmem>>, vector<16xf32>,
      } {sc.loop_unroll_factor = 4 : i64, sc.parallel_access}
      %dma_start3A_132 = arith.constant 0 : i32
      %dma_start3A_133 = tpu.memref_slice %arg12[%add3A_112, %dma_start3A_132] : memref<80x64xi32, #tpu.memory_space<vmem>> -> memref<1x64xi32, #tpu.memory_space<vmem>>
      %dma_start3A_134 = tpu.memref_squeeze %dma_start3A_133 : memref<1x64xi32, #tpu.memory_space<vmem>> -> memref<64xi32, #tpu.memory_space<vmem>>
      %dma_start3A_135 = arith.constant 0 : i32
      %dma_start3A_136 = arith.constant 0 : i32
      %dma_start3A_137 = tpu.memref_slice %arg20[%dma_start3A_135, %dma_start3A_136] : memref<10112x128xf32, #tpu.memory_space<vmem_shared>> -> memref<10112x128xf32, #tpu.memory_space<vmem_shared>>
      tpu.enqueue_indirect_dma source(%arg15 : memref<64x128xf32, #tpu.memory_space<vmem>>) target(%dma_start3A_137 : memref<10112x128xf32, #tpu.memory_space<vmem_shared>>) offsets(%dma_start3A_134 : memref<64xi32, #tpu.memory_space<vmem>>) semaphore(%arg23 : memref<!tpu.dma_semaphore, #tpu.memory_space<semaphore_mem>>) {add = true}
      %dma_start3A_138 = arith.constant 0 : i32
      %dma_start3A_139 = tpu.memref_slice %arg12[%add3A_112, %dma_start3A_138] : memref<80x64xi32, #tpu.memory_space<vmem>> -> memref<1x64xi32, #tpu.memory_space<vmem>>
      %dma_start3A_140 = tpu.memref_squeeze %dma_start3A_139 : memref<1x64xi32, #tpu.memory_space<vmem>> -> memref<64xi32, #tpu.memory_space<vmem>>
      %dma_start3A_141 = arith.constant 0 : i32
      %dma_start3A_142 = arith.constant 0 : i32
      %dma_start3A_143 = tpu.memref_slice %arg19[%dma_start3A_141, %dma_start3A_142] : memref<10112x16xf32, #tpu.memory_space<vmem_shared>> -> memref<10112x16xf32, #tpu.memory_space<vmem_shared>>
      tpu.enqueue_indirect_dma source(%arg13 : memref<64x16xf32, #tpu.memory_space<vmem>>) target(%dma_start3A_143 : memref<10112x16xf32, #tpu.memory_space<vmem_shared>>) offsets(%dma_start3A_140 : memref<64xi32, #tpu.memory_space<vmem>>) semaphore(%arg23 : memref<!tpu.dma_semaphore, #tpu.memory_space<semaphore_mem>>) {add = true}
      %dma_wait3A_144 = arith.constant 0 : i32
      %dma_wait3A_145 = tpu.memref_slice %arg12[%add3A_112, %dma_wait3A_144] : memref<80x64xi32, #tpu.memory_space<vmem>> -> memref<1x64xi32, #tpu.memory_space<vmem>>
      %dma_wait3A_146 = tpu.memref_squeeze %dma_wait3A_145 : memref<1x64xi32, #tpu.memory_space<vmem>> -> memref<64xi32, #tpu.memory_space<vmem>>
      %dma_wait3A_147 = arith.constant 0 : i32
      %dma_wait3A_148 = arith.constant 0 : i32
      %dma_wait3A_149 = tpu.memref_slice %arg20[%dma_wait3A_147, %dma_wait3A_148] : memref<10112x128xf32, #tpu.memory_space<vmem_shared>> -> memref<10112x128xf32, #tpu.memory_space<vmem_shared>>
      tpu.wait_indirect_dma semaphore(%arg23 : memref<!tpu.dma_semaphore, #tpu.memory_space<semaphore_mem>>) src(%arg15 : memref<64x128xf32, #tpu.memory_space<vmem>>) dst(%dma_wait3A_149 : memref<10112x128xf32, #tpu.memory_space<vmem_shared>>)
      %dma_wait3A_150 = arith.constant 0 : i32
      %dma_wait3A_151 = tpu.memref_slice %arg12[%add3A_112, %dma_wait3A_150] : memref<80x64xi32, #tpu.memory_space<vmem>> -> memref<1x64xi32, #tpu.memory_space<vmem>>
      %dma_wait3A_152 = tpu.memref_squeeze %dma_wait3A_151 : memref<1x64xi32, #tpu.memory_space<vmem>> -> memref<64xi32, #tpu.memory_space<vmem>>
      %dma_wait3A_153 = arith.constant 0 : i32
      %dma_wait3A_154 = arith.constant 0 : i32
      %dma_wait3A_155 = tpu.memref_slice %arg19[%dma_wait3A_153, %dma_wait3A_154] : memref<10112x16xf32, #tpu.memory_space<vmem_shared>> -> memref<10112x16xf32, #tpu.memory_space<vmem_shared>>
      tpu.wait_indirect_dma semaphore(%arg23 : memref<!tpu.dma_semaphore, #tpu.memory_space<semaphore_mem>>) src(%arg13 : memref<64x16xf32, #tpu.memory_space<vmem>>) dst(%dma_wait3A_155 : memref<10112x16xf32, #tpu.memory_space<vmem_shared>>)
      %add3A_156 = arith.constant 2 : i32
      %add3A_157 = arith.addi %add3A_112, %add3A_156 : i32
      %lt3A = arith.constant 80 : i32
      %lt3A_158 = arith.cmpi slt, %add3A_157, %lt3A : i32
      %convert_element_type3A_159 = arith.extui %lt3A_158 : i1 to i32
      %cond3A_160 = arith.constant 0 : i32
      %cond3A_161 = arith.cmpi ne, %convert_element_type3A_159, %cond3A_160 : i32
      scf.if %cond3A_161 {
        %add3A_216 = arith.constant 2 : i32
        %add3A_217 = arith.addi %add3A_112, %add3A_216 : i32
        %dma_start3A_218 = arith.constant 0 : i32
        %dma_start3A_219 = tpu.memref_slice %arg11[%add3A_217, %dma_start3A_218] : memref<80x64xi32, #tpu.memory_space<vmem>> -> memref<1x64xi32, #tpu.memory_space<vmem>>
        %dma_start3A_220 = tpu.memref_squeeze %dma_start3A_219 : memref<1x64xi32, #tpu.memory_space<vmem>> -> memref<64xi32, #tpu.memory_space<vmem>>
        %dma_start3A_221 = arith.constant 0 : i32
        %dma_start3A_222 = arith.constant 0 : i32
        %dma_start3A_223 = tpu.memref_slice %arg4[%dma_start3A_221, %dma_start3A_222] : memref<10112x16xf32, #tpu.memory_space<hbm>> -> memref<10112x16xf32, #tpu.memory_space<hbm>>
        tpu.enqueue_indirect_dma source(%dma_start3A_223 : memref<10112x16xf32, #tpu.memory_space<hbm>>) target(%arg13 : memref<64x16xf32, #tpu.memory_space<vmem>>) offsets(%dma_start3A_220 : memref<64xi32, #tpu.memory_space<vmem>>) semaphore(%arg21 : memref<!tpu.dma_semaphore, #tpu.memory_space<semaphore_mem>>)
        %dma_start3A_224 = arith.constant 0 : i32
        %dma_start3A_225 = tpu.memref_slice %arg12[%add3A_217, %dma_start3A_224] : memref<80x64xi32, #tpu.memory_space<vmem>> -> memref<1x64xi32, #tpu.memory_space<vmem>>
        %dma_start3A_226 = tpu.memref_squeeze %dma_start3A_225 : memref<1x64xi32, #tpu.memory_space<vmem>> -> memref<64xi32, #tpu.memory_space<vmem>>
        %dma_start3A_227 = arith.constant 0 : i32
        %dma_start3A_228 = arith.constant 0 : i32
        %dma_start3A_229 = tpu.memref_slice %arg5[%dma_start3A_227, %dma_start3A_228] : memref<10112x16xf32, #tpu.memory_space<hbm>> -> memref<10112x16xf32, #tpu.memory_space<hbm>>
        tpu.enqueue_indirect_dma source(%dma_start3A_229 : memref<10112x16xf32, #tpu.memory_space<hbm>>) target(%arg14 : memref<64x16xf32, #tpu.memory_space<vmem>>) offsets(%dma_start3A_226 : memref<64xi32, #tpu.memory_space<vmem>>) semaphore(%arg21 : memref<!tpu.dma_semaphore, #tpu.memory_space<semaphore_mem>>)
        %dma_start3A_230 = arith.constant 0 : i32
        %dma_start3A_231 = tpu.memref_slice %arg11[%add3A_217, %dma_start3A_230] : memref<80x64xi32, #tpu.memory_space<vmem>> -> memref<1x64xi32, #tpu.memory_space<vmem>>
        %dma_start3A_232 = tpu.memref_squeeze %dma_start3A_231 : memref<1x64xi32, #tpu.memory_space<vmem>> -> memref<64xi32, #tpu.memory_space<vmem>>
        %dma_start3A_233 = arith.constant 0 : i32
        %dma_start3A_234 = arith.constant 0 : i32
        %dma_start3A_235 = tpu.memref_slice %arg6[%dma_start3A_233, %dma_start3A_234] : memref<10112x128xf32, #tpu.memory_space<hbm>> -> memref<10112x128xf32, #tpu.memory_space<hbm>>
        tpu.enqueue_indirect_dma source(%dma_start3A_235 : memref<10112x128xf32, #tpu.memory_space<hbm>>) target(%arg15 : memref<64x128xf32, #tpu.memory_space<vmem>>) offsets(%dma_start3A_232 : memref<64xi32, #tpu.memory_space<vmem>>) semaphore(%arg21 : memref<!tpu.dma_semaphore, #tpu.memory_space<semaphore_mem>>)
      } else {
      }
      %add3A_162 = arith.constant 1 : i32
      %add3A_163 = arith.addi %add3A_112, %add3A_162 : i32
      %dma_wait3A_164 = arith.constant 0 : i32
      %dma_wait3A_165 = tpu.memref_slice %arg11[%add3A_163, %dma_wait3A_164] : memref<80x64xi32, #tpu.memory_space<vmem>> -> memref<1x64xi32, #tpu.memory_space<vmem>>
      %dma_wait3A_166 = tpu.memref_squeeze %dma_wait3A_165 : memref<1x64xi32, #tpu.memory_space<vmem>> -> memref<64xi32, #tpu.memory_space<vmem>>
      %dma_wait3A_167 = arith.constant 0 : i32
      %dma_wait3A_168 = arith.constant 0 : i32
      %dma_wait3A_169 = tpu.memref_slice %arg4[%dma_wait3A_167, %dma_wait3A_168] : memref<10112x16xf32, #tpu.memory_space<hbm>> -> memref<10112x16xf32, #tpu.memory_space<hbm>>
      tpu.wait_indirect_dma semaphore(%arg22 : memref<!tpu.dma_semaphore, #tpu.memory_space<semaphore_mem>>) src(%dma_wait3A_169 : memref<10112x16xf32, #tpu.memory_space<hbm>>) dst(%arg16 : memref<64x16xf32, #tpu.memory_space<vmem>>)
      %dma_wait3A_170 = arith.constant 0 : i32
      %dma_wait3A_171 = tpu.memref_slice %arg12[%add3A_163, %dma_wait3A_170] : memref<80x64xi32, #tpu.memory_space<vmem>> -> memref<1x64xi32, #tpu.memory_space<vmem>>
      %dma_wait3A_172 = tpu.memref_squeeze %dma_wait3A_171 : memref<1x64xi32, #tpu.memory_space<vmem>> -> memref<64xi32, #tpu.memory_space<vmem>>
      %dma_wait3A_173 = arith.constant 0 : i32
      %dma_wait3A_174 = arith.constant 0 : i32
      %dma_wait3A_175 = tpu.memref_slice %arg5[%dma_wait3A_173, %dma_wait3A_174] : memref<10112x16xf32, #tpu.memory_space<hbm>> -> memref<10112x16xf32, #tpu.memory_space<hbm>>
      tpu.wait_indirect_dma semaphore(%arg22 : memref<!tpu.dma_semaphore, #tpu.memory_space<semaphore_mem>>) src(%dma_wait3A_175 : memref<10112x16xf32, #tpu.memory_space<hbm>>) dst(%arg17 : memref<64x16xf32, #tpu.memory_space<vmem>>)
      %dma_wait3A_176 = arith.constant 0 : i32
      %dma_wait3A_177 = tpu.memref_slice %arg11[%add3A_163, %dma_wait3A_176] : memref<80x64xi32, #tpu.memory_space<vmem>> -> memref<1x64xi32, #tpu.memory_space<vmem>>
      %dma_wait3A_178 = tpu.memref_squeeze %dma_wait3A_177 : memref<1x64xi32, #tpu.memory_space<vmem>> -> memref<64xi32, #tpu.memory_space<vmem>>
      %dma_wait3A_179 = arith.constant 0 : i32
      %dma_wait3A_180 = arith.constant 0 : i32
      %dma_wait3A_181 = tpu.memref_slice %arg6[%dma_wait3A_179, %dma_wait3A_180] : memref<10112x128xf32, #tpu.memory_space<hbm>> -> memref<10112x128xf32, #tpu.memory_space<hbm>>
      tpu.wait_indirect_dma semaphore(%arg22 : memref<!tpu.dma_semaphore, #tpu.memory_space<semaphore_mem>>) src(%dma_wait3A_181 : memref<10112x128xf32, #tpu.memory_space<hbm>>) dst(%arg18 : memref<64x128xf32, #tpu.memory_space<vmem>>)
      %parallel_loop3A_182 = arith.constant 0 : i32
      %parallel_loop3A_183 = arith.constant 64 : i32
      %parallel_loop3A_184 = arith.constant 1 : i32
      scf.for %parallel_loop3A_216 = %parallel_loop3A_182 to %parallel_loop3A_183 step %parallel_loop3A_184  : i32 {
        %parallel_loop3A_217 = arith.index_cast %parallel_loop3A_216 : i32 to index
        %parallel_loop3A_218 = arith.constant 0 : index
        %parallel_loop3A_219 = tpu.vector_load %arg16[%parallel_loop3A_217, %parallel_loop3A_218] {strides = array<i32>} : memref<64x16xf32, #tpu.memory_space<vmem>>, vector<16xf32>,
        %parallel_loop3A_220 = arith.index_cast %parallel_loop3A_216 : i32 to index
        %parallel_loop3A_221 = arith.constant 0 : index
        %parallel_loop3A_222 = tpu.vector_load %arg17[%parallel_loop3A_220, %parallel_loop3A_221] {strides = array<i32>} : memref<64x16xf32, #tpu.memory_space<vmem>>, vector<16xf32>,
        %parallel_loop3A_223 = arith.addf %parallel_loop3A_219, %parallel_loop3A_222 : vector<16xf32>
        %parallel_loop3A_224 = arith.constant 2.000000e-01 : f32
        %parallel_loop3A_225 = vector.broadcast %parallel_loop3A_224 : f32 to vector<16xf32>
        %parallel_loop3A_226 = arith.mulf %parallel_loop3A_223, %parallel_loop3A_225 : vector<16xf32>
        %parallel_loop3A_227 = arith.maximumf %parallel_loop3A_223, %parallel_loop3A_226 : vector<16xf32>
        %parallel_loop3A_228 = math.exp %parallel_loop3A_227 : vector<16xf32>
        %parallel_loop3A_229 = arith.index_cast %parallel_loop3A_216 : i32 to index
        %parallel_loop3A_230 = arith.constant 0 : index
        %parallel_loop3A_231 = tpu.vector_load %arg16[%parallel_loop3A_229, %parallel_loop3A_230] {strides = array<i32>} : memref<64x16xf32, #tpu.memory_space<vmem>>, vector<16xf32>,
        tpu.vector_store %arg16[%parallel_loop3A_229, %parallel_loop3A_230], %parallel_loop3A_228 {strides = array<i32>} : memref<64x16xf32, #tpu.memory_space<vmem>>, vector<16xf32>,
        %parallel_loop3A_232 = arith.index_cast %parallel_loop3A_216 : i32 to index
        %parallel_loop3A_233 = arith.constant 0 : index
        %parallel_loop3A_234 = tpu.vector_load %arg18[%parallel_loop3A_232, %parallel_loop3A_233] {strides = array<i32>} : memref<64x128xf32, #tpu.memory_space<vmem>>, vector<16xf32>,
        %parallel_loop3A_235 = arith.constant 0 : i32
        %parallel_loop3A_236 = vector.broadcast %parallel_loop3A_235 : i32 to vector<16x1xi32>
        %parallel_loop3A_237 = vector.shape_cast %parallel_loop3A_236 : vector<16x1xi32> to vector<16xi32>
        %parallel_loop3A_238 = tpu.dynamic_gather %parallel_loop3A_228[%parallel_loop3A_237] in [0] : vector<16xf32>, vector<16xi32> -> vector<16xf32>
        %parallel_loop3A_239 = arith.mulf %parallel_loop3A_234, %parallel_loop3A_238 : vector<16xf32>
        %parallel_loop3A_240 = arith.index_cast %parallel_loop3A_216 : i32 to index
        %parallel_loop3A_241 = arith.constant 0 : index
        %parallel_loop3A_242 = tpu.vector_load %arg18[%parallel_loop3A_240, %parallel_loop3A_241] {strides = array<i32>} : memref<64x128xf32, #tpu.memory_space<vmem>>, vector<16xf32>,
        tpu.vector_store %arg18[%parallel_loop3A_240, %parallel_loop3A_241], %parallel_loop3A_239 {strides = array<i32>} : memref<64x128xf32, #tpu.memory_space<vmem>>, vector<16xf32>,
        %parallel_loop3A_243 = arith.index_cast %parallel_loop3A_216 : i32 to index
        %parallel_loop3A_244 = arith.constant 16 : index
        %parallel_loop3A_245 = tpu.vector_load %arg18[%parallel_loop3A_243, %parallel_loop3A_244] {strides = array<i32>} : memref<64x128xf32, #tpu.memory_space<vmem>>, vector<16xf32>,
        %parallel_loop3A_246 = arith.constant 1 : i32
        %parallel_loop3A_247 = vector.broadcast %parallel_loop3A_246 : i32 to vector<16x1xi32>
        %parallel_loop3A_248 = vector.shape_cast %parallel_loop3A_247 : vector<16x1xi32> to vector<16xi32>
        %parallel_loop3A_249 = tpu.dynamic_gather %parallel_loop3A_228[%parallel_loop3A_248] in [0] : vector<16xf32>, vector<16xi32> -> vector<16xf32>
        %parallel_loop3A_250 = arith.mulf %parallel_loop3A_245, %parallel_loop3A_249 : vector<16xf32>
        %parallel_loop3A_251 = arith.index_cast %parallel_loop3A_216 : i32 to index
        %parallel_loop3A_252 = arith.constant 16 : index
        %parallel_loop3A_253 = tpu.vector_load %arg18[%parallel_loop3A_251, %parallel_loop3A_252] {strides = array<i32>} : memref<64x128xf32, #tpu.memory_space<vmem>>, vector<16xf32>,
        tpu.vector_store %arg18[%parallel_loop3A_251, %parallel_loop3A_252], %parallel_loop3A_250 {strides = array<i32>} : memref<64x128xf32, #tpu.memory_space<vmem>>, vector<16xf32>,
        %parallel_loop3A_254 = arith.index_cast %parallel_loop3A_216 : i32 to index
        %parallel_loop3A_255 = arith.constant 32 : index
        %parallel_loop3A_256 = tpu.vector_load %arg18[%parallel_loop3A_254, %parallel_loop3A_255] {strides = array<i32>} : memref<64x128xf32, #tpu.memory_space<vmem>>, vector<16xf32>,
        %parallel_loop3A_257 = arith.constant 2 : i32
        %parallel_loop3A_258 = vector.broadcast %parallel_loop3A_257 : i32 to vector<16x1xi32>
        %parallel_loop3A_259 = vector.shape_cast %parallel_loop3A_258 : vector<16x1xi32> to vector<16xi32>
        %parallel_loop3A_260 = tpu.dynamic_gather %parallel_loop3A_228[%parallel_loop3A_259] in [0] : vector<16xf32>, vector<16xi32> -> vector<16xf32>
        %parallel_loop3A_261 = arith.mulf %parallel_loop3A_256, %parallel_loop3A_260 : vector<16xf32>
        %parallel_loop3A_262 = arith.index_cast %parallel_loop3A_216 : i32 to index
        %parallel_loop3A_263 = arith.constant 32 : index
        %parallel_loop3A_264 = tpu.vector_load %arg18[%parallel_loop3A_262, %parallel_loop3A_263] {strides = array<i32>} : memref<64x128xf32, #tpu.memory_space<vmem>>, vector<16xf32>,
        tpu.vector_store %arg18[%parallel_loop3A_262, %parallel_loop3A_263], %parallel_loop3A_261 {strides = array<i32>} : memref<64x128xf32, #tpu.memory_space<vmem>>, vector<16xf32>,
        %parallel_loop3A_265 = arith.index_cast %parallel_loop3A_216 : i32 to index
        %parallel_loop3A_266 = arith.constant 48 : index
        %parallel_loop3A_267 = tpu.vector_load %arg18[%parallel_loop3A_265, %parallel_loop3A_266] {strides = array<i32>} : memref<64x128xf32, #tpu.memory_space<vmem>>, vector<16xf32>,
        %parallel_loop3A_268 = arith.constant 3 : i32
        %parallel_loop3A_269 = vector.broadcast %parallel_loop3A_268 : i32 to vector<16x1xi32>
        %parallel_loop3A_270 = vector.shape_cast %parallel_loop3A_269 : vector<16x1xi32> to vector<16xi32>
        %parallel_loop3A_271 = tpu.dynamic_gather %parallel_loop3A_228[%parallel_loop3A_270] in [0] : vector<16xf32>, vector<16xi32> -> vector<16xf32>
        %parallel_loop3A_272 = arith.mulf %parallel_loop3A_267, %parallel_loop3A_271 : vector<16xf32>
        %parallel_loop3A_273 = arith.index_cast %parallel_loop3A_216 : i32 to index
        %parallel_loop3A_274 = arith.constant 48 : index
        %parallel_loop3A_275 = tpu.vector_load %arg18[%parallel_loop3A_273, %parallel_loop3A_274] {strides = array<i32>} : memref<64x128xf32, #tpu.memory_space<vmem>>, vector<16xf32>,
        tpu.vector_store %arg18[%parallel_loop3A_273, %parallel_loop3A_274], %parallel_loop3A_272 {strides = array<i32>} : memref<64x128xf32, #tpu.memory_space<vmem>>, vector<16xf32>,
        %parallel_loop3A_276 = arith.index_cast %parallel_loop3A_216 : i32 to index
        %parallel_loop3A_277 = arith.constant 64 : index
        %parallel_loop3A_278 = tpu.vector_load %arg18[%parallel_loop3A_276, %parallel_loop3A_277] {strides = array<i32>} : memref<64x128xf32, #tpu.memory_space<vmem>>, vector<16xf32>,
        %parallel_loop3A_279 = arith.constant 4 : i32
        %parallel_loop3A_280 = vector.broadcast %parallel_loop3A_279 : i32 to vector<16x1xi32>
        %parallel_loop3A_281 = vector.shape_cast %parallel_loop3A_280 : vector<16x1xi32> to vector<16xi32>
        %parallel_loop3A_282 = tpu.dynamic_gather %parallel_loop3A_228[%parallel_loop3A_281] in [0] : vector<16xf32>, vector<16xi32> -> vector<16xf32>
        %parallel_loop3A_283 = arith.mulf %parallel_loop3A_278, %parallel_loop3A_282 : vector<16xf32>
        %parallel_loop3A_284 = arith.index_cast %parallel_loop3A_216 : i32 to index
        %parallel_loop3A_285 = arith.constant 64 : index
        %parallel_loop3A_286 = tpu.vector_load %arg18[%parallel_loop3A_284, %parallel_loop3A_285] {strides = array<i32>} : memref<64x128xf32, #tpu.memory_space<vmem>>, vector<16xf32>,
        tpu.vector_store %arg18[%parallel_loop3A_284, %parallel_loop3A_285], %parallel_loop3A_283 {strides = array<i32>} : memref<64x128xf32, #tpu.memory_space<vmem>>, vector<16xf32>,
        %parallel_loop3A_287 = arith.index_cast %parallel_loop3A_216 : i32 to index
        %parallel_loop3A_288 = arith.constant 80 : index
        %parallel_loop3A_289 = tpu.vector_load %arg18[%parallel_loop3A_287, %parallel_loop3A_288] {strides = array<i32>} : memref<64x128xf32, #tpu.memory_space<vmem>>, vector<16xf32>,
        %parallel_loop3A_290 = arith.constant 5 : i32
        %parallel_loop3A_291 = vector.broadcast %parallel_loop3A_290 : i32 to vector<16x1xi32>
        %parallel_loop3A_292 = vector.shape_cast %parallel_loop3A_291 : vector<16x1xi32> to vector<16xi32>
        %parallel_loop3A_293 = tpu.dynamic_gather %parallel_loop3A_228[%parallel_loop3A_292] in [0] : vector<16xf32>, vector<16xi32> -> vector<16xf32>
        %parallel_loop3A_294 = arith.mulf %parallel_loop3A_289, %parallel_loop3A_293 : vector<16xf32>
        %parallel_loop3A_295 = arith.index_cast %parallel_loop3A_216 : i32 to index
        %parallel_loop3A_296 = arith.constant 80 : index
        %parallel_loop3A_297 = tpu.vector_load %arg18[%parallel_loop3A_295, %parallel_loop3A_296] {strides = array<i32>} : memref<64x128xf32, #tpu.memory_space<vmem>>, vector<16xf32>,
        tpu.vector_store %arg18[%parallel_loop3A_295, %parallel_loop3A_296], %parallel_loop3A_294 {strides = array<i32>} : memref<64x128xf32, #tpu.memory_space<vmem>>, vector<16xf32>,
        %parallel_loop3A_298 = arith.index_cast %parallel_loop3A_216 : i32 to index
        %parallel_loop3A_299 = arith.constant 96 : index
        %parallel_loop3A_300 = tpu.vector_load %arg18[%parallel_loop3A_298, %parallel_loop3A_299] {strides = array<i32>} : memref<64x128xf32, #tpu.memory_space<vmem>>, vector<16xf32>,
        %parallel_loop3A_301 = arith.constant 6 : i32
        %parallel_loop3A_302 = vector.broadcast %parallel_loop3A_301 : i32 to vector<16x1xi32>
        %parallel_loop3A_303 = vector.shape_cast %parallel_loop3A_302 : vector<16x1xi32> to vector<16xi32>
        %parallel_loop3A_304 = tpu.dynamic_gather %parallel_loop3A_228[%parallel_loop3A_303] in [0] : vector<16xf32>, vector<16xi32> -> vector<16xf32>
        %parallel_loop3A_305 = arith.mulf %parallel_loop3A_300, %parallel_loop3A_304 : vector<16xf32>
        %parallel_loop3A_306 = arith.index_cast %parallel_loop3A_216 : i32 to index
        %parallel_loop3A_307 = arith.constant 96 : index
        %parallel_loop3A_308 = tpu.vector_load %arg18[%parallel_loop3A_306, %parallel_loop3A_307] {strides = array<i32>} : memref<64x128xf32, #tpu.memory_space<vmem>>, vector<16xf32>,
        tpu.vector_store %arg18[%parallel_loop3A_306, %parallel_loop3A_307], %parallel_loop3A_305 {strides = array<i32>} : memref<64x128xf32, #tpu.memory_space<vmem>>, vector<16xf32>,
        %parallel_loop3A_309 = arith.index_cast %parallel_loop3A_216 : i32 to index
        %parallel_loop3A_310 = arith.constant 112 : index
        %parallel_loop3A_311 = tpu.vector_load %arg18[%parallel_loop3A_309, %parallel_loop3A_310] {strides = array<i32>} : memref<64x128xf32, #tpu.memory_space<vmem>>, vector<16xf32>,
        %parallel_loop3A_312 = arith.constant 7 : i32
        %parallel_loop3A_313 = vector.broadcast %parallel_loop3A_312 : i32 to vector<16x1xi32>
        %parallel_loop3A_314 = vector.shape_cast %parallel_loop3A_313 : vector<16x1xi32> to vector<16xi32>
        %parallel_loop3A_315 = tpu.dynamic_gather %parallel_loop3A_228[%parallel_loop3A_314] in [0] : vector<16xf32>, vector<16xi32> -> vector<16xf32>
        %parallel_loop3A_316 = arith.mulf %parallel_loop3A_311, %parallel_loop3A_315 : vector<16xf32>
        %parallel_loop3A_317 = arith.index_cast %parallel_loop3A_216 : i32 to index
        %parallel_loop3A_318 = arith.constant 112 : index
        %parallel_loop3A_319 = tpu.vector_load %arg18[%parallel_loop3A_317, %parallel_loop3A_318] {strides = array<i32>} : memref<64x128xf32, #tpu.memory_space<vmem>>, vector<16xf32>,
        tpu.vector_store %arg18[%parallel_loop3A_317, %parallel_loop3A_318], %parallel_loop3A_316 {strides = array<i32>} : memref<64x128xf32, #tpu.memory_space<vmem>>, vector<16xf32>,
      } {sc.loop_unroll_factor = 4 : i64, sc.parallel_access}
      %dma_start3A_185 = arith.constant 0 : i32
      %dma_start3A_186 = tpu.memref_slice %arg12[%add3A_163, %dma_start3A_185] : memref<80x64xi32, #tpu.memory_space<vmem>> -> memref<1x64xi32, #tpu.memory_space<vmem>>
      %dma_start3A_187 = tpu.memref_squeeze %dma_start3A_186 : memref<1x64xi32, #tpu.memory_space<vmem>> -> memref<64xi32, #tpu.memory_space<vmem>>
      %dma_start3A_188 = arith.constant 0 : i32
      %dma_start3A_189 = arith.constant 0 : i32
      %dma_start3A_190 = tpu.memref_slice %arg20[%dma_start3A_188, %dma_start3A_189] : memref<10112x128xf32, #tpu.memory_space<vmem_shared>> -> memref<10112x128xf32, #tpu.memory_space<vmem_shared>>
      tpu.enqueue_indirect_dma source(%arg18 : memref<64x128xf32, #tpu.memory_space<vmem>>) target(%dma_start3A_190 : memref<10112x128xf32, #tpu.memory_space<vmem_shared>>) offsets(%dma_start3A_187 : memref<64xi32, #tpu.memory_space<vmem>>) semaphore(%arg23 : memref<!tpu.dma_semaphore, #tpu.memory_space<semaphore_mem>>) {add = true}
      %dma_start3A_191 = arith.constant 0 : i32
      %dma_start3A_192 = tpu.memref_slice %arg12[%add3A_163, %dma_start3A_191] : memref<80x64xi32, #tpu.memory_space<vmem>> -> memref<1x64xi32, #tpu.memory_space<vmem>>
      %dma_start3A_193 = tpu.memref_squeeze %dma_start3A_192 : memref<1x64xi32, #tpu.memory_space<vmem>> -> memref<64xi32, #tpu.memory_space<vmem>>
      %dma_start3A_194 = arith.constant 0 : i32
      %dma_start3A_195 = arith.constant 0 : i32
      %dma_start3A_196 = tpu.memref_slice %arg19[%dma_start3A_194, %dma_start3A_195] : memref<10112x16xf32, #tpu.memory_space<vmem_shared>> -> memref<10112x16xf32, #tpu.memory_space<vmem_shared>>
      tpu.enqueue_indirect_dma source(%arg16 : memref<64x16xf32, #tpu.memory_space<vmem>>) target(%dma_start3A_196 : memref<10112x16xf32, #tpu.memory_space<vmem_shared>>) offsets(%dma_start3A_193 : memref<64xi32, #tpu.memory_space<vmem>>) semaphore(%arg23 : memref<!tpu.dma_semaphore, #tpu.memory_space<semaphore_mem>>) {add = true}
      %dma_wait3A_197 = arith.constant 0 : i32
      %dma_wait3A_198 = tpu.memref_slice %arg12[%add3A_163, %dma_wait3A_197] : memref<80x64xi32, #tpu.memory_space<vmem>> -> memref<1x64xi32, #tpu.memory_space<vmem>>
      %dma_wait3A_199 = tpu.memref_squeeze %dma_wait3A_198 : memref<1x64xi32, #tpu.memory_space<vmem>> -> memref<64xi32, #tpu.memory_space<vmem>>
      %dma_wait3A_200 = arith.constant 0 : i32
      %dma_wait3A_201 = arith.constant 0 : i32
      %dma_wait3A_202 = tpu.memref_slice %arg20[%dma_wait3A_200, %dma_wait3A_201] : memref<10112x128xf32, #tpu.memory_space<vmem_shared>> -> memref<10112x128xf32, #tpu.memory_space<vmem_shared>>
      tpu.wait_indirect_dma semaphore(%arg23 : memref<!tpu.dma_semaphore, #tpu.memory_space<semaphore_mem>>) src(%arg18 : memref<64x128xf32, #tpu.memory_space<vmem>>) dst(%dma_wait3A_202 : memref<10112x128xf32, #tpu.memory_space<vmem_shared>>)
      %dma_wait3A_203 = arith.constant 0 : i32
      %dma_wait3A_204 = tpu.memref_slice %arg12[%add3A_163, %dma_wait3A_203] : memref<80x64xi32, #tpu.memory_space<vmem>> -> memref<1x64xi32, #tpu.memory_space<vmem>>
      %dma_wait3A_205 = tpu.memref_squeeze %dma_wait3A_204 : memref<1x64xi32, #tpu.memory_space<vmem>> -> memref<64xi32, #tpu.memory_space<vmem>>
      %dma_wait3A_206 = arith.constant 0 : i32
      %dma_wait3A_207 = arith.constant 0 : i32
      %dma_wait3A_208 = tpu.memref_slice %arg19[%dma_wait3A_206, %dma_wait3A_207] : memref<10112x16xf32, #tpu.memory_space<vmem_shared>> -> memref<10112x16xf32, #tpu.memory_space<vmem_shared>>
      tpu.wait_indirect_dma semaphore(%arg23 : memref<!tpu.dma_semaphore, #tpu.memory_space<semaphore_mem>>) src(%arg16 : memref<64x16xf32, #tpu.memory_space<vmem>>) dst(%dma_wait3A_208 : memref<10112x16xf32, #tpu.memory_space<vmem_shared>>)
      %add3A_209 = arith.constant 2 : i32
      %add3A_210 = arith.addi %add3A_163, %add3A_209 : i32
      %lt3A_211 = arith.constant 80 : i32
      %lt3A_212 = arith.cmpi slt, %add3A_210, %lt3A_211 : i32
      %convert_element_type3A_213 = arith.extui %lt3A_212 : i1 to i32
      %cond3A_214 = arith.constant 0 : i32
      %cond3A_215 = arith.cmpi ne, %convert_element_type3A_213, %cond3A_214 : i32
      scf.if %cond3A_215 {
        %add3A_216 = arith.constant 2 : i32
        %add3A_217 = arith.addi %add3A_163, %add3A_216 : i32
        %dma_start3A_218 = arith.constant 0 : i32
        %dma_start3A_219 = tpu.memref_slice %arg11[%add3A_217, %dma_start3A_218] : memref<80x64xi32, #tpu.memory_space<vmem>> -> memref<1x64xi32, #tpu.memory_space<vmem>>
        %dma_start3A_220 = tpu.memref_squeeze %dma_start3A_219 : memref<1x64xi32, #tpu.memory_space<vmem>> -> memref<64xi32, #tpu.memory_space<vmem>>
        %dma_start3A_221 = arith.constant 0 : i32
        %dma_start3A_222 = arith.constant 0 : i32
        %dma_start3A_223 = tpu.memref_slice %arg4[%dma_start3A_221, %dma_start3A_222] : memref<10112x16xf32, #tpu.memory_space<hbm>> -> memref<10112x16xf32, #tpu.memory_space<hbm>>
        tpu.enqueue_indirect_dma source(%dma_start3A_223 : memref<10112x16xf32, #tpu.memory_space<hbm>>) target(%arg16 : memref<64x16xf32, #tpu.memory_space<vmem>>) offsets(%dma_start3A_220 : memref<64xi32, #tpu.memory_space<vmem>>) semaphore(%arg22 : memref<!tpu.dma_semaphore, #tpu.memory_space<semaphore_mem>>)
        %dma_start3A_224 = arith.constant 0 : i32
        %dma_start3A_225 = tpu.memref_slice %arg12[%add3A_217, %dma_start3A_224] : memref<80x64xi32, #tpu.memory_space<vmem>> -> memref<1x64xi32, #tpu.memory_space<vmem>>
        %dma_start3A_226 = tpu.memref_squeeze %dma_start3A_225 : memref<1x64xi32, #tpu.memory_space<vmem>> -> memref<64xi32, #tpu.memory_space<vmem>>
        %dma_start3A_227 = arith.constant 0 : i32
        %dma_start3A_228 = arith.constant 0 : i32
        %dma_start3A_229 = tpu.memref_slice %arg5[%dma_start3A_227, %dma_start3A_228] : memref<10112x16xf32, #tpu.memory_space<hbm>> -> memref<10112x16xf32, #tpu.memory_space<hbm>>
        tpu.enqueue_indirect_dma source(%dma_start3A_229 : memref<10112x16xf32, #tpu.memory_space<hbm>>) target(%arg17 : memref<64x16xf32, #tpu.memory_space<vmem>>) offsets(%dma_start3A_226 : memref<64xi32, #tpu.memory_space<vmem>>) semaphore(%arg22 : memref<!tpu.dma_semaphore, #tpu.memory_space<semaphore_mem>>)
        %dma_start3A_230 = arith.constant 0 : i32
        %dma_start3A_231 = tpu.memref_slice %arg11[%add3A_217, %dma_start3A_230] : memref<80x64xi32, #tpu.memory_space<vmem>> -> memref<1x64xi32, #tpu.memory_space<vmem>>
        %dma_start3A_232 = tpu.memref_squeeze %dma_start3A_231 : memref<1x64xi32, #tpu.memory_space<vmem>> -> memref<64xi32, #tpu.memory_space<vmem>>
        %dma_start3A_233 = arith.constant 0 : i32
        %dma_start3A_234 = arith.constant 0 : i32
        %dma_start3A_235 = tpu.memref_slice %arg6[%dma_start3A_233, %dma_start3A_234] : memref<10112x128xf32, #tpu.memory_space<hbm>> -> memref<10112x128xf32, #tpu.memory_space<hbm>>
        tpu.enqueue_indirect_dma source(%dma_start3A_235 : memref<10112x128xf32, #tpu.memory_space<hbm>>) target(%arg18 : memref<64x128xf32, #tpu.memory_space<vmem>>) offsets(%dma_start3A_232 : memref<64xi32, #tpu.memory_space<vmem>>) semaphore(%arg22 : memref<!tpu.dma_semaphore, #tpu.memory_space<semaphore_mem>>)
      } else {
      }
    }
    %scan3A_53 = arith.constant 40 : i32
    %mul3A_54 = arith.constant 160 : i32
    %mul3A_55 = arith.muli %add3A, %mul3A_54 : i32
    %add3A_56 = arith.constant 80 : i32
    %add3A_57 = arith.addi %mul3A_55, %add3A_56 : i32
    "tpu.region"() ({
      %run_scoped3A = tpu.sem_alloc : memref<!tpu.dma_semaphore, #tpu.memory_space<semaphore_mem>>
      %dma_start3A_108 = arith.constant 0 : i32
      %dma_start3A_109 = tpu.memref_slice %arg2[%add3A_57, %dma_start3A_108] : memref<5120x64xi32, #tpu.memory_space<hbm>> -> memref<80x64xi32, #tpu.memory_space<hbm>>
      %dma_start3A_110 = arith.constant 0 : i32
      %dma_start3A_111 = tpu.memref_slice %arg2[%add3A_57, %dma_start3A_110] : memref<5120x64xi32, #tpu.memory_space<hbm>> -> memref<80x64xi32, #tpu.memory_space<hbm>>
      tpu.enqueue_dma source(%dma_start3A_111 : memref<80x64xi32, #tpu.memory_space<hbm>>) target(%arg11 : memref<80x64xi32, #tpu.memory_space<vmem>>) target_semaphore(%run_scoped3A : memref<!tpu.dma_semaphore, #tpu.memory_space<semaphore_mem>>)
      %dma_wait3A = arith.constant 0 : i32
      %dma_wait3A_112 = tpu.memref_slice %arg2[%add3A_57, %dma_wait3A] : memref<5120x64xi32, #tpu.memory_space<hbm>> -> memref<80x64xi32, #tpu.memory_space<hbm>>
      %dma_wait3A_113 = arith.constant 0 : i32
      %dma_wait3A_114 = tpu.memref_slice %arg2[%add3A_57, %dma_wait3A_113] : memref<5120x64xi32, #tpu.memory_space<hbm>> -> memref<80x64xi32, #tpu.memory_space<hbm>>
      tpu.wait_dma2 semaphore(%run_scoped3A : memref<!tpu.dma_semaphore, #tpu.memory_space<semaphore_mem>>) src(%dma_wait3A_114 : memref<80x64xi32, #tpu.memory_space<hbm>>) dst(%arg11 : memref<80x64xi32, #tpu.memory_space<vmem>>)
      tpu.yield
    }) : () -> ()
    "tpu.region"() ({
      %run_scoped3A = tpu.sem_alloc : memref<!tpu.dma_semaphore, #tpu.memory_space<semaphore_mem>>
      %dma_start3A_108 = arith.constant 0 : i32
      %dma_start3A_109 = tpu.memref_slice %arg3[%add3A_57, %dma_start3A_108] : memref<5120x64xi32, #tpu.memory_space<hbm>> -> memref<80x64xi32, #tpu.memory_space<hbm>>
      %dma_start3A_110 = arith.constant 0 : i32
      %dma_start3A_111 = tpu.memref_slice %arg3[%add3A_57, %dma_start3A_110] : memref<5120x64xi32, #tpu.memory_space<hbm>> -> memref<80x64xi32, #tpu.memory_space<hbm>>
      tpu.enqueue_dma source(%dma_start3A_111 : memref<80x64xi32, #tpu.memory_space<hbm>>) target(%arg12 : memref<80x64xi32, #tpu.memory_space<vmem>>) target_semaphore(%run_scoped3A : memref<!tpu.dma_semaphore, #tpu.memory_space<semaphore_mem>>)
      %dma_wait3A = arith.constant 0 : i32
      %dma_wait3A_112 = tpu.memref_slice %arg3[%add3A_57, %dma_wait3A] : memref<5120x64xi32, #tpu.memory_space<hbm>> -> memref<80x64xi32, #tpu.memory_space<hbm>>
      %dma_wait3A_113 = arith.constant 0 : i32
      %dma_wait3A_114 = tpu.memref_slice %arg3[%add3A_57, %dma_wait3A_113] : memref<5120x64xi32, #tpu.memory_space<hbm>> -> memref<80x64xi32, #tpu.memory_space<hbm>>
      tpu.wait_dma2 semaphore(%run_scoped3A : memref<!tpu.dma_semaphore, #tpu.memory_space<semaphore_mem>>) src(%dma_wait3A_114 : memref<80x64xi32, #tpu.memory_space<hbm>>) dst(%arg12 : memref<80x64xi32, #tpu.memory_space<vmem>>)
      tpu.yield
    }) : () -> ()
    %dma_start3A_58 = arith.constant 0 : i32
    %dma_start3A_59 = arith.constant 0 : i32
    %dma_start3A_60 = tpu.memref_slice %arg11[%dma_start3A_58, %dma_start3A_59] : memref<80x64xi32, #tpu.memory_space<vmem>> -> memref<1x64xi32, #tpu.memory_space<vmem>>
    %dma_start3A_61 = tpu.memref_squeeze %dma_start3A_60 : memref<1x64xi32, #tpu.memory_space<vmem>> -> memref<64xi32, #tpu.memory_space<vmem>>
    %dma_start3A_62 = arith.constant 0 : i32
    %dma_start3A_63 = arith.constant 0 : i32
    %dma_start3A_64 = tpu.memref_slice %arg4[%dma_start3A_62, %dma_start3A_63] : memref<10112x16xf32, #tpu.memory_space<hbm>> -> memref<10112x16xf32, #tpu.memory_space<hbm>>
    tpu.enqueue_indirect_dma source(%dma_start3A_64 : memref<10112x16xf32, #tpu.memory_space<hbm>>) target(%arg13 : memref<64x16xf32, #tpu.memory_space<vmem>>) offsets(%dma_start3A_61 : memref<64xi32, #tpu.memory_space<vmem>>) semaphore(%arg21 : memref<!tpu.dma_semaphore, #tpu.memory_space<semaphore_mem>>)
    %dma_start3A_65 = arith.constant 0 : i32
    %dma_start3A_66 = arith.constant 0 : i32
    %dma_start3A_67 = tpu.memref_slice %arg12[%dma_start3A_65, %dma_start3A_66] : memref<80x64xi32, #tpu.memory_space<vmem>> -> memref<1x64xi32, #tpu.memory_space<vmem>>
    %dma_start3A_68 = tpu.memref_squeeze %dma_start3A_67 : memref<1x64xi32, #tpu.memory_space<vmem>> -> memref<64xi32, #tpu.memory_space<vmem>>
    %dma_start3A_69 = arith.constant 0 : i32
    %dma_start3A_70 = arith.constant 0 : i32
    %dma_start3A_71 = tpu.memref_slice %arg5[%dma_start3A_69, %dma_start3A_70] : memref<10112x16xf32, #tpu.memory_space<hbm>> -> memref<10112x16xf32, #tpu.memory_space<hbm>>
    tpu.enqueue_indirect_dma source(%dma_start3A_71 : memref<10112x16xf32, #tpu.memory_space<hbm>>) target(%arg14 : memref<64x16xf32, #tpu.memory_space<vmem>>) offsets(%dma_start3A_68 : memref<64xi32, #tpu.memory_space<vmem>>) semaphore(%arg21 : memref<!tpu.dma_semaphore, #tpu.memory_space<semaphore_mem>>)
    %dma_start3A_72 = arith.constant 0 : i32
    %dma_start3A_73 = arith.constant 0 : i32
    %dma_start3A_74 = tpu.memref_slice %arg11[%dma_start3A_72, %dma_start3A_73] : memref<80x64xi32, #tpu.memory_space<vmem>> -> memref<1x64xi32, #tpu.memory_space<vmem>>
    %dma_start3A_75 = tpu.memref_squeeze %dma_start3A_74 : memref<1x64xi32, #tpu.memory_space<vmem>> -> memref<64xi32, #tpu.memory_space<vmem>>
    %dma_start3A_76 = arith.constant 0 : i32
    %dma_start3A_77 = arith.constant 0 : i32
    %dma_start3A_78 = tpu.memref_slice %arg6[%dma_start3A_76, %dma_start3A_77] : memref<10112x128xf32, #tpu.memory_space<hbm>> -> memref<10112x128xf32, #tpu.memory_space<hbm>>
    tpu.enqueue_indirect_dma source(%dma_start3A_78 : memref<10112x128xf32, #tpu.memory_space<hbm>>) target(%arg15 : memref<64x128xf32, #tpu.memory_space<vmem>>) offsets(%dma_start3A_75 : memref<64xi32, #tpu.memory_space<vmem>>) semaphore(%arg21 : memref<!tpu.dma_semaphore, #tpu.memory_space<semaphore_mem>>)
    %dma_start3A_79 = arith.constant 1 : i32
    %dma_start3A_80 = arith.constant 0 : i32
    %dma_start3A_81 = tpu.memref_slice %arg11[%dma_start3A_79, %dma_start3A_80] : memref<80x64xi32, #tpu.memory_space<vmem>> -> memref<1x64xi32, #tpu.memory_space<vmem>>
    %dma_start3A_82 = tpu.memref_squeeze %dma_start3A_81 : memref<1x64xi32, #tpu.memory_space<vmem>> -> memref<64xi32, #tpu.memory_space<vmem>>
    %dma_start3A_83 = arith.constant 0 : i32
    %dma_start3A_84 = arith.constant 0 : i32
    %dma_start3A_85 = tpu.memref_slice %arg4[%dma_start3A_83, %dma_start3A_84] : memref<10112x16xf32, #tpu.memory_space<hbm>> -> memref<10112x16xf32, #tpu.memory_space<hbm>>
    tpu.enqueue_indirect_dma source(%dma_start3A_85 : memref<10112x16xf32, #tpu.memory_space<hbm>>) target(%arg16 : memref<64x16xf32, #tpu.memory_space<vmem>>) offsets(%dma_start3A_82 : memref<64xi32, #tpu.memory_space<vmem>>) semaphore(%arg22 : memref<!tpu.dma_semaphore, #tpu.memory_space<semaphore_mem>>)
    %dma_start3A_86 = arith.constant 1 : i32
    %dma_start3A_87 = arith.constant 0 : i32
    %dma_start3A_88 = tpu.memref_slice %arg12[%dma_start3A_86, %dma_start3A_87] : memref<80x64xi32, #tpu.memory_space<vmem>> -> memref<1x64xi32, #tpu.memory_space<vmem>>
    %dma_start3A_89 = tpu.memref_squeeze %dma_start3A_88 : memref<1x64xi32, #tpu.memory_space<vmem>> -> memref<64xi32, #tpu.memory_space<vmem>>
    %dma_start3A_90 = arith.constant 0 : i32
    %dma_start3A_91 = arith.constant 0 : i32
    %dma_start3A_92 = tpu.memref_slice %arg5[%dma_start3A_90, %dma_start3A_91] : memref<10112x16xf32, #tpu.memory_space<hbm>> -> memref<10112x16xf32, #tpu.memory_space<hbm>>
    tpu.enqueue_indirect_dma source(%dma_start3A_92 : memref<10112x16xf32, #tpu.memory_space<hbm>>) target(%arg17 : memref<64x16xf32, #tpu.memory_space<vmem>>) offsets(%dma_start3A_89 : memref<64xi32, #tpu.memory_space<vmem>>) semaphore(%arg22 : memref<!tpu.dma_semaphore, #tpu.memory_space<semaphore_mem>>)
    %dma_start3A_93 = arith.constant 1 : i32
    %dma_start3A_94 = arith.constant 0 : i32
    %dma_start3A_95 = tpu.memref_slice %arg11[%dma_start3A_93, %dma_start3A_94] : memref<80x64xi32, #tpu.memory_space<vmem>> -> memref<1x64xi32, #tpu.memory_space<vmem>>
    %dma_start3A_96 = tpu.memref_squeeze %dma_start3A_95 : memref<1x64xi32, #tpu.memory_space<vmem>> -> memref<64xi32, #tpu.memory_space<vmem>>
    %dma_start3A_97 = arith.constant 0 : i32
    %dma_start3A_98 = arith.constant 0 : i32
    %dma_start3A_99 = tpu.memref_slice %arg6[%dma_start3A_97, %dma_start3A_98] : memref<10112x128xf32, #tpu.memory_space<hbm>> -> memref<10112x128xf32, #tpu.memory_space<hbm>>
    tpu.enqueue_indirect_dma source(%dma_start3A_99 : memref<10112x128xf32, #tpu.memory_space<hbm>>) target(%arg18 : memref<64x128xf32, #tpu.memory_space<vmem>>) offsets(%dma_start3A_96 : memref<64xi32, #tpu.memory_space<vmem>>) semaphore(%arg22 : memref<!tpu.dma_semaphore, #tpu.memory_space<semaphore_mem>>)
    %scan3A_100 = arith.constant 0 : i32
    %scan3A_101 = arith.constant 40 : i32
    %scan3A_102 = arith.addi %scan3A_100, %scan3A_101 : i32
    %scan3A_103 = arith.constant 1 : i32
    scf.for %scan3A_108 = %scan3A_100 to %scan3A_102 step %scan3A_103  : i32 {
      %mul3A_109 = arith.constant 2 : i32
      %mul3A_110 = arith.muli %scan3A_108, %mul3A_109 : i32
      %add3A_111 = arith.constant 0 : i32
      %add3A_112 = arith.addi %add3A_111, %mul3A_110 : i32
      %dma_wait3A = arith.constant 0 : i32
      %dma_wait3A_113 = tpu.memref_slice %arg11[%add3A_112, %dma_wait3A] : memref<80x64xi32, #tpu.memory_space<vmem>> -> memref<1x64xi32, #tpu.memory_space<vmem>>
      %dma_wait3A_114 = tpu.memref_squeeze %dma_wait3A_113 : memref<1x64xi32, #tpu.memory_space<vmem>> -> memref<64xi32, #tpu.memory_space<vmem>>
      %dma_wait3A_115 = arith.constant 0 : i32
      %dma_wait3A_116 = arith.constant 0 : i32
      %dma_wait3A_117 = tpu.memref_slice %arg4[%dma_wait3A_115, %dma_wait3A_116] : memref<10112x16xf32, #tpu.memory_space<hbm>> -> memref<10112x16xf32, #tpu.memory_space<hbm>>
      tpu.wait_indirect_dma semaphore(%arg21 : memref<!tpu.dma_semaphore, #tpu.memory_space<semaphore_mem>>) src(%dma_wait3A_117 : memref<10112x16xf32, #tpu.memory_space<hbm>>) dst(%arg13 : memref<64x16xf32, #tpu.memory_space<vmem>>)
      %dma_wait3A_118 = arith.constant 0 : i32
      %dma_wait3A_119 = tpu.memref_slice %arg12[%add3A_112, %dma_wait3A_118] : memref<80x64xi32, #tpu.memory_space<vmem>> -> memref<1x64xi32, #tpu.memory_space<vmem>>
      %dma_wait3A_120 = tpu.memref_squeeze %dma_wait3A_119 : memref<1x64xi32, #tpu.memory_space<vmem>> -> memref<64xi32, #tpu.memory_space<vmem>>
      %dma_wait3A_121 = arith.constant 0 : i32
      %dma_wait3A_122 = arith.constant 0 : i32
      %dma_wait3A_123 = tpu.memref_slice %arg5[%dma_wait3A_121, %dma_wait3A_122] : memref<10112x16xf32, #tpu.memory_space<hbm>> -> memref<10112x16xf32, #tpu.memory_space<hbm>>
      tpu.wait_indirect_dma semaphore(%arg21 : memref<!tpu.dma_semaphore, #tpu.memory_space<semaphore_mem>>) src(%dma_wait3A_123 : memref<10112x16xf32, #tpu.memory_space<hbm>>) dst(%arg14 : memref<64x16xf32, #tpu.memory_space<vmem>>)
      %dma_wait3A_124 = arith.constant 0 : i32
      %dma_wait3A_125 = tpu.memref_slice %arg11[%add3A_112, %dma_wait3A_124] : memref<80x64xi32, #tpu.memory_space<vmem>> -> memref<1x64xi32, #tpu.memory_space<vmem>>
      %dma_wait3A_126 = tpu.memref_squeeze %dma_wait3A_125 : memref<1x64xi32, #tpu.memory_space<vmem>> -> memref<64xi32, #tpu.memory_space<vmem>>
      %dma_wait3A_127 = arith.constant 0 : i32
      %dma_wait3A_128 = arith.constant 0 : i32
      %dma_wait3A_129 = tpu.memref_slice %arg6[%dma_wait3A_127, %dma_wait3A_128] : memref<10112x128xf32, #tpu.memory_space<hbm>> -> memref<10112x128xf32, #tpu.memory_space<hbm>>
      tpu.wait_indirect_dma semaphore(%arg21 : memref<!tpu.dma_semaphore, #tpu.memory_space<semaphore_mem>>) src(%dma_wait3A_129 : memref<10112x128xf32, #tpu.memory_space<hbm>>) dst(%arg15 : memref<64x128xf32, #tpu.memory_space<vmem>>)
      %parallel_loop3A = arith.constant 0 : i32
      %parallel_loop3A_130 = arith.constant 64 : i32
      %parallel_loop3A_131 = arith.constant 1 : i32
      scf.for %parallel_loop3A_216 = %parallel_loop3A to %parallel_loop3A_130 step %parallel_loop3A_131  : i32 {
        %parallel_loop3A_217 = arith.index_cast %parallel_loop3A_216 : i32 to index
        %parallel_loop3A_218 = arith.constant 0 : index
        %parallel_loop3A_219 = tpu.vector_load %arg13[%parallel_loop3A_217, %parallel_loop3A_218] {strides = array<i32>} : memref<64x16xf32, #tpu.memory_space<vmem>>, vector<16xf32>,
        %parallel_loop3A_220 = arith.index_cast %parallel_loop3A_216 : i32 to index
        %parallel_loop3A_221 = arith.constant 0 : index
        %parallel_loop3A_222 = tpu.vector_load %arg14[%parallel_loop3A_220, %parallel_loop3A_221] {strides = array<i32>} : memref<64x16xf32, #tpu.memory_space<vmem>>, vector<16xf32>,
        %parallel_loop3A_223 = arith.addf %parallel_loop3A_219, %parallel_loop3A_222 : vector<16xf32>
        %parallel_loop3A_224 = arith.constant 2.000000e-01 : f32
        %parallel_loop3A_225 = vector.broadcast %parallel_loop3A_224 : f32 to vector<16xf32>
        %parallel_loop3A_226 = arith.mulf %parallel_loop3A_223, %parallel_loop3A_225 : vector<16xf32>
        %parallel_loop3A_227 = arith.maximumf %parallel_loop3A_223, %parallel_loop3A_226 : vector<16xf32>
        %parallel_loop3A_228 = math.exp %parallel_loop3A_227 : vector<16xf32>
        %parallel_loop3A_229 = arith.index_cast %parallel_loop3A_216 : i32 to index
        %parallel_loop3A_230 = arith.constant 0 : index
        %parallel_loop3A_231 = tpu.vector_load %arg13[%parallel_loop3A_229, %parallel_loop3A_230] {strides = array<i32>} : memref<64x16xf32, #tpu.memory_space<vmem>>, vector<16xf32>,
        tpu.vector_store %arg13[%parallel_loop3A_229, %parallel_loop3A_230], %parallel_loop3A_228 {strides = array<i32>} : memref<64x16xf32, #tpu.memory_space<vmem>>, vector<16xf32>,
        %parallel_loop3A_232 = arith.index_cast %parallel_loop3A_216 : i32 to index
        %parallel_loop3A_233 = arith.constant 0 : index
        %parallel_loop3A_234 = tpu.vector_load %arg15[%parallel_loop3A_232, %parallel_loop3A_233] {strides = array<i32>} : memref<64x128xf32, #tpu.memory_space<vmem>>, vector<16xf32>,
        %parallel_loop3A_235 = arith.constant 0 : i32
        %parallel_loop3A_236 = vector.broadcast %parallel_loop3A_235 : i32 to vector<16x1xi32>
        %parallel_loop3A_237 = vector.shape_cast %parallel_loop3A_236 : vector<16x1xi32> to vector<16xi32>
        %parallel_loop3A_238 = tpu.dynamic_gather %parallel_loop3A_228[%parallel_loop3A_237] in [0] : vector<16xf32>, vector<16xi32> -> vector<16xf32>
        %parallel_loop3A_239 = arith.mulf %parallel_loop3A_234, %parallel_loop3A_238 : vector<16xf32>
        %parallel_loop3A_240 = arith.index_cast %parallel_loop3A_216 : i32 to index
        %parallel_loop3A_241 = arith.constant 0 : index
        %parallel_loop3A_242 = tpu.vector_load %arg15[%parallel_loop3A_240, %parallel_loop3A_241] {strides = array<i32>} : memref<64x128xf32, #tpu.memory_space<vmem>>, vector<16xf32>,
        tpu.vector_store %arg15[%parallel_loop3A_240, %parallel_loop3A_241], %parallel_loop3A_239 {strides = array<i32>} : memref<64x128xf32, #tpu.memory_space<vmem>>, vector<16xf32>,
        %parallel_loop3A_243 = arith.index_cast %parallel_loop3A_216 : i32 to index
        %parallel_loop3A_244 = arith.constant 16 : index
        %parallel_loop3A_245 = tpu.vector_load %arg15[%parallel_loop3A_243, %parallel_loop3A_244] {strides = array<i32>} : memref<64x128xf32, #tpu.memory_space<vmem>>, vector<16xf32>,
        %parallel_loop3A_246 = arith.constant 1 : i32
        %parallel_loop3A_247 = vector.broadcast %parallel_loop3A_246 : i32 to vector<16x1xi32>
        %parallel_loop3A_248 = vector.shape_cast %parallel_loop3A_247 : vector<16x1xi32> to vector<16xi32>
        %parallel_loop3A_249 = tpu.dynamic_gather %parallel_loop3A_228[%parallel_loop3A_248] in [0] : vector<16xf32>, vector<16xi32> -> vector<16xf32>
        %parallel_loop3A_250 = arith.mulf %parallel_loop3A_245, %parallel_loop3A_249 : vector<16xf32>
        %parallel_loop3A_251 = arith.index_cast %parallel_loop3A_216 : i32 to index
        %parallel_loop3A_252 = arith.constant 16 : index
        %parallel_loop3A_253 = tpu.vector_load %arg15[%parallel_loop3A_251, %parallel_loop3A_252] {strides = array<i32>} : memref<64x128xf32, #tpu.memory_space<vmem>>, vector<16xf32>,
        tpu.vector_store %arg15[%parallel_loop3A_251, %parallel_loop3A_252], %parallel_loop3A_250 {strides = array<i32>} : memref<64x128xf32, #tpu.memory_space<vmem>>, vector<16xf32>,
        %parallel_loop3A_254 = arith.index_cast %parallel_loop3A_216 : i32 to index
        %parallel_loop3A_255 = arith.constant 32 : index
        %parallel_loop3A_256 = tpu.vector_load %arg15[%parallel_loop3A_254, %parallel_loop3A_255] {strides = array<i32>} : memref<64x128xf32, #tpu.memory_space<vmem>>, vector<16xf32>,
        %parallel_loop3A_257 = arith.constant 2 : i32
        %parallel_loop3A_258 = vector.broadcast %parallel_loop3A_257 : i32 to vector<16x1xi32>
        %parallel_loop3A_259 = vector.shape_cast %parallel_loop3A_258 : vector<16x1xi32> to vector<16xi32>
        %parallel_loop3A_260 = tpu.dynamic_gather %parallel_loop3A_228[%parallel_loop3A_259] in [0] : vector<16xf32>, vector<16xi32> -> vector<16xf32>
        %parallel_loop3A_261 = arith.mulf %parallel_loop3A_256, %parallel_loop3A_260 : vector<16xf32>
        %parallel_loop3A_262 = arith.index_cast %parallel_loop3A_216 : i32 to index
        %parallel_loop3A_263 = arith.constant 32 : index
        %parallel_loop3A_264 = tpu.vector_load %arg15[%parallel_loop3A_262, %parallel_loop3A_263] {strides = array<i32>} : memref<64x128xf32, #tpu.memory_space<vmem>>, vector<16xf32>,
        tpu.vector_store %arg15[%parallel_loop3A_262, %parallel_loop3A_263], %parallel_loop3A_261 {strides = array<i32>} : memref<64x128xf32, #tpu.memory_space<vmem>>, vector<16xf32>,
        %parallel_loop3A_265 = arith.index_cast %parallel_loop3A_216 : i32 to index
        %parallel_loop3A_266 = arith.constant 48 : index
        %parallel_loop3A_267 = tpu.vector_load %arg15[%parallel_loop3A_265, %parallel_loop3A_266] {strides = array<i32>} : memref<64x128xf32, #tpu.memory_space<vmem>>, vector<16xf32>,
        %parallel_loop3A_268 = arith.constant 3 : i32
        %parallel_loop3A_269 = vector.broadcast %parallel_loop3A_268 : i32 to vector<16x1xi32>
        %parallel_loop3A_270 = vector.shape_cast %parallel_loop3A_269 : vector<16x1xi32> to vector<16xi32>
        %parallel_loop3A_271 = tpu.dynamic_gather %parallel_loop3A_228[%parallel_loop3A_270] in [0] : vector<16xf32>, vector<16xi32> -> vector<16xf32>
        %parallel_loop3A_272 = arith.mulf %parallel_loop3A_267, %parallel_loop3A_271 : vector<16xf32>
        %parallel_loop3A_273 = arith.index_cast %parallel_loop3A_216 : i32 to index
        %parallel_loop3A_274 = arith.constant 48 : index
        %parallel_loop3A_275 = tpu.vector_load %arg15[%parallel_loop3A_273, %parallel_loop3A_274] {strides = array<i32>} : memref<64x128xf32, #tpu.memory_space<vmem>>, vector<16xf32>,
        tpu.vector_store %arg15[%parallel_loop3A_273, %parallel_loop3A_274], %parallel_loop3A_272 {strides = array<i32>} : memref<64x128xf32, #tpu.memory_space<vmem>>, vector<16xf32>,
        %parallel_loop3A_276 = arith.index_cast %parallel_loop3A_216 : i32 to index
        %parallel_loop3A_277 = arith.constant 64 : index
        %parallel_loop3A_278 = tpu.vector_load %arg15[%parallel_loop3A_276, %parallel_loop3A_277] {strides = array<i32>} : memref<64x128xf32, #tpu.memory_space<vmem>>, vector<16xf32>,
        %parallel_loop3A_279 = arith.constant 4 : i32
        %parallel_loop3A_280 = vector.broadcast %parallel_loop3A_279 : i32 to vector<16x1xi32>
        %parallel_loop3A_281 = vector.shape_cast %parallel_loop3A_280 : vector<16x1xi32> to vector<16xi32>
        %parallel_loop3A_282 = tpu.dynamic_gather %parallel_loop3A_228[%parallel_loop3A_281] in [0] : vector<16xf32>, vector<16xi32> -> vector<16xf32>
        %parallel_loop3A_283 = arith.mulf %parallel_loop3A_278, %parallel_loop3A_282 : vector<16xf32>
        %parallel_loop3A_284 = arith.index_cast %parallel_loop3A_216 : i32 to index
        %parallel_loop3A_285 = arith.constant 64 : index
        %parallel_loop3A_286 = tpu.vector_load %arg15[%parallel_loop3A_284, %parallel_loop3A_285] {strides = array<i32>} : memref<64x128xf32, #tpu.memory_space<vmem>>, vector<16xf32>,
        tpu.vector_store %arg15[%parallel_loop3A_284, %parallel_loop3A_285], %parallel_loop3A_283 {strides = array<i32>} : memref<64x128xf32, #tpu.memory_space<vmem>>, vector<16xf32>,
        %parallel_loop3A_287 = arith.index_cast %parallel_loop3A_216 : i32 to index
        %parallel_loop3A_288 = arith.constant 80 : index
        %parallel_loop3A_289 = tpu.vector_load %arg15[%parallel_loop3A_287, %parallel_loop3A_288] {strides = array<i32>} : memref<64x128xf32, #tpu.memory_space<vmem>>, vector<16xf32>,
        %parallel_loop3A_290 = arith.constant 5 : i32
        %parallel_loop3A_291 = vector.broadcast %parallel_loop3A_290 : i32 to vector<16x1xi32>
        %parallel_loop3A_292 = vector.shape_cast %parallel_loop3A_291 : vector<16x1xi32> to vector<16xi32>
        %parallel_loop3A_293 = tpu.dynamic_gather %parallel_loop3A_228[%parallel_loop3A_292] in [0] : vector<16xf32>, vector<16xi32> -> vector<16xf32>
        %parallel_loop3A_294 = arith.mulf %parallel_loop3A_289, %parallel_loop3A_293 : vector<16xf32>
        %parallel_loop3A_295 = arith.index_cast %parallel_loop3A_216 : i32 to index
        %parallel_loop3A_296 = arith.constant 80 : index
        %parallel_loop3A_297 = tpu.vector_load %arg15[%parallel_loop3A_295, %parallel_loop3A_296] {strides = array<i32>} : memref<64x128xf32, #tpu.memory_space<vmem>>, vector<16xf32>,
        tpu.vector_store %arg15[%parallel_loop3A_295, %parallel_loop3A_296], %parallel_loop3A_294 {strides = array<i32>} : memref<64x128xf32, #tpu.memory_space<vmem>>, vector<16xf32>,
        %parallel_loop3A_298 = arith.index_cast %parallel_loop3A_216 : i32 to index
        %parallel_loop3A_299 = arith.constant 96 : index
        %parallel_loop3A_300 = tpu.vector_load %arg15[%parallel_loop3A_298, %parallel_loop3A_299] {strides = array<i32>} : memref<64x128xf32, #tpu.memory_space<vmem>>, vector<16xf32>,
        %parallel_loop3A_301 = arith.constant 6 : i32
        %parallel_loop3A_302 = vector.broadcast %parallel_loop3A_301 : i32 to vector<16x1xi32>
        %parallel_loop3A_303 = vector.shape_cast %parallel_loop3A_302 : vector<16x1xi32> to vector<16xi32>
        %parallel_loop3A_304 = tpu.dynamic_gather %parallel_loop3A_228[%parallel_loop3A_303] in [0] : vector<16xf32>, vector<16xi32> -> vector<16xf32>
        %parallel_loop3A_305 = arith.mulf %parallel_loop3A_300, %parallel_loop3A_304 : vector<16xf32>
        %parallel_loop3A_306 = arith.index_cast %parallel_loop3A_216 : i32 to index
        %parallel_loop3A_307 = arith.constant 96 : index
        %parallel_loop3A_308 = tpu.vector_load %arg15[%parallel_loop3A_306, %parallel_loop3A_307] {strides = array<i32>} : memref<64x128xf32, #tpu.memory_space<vmem>>, vector<16xf32>,
        tpu.vector_store %arg15[%parallel_loop3A_306, %parallel_loop3A_307], %parallel_loop3A_305 {strides = array<i32>} : memref<64x128xf32, #tpu.memory_space<vmem>>, vector<16xf32>,
        %parallel_loop3A_309 = arith.index_cast %parallel_loop3A_216 : i32 to index
        %parallel_loop3A_310 = arith.constant 112 : index
        %parallel_loop3A_311 = tpu.vector_load %arg15[%parallel_loop3A_309, %parallel_loop3A_310] {strides = array<i32>} : memref<64x128xf32, #tpu.memory_space<vmem>>, vector<16xf32>,
        %parallel_loop3A_312 = arith.constant 7 : i32
        %parallel_loop3A_313 = vector.broadcast %parallel_loop3A_312 : i32 to vector<16x1xi32>
        %parallel_loop3A_314 = vector.shape_cast %parallel_loop3A_313 : vector<16x1xi32> to vector<16xi32>
        %parallel_loop3A_315 = tpu.dynamic_gather %parallel_loop3A_228[%parallel_loop3A_314] in [0] : vector<16xf32>, vector<16xi32> -> vector<16xf32>
        %parallel_loop3A_316 = arith.mulf %parallel_loop3A_311, %parallel_loop3A_315 : vector<16xf32>
        %parallel_loop3A_317 = arith.index_cast %parallel_loop3A_216 : i32 to index
        %parallel_loop3A_318 = arith.constant 112 : index
        %parallel_loop3A_319 = tpu.vector_load %arg15[%parallel_loop3A_317, %parallel_loop3A_318] {strides = array<i32>} : memref<64x128xf32, #tpu.memory_space<vmem>>, vector<16xf32>,
        tpu.vector_store %arg15[%parallel_loop3A_317, %parallel_loop3A_318], %parallel_loop3A_316 {strides = array<i32>} : memref<64x128xf32, #tpu.memory_space<vmem>>, vector<16xf32>,
      } {sc.loop_unroll_factor = 4 : i64, sc.parallel_access}
      %dma_start3A_132 = arith.constant 0 : i32
      %dma_start3A_133 = tpu.memref_slice %arg12[%add3A_112, %dma_start3A_132] : memref<80x64xi32, #tpu.memory_space<vmem>> -> memref<1x64xi32, #tpu.memory_space<vmem>>
      %dma_start3A_134 = tpu.memref_squeeze %dma_start3A_133 : memref<1x64xi32, #tpu.memory_space<vmem>> -> memref<64xi32, #tpu.memory_space<vmem>>
      %dma_start3A_135 = arith.constant 0 : i32
      %dma_start3A_136 = arith.constant 0 : i32
      %dma_start3A_137 = tpu.memref_slice %arg20[%dma_start3A_135, %dma_start3A_136] : memref<10112x128xf32, #tpu.memory_space<vmem_shared>> -> memref<10112x128xf32, #tpu.memory_space<vmem_shared>>
      tpu.enqueue_indirect_dma source(%arg15 : memref<64x128xf32, #tpu.memory_space<vmem>>) target(%dma_start3A_137 : memref<10112x128xf32, #tpu.memory_space<vmem_shared>>) offsets(%dma_start3A_134 : memref<64xi32, #tpu.memory_space<vmem>>) semaphore(%arg23 : memref<!tpu.dma_semaphore, #tpu.memory_space<semaphore_mem>>) {add = true}
      %dma_start3A_138 = arith.constant 0 : i32
      %dma_start3A_139 = tpu.memref_slice %arg12[%add3A_112, %dma_start3A_138] : memref<80x64xi32, #tpu.memory_space<vmem>> -> memref<1x64xi32, #tpu.memory_space<vmem>>
      %dma_start3A_140 = tpu.memref_squeeze %dma_start3A_139 : memref<1x64xi32, #tpu.memory_space<vmem>> -> memref<64xi32, #tpu.memory_space<vmem>>
      %dma_start3A_141 = arith.constant 0 : i32
      %dma_start3A_142 = arith.constant 0 : i32
      %dma_start3A_143 = tpu.memref_slice %arg19[%dma_start3A_141, %dma_start3A_142] : memref<10112x16xf32, #tpu.memory_space<vmem_shared>> -> memref<10112x16xf32, #tpu.memory_space<vmem_shared>>
      tpu.enqueue_indirect_dma source(%arg13 : memref<64x16xf32, #tpu.memory_space<vmem>>) target(%dma_start3A_143 : memref<10112x16xf32, #tpu.memory_space<vmem_shared>>) offsets(%dma_start3A_140 : memref<64xi32, #tpu.memory_space<vmem>>) semaphore(%arg23 : memref<!tpu.dma_semaphore, #tpu.memory_space<semaphore_mem>>) {add = true}
      %dma_wait3A_144 = arith.constant 0 : i32
      %dma_wait3A_145 = tpu.memref_slice %arg12[%add3A_112, %dma_wait3A_144] : memref<80x64xi32, #tpu.memory_space<vmem>> -> memref<1x64xi32, #tpu.memory_space<vmem>>
      %dma_wait3A_146 = tpu.memref_squeeze %dma_wait3A_145 : memref<1x64xi32, #tpu.memory_space<vmem>> -> memref<64xi32, #tpu.memory_space<vmem>>
      %dma_wait3A_147 = arith.constant 0 : i32
      %dma_wait3A_148 = arith.constant 0 : i32
      %dma_wait3A_149 = tpu.memref_slice %arg20[%dma_wait3A_147, %dma_wait3A_148] : memref<10112x128xf32, #tpu.memory_space<vmem_shared>> -> memref<10112x128xf32, #tpu.memory_space<vmem_shared>>
      tpu.wait_indirect_dma semaphore(%arg23 : memref<!tpu.dma_semaphore, #tpu.memory_space<semaphore_mem>>) src(%arg15 : memref<64x128xf32, #tpu.memory_space<vmem>>) dst(%dma_wait3A_149 : memref<10112x128xf32, #tpu.memory_space<vmem_shared>>)
      %dma_wait3A_150 = arith.constant 0 : i32
      %dma_wait3A_151 = tpu.memref_slice %arg12[%add3A_112, %dma_wait3A_150] : memref<80x64xi32, #tpu.memory_space<vmem>> -> memref<1x64xi32, #tpu.memory_space<vmem>>
      %dma_wait3A_152 = tpu.memref_squeeze %dma_wait3A_151 : memref<1x64xi32, #tpu.memory_space<vmem>> -> memref<64xi32, #tpu.memory_space<vmem>>
      %dma_wait3A_153 = arith.constant 0 : i32
      %dma_wait3A_154 = arith.constant 0 : i32
      %dma_wait3A_155 = tpu.memref_slice %arg19[%dma_wait3A_153, %dma_wait3A_154] : memref<10112x16xf32, #tpu.memory_space<vmem_shared>> -> memref<10112x16xf32, #tpu.memory_space<vmem_shared>>
      tpu.wait_indirect_dma semaphore(%arg23 : memref<!tpu.dma_semaphore, #tpu.memory_space<semaphore_mem>>) src(%arg13 : memref<64x16xf32, #tpu.memory_space<vmem>>) dst(%dma_wait3A_155 : memref<10112x16xf32, #tpu.memory_space<vmem_shared>>)
      %add3A_156 = arith.constant 2 : i32
      %add3A_157 = arith.addi %add3A_112, %add3A_156 : i32
      %lt3A = arith.constant 80 : i32
      %lt3A_158 = arith.cmpi slt, %add3A_157, %lt3A : i32
      %convert_element_type3A_159 = arith.extui %lt3A_158 : i1 to i32
      %cond3A_160 = arith.constant 0 : i32
      %cond3A_161 = arith.cmpi ne, %convert_element_type3A_159, %cond3A_160 : i32
      scf.if %cond3A_161 {
        %add3A_216 = arith.constant 2 : i32
        %add3A_217 = arith.addi %add3A_112, %add3A_216 : i32
        %dma_start3A_218 = arith.constant 0 : i32
        %dma_start3A_219 = tpu.memref_slice %arg11[%add3A_217, %dma_start3A_218] : memref<80x64xi32, #tpu.memory_space<vmem>> -> memref<1x64xi32, #tpu.memory_space<vmem>>
        %dma_start3A_220 = tpu.memref_squeeze %dma_start3A_219 : memref<1x64xi32, #tpu.memory_space<vmem>> -> memref<64xi32, #tpu.memory_space<vmem>>
        %dma_start3A_221 = arith.constant 0 : i32
        %dma_start3A_222 = arith.constant 0 : i32
        %dma_start3A_223 = tpu.memref_slice %arg4[%dma_start3A_221, %dma_start3A_222] : memref<10112x16xf32, #tpu.memory_space<hbm>> -> memref<10112x16xf32, #tpu.memory_space<hbm>>
        tpu.enqueue_indirect_dma source(%dma_start3A_223 : memref<10112x16xf32, #tpu.memory_space<hbm>>) target(%arg13 : memref<64x16xf32, #tpu.memory_space<vmem>>) offsets(%dma_start3A_220 : memref<64xi32, #tpu.memory_space<vmem>>) semaphore(%arg21 : memref<!tpu.dma_semaphore, #tpu.memory_space<semaphore_mem>>)
        %dma_start3A_224 = arith.constant 0 : i32
        %dma_start3A_225 = tpu.memref_slice %arg12[%add3A_217, %dma_start3A_224] : memref<80x64xi32, #tpu.memory_space<vmem>> -> memref<1x64xi32, #tpu.memory_space<vmem>>
        %dma_start3A_226 = tpu.memref_squeeze %dma_start3A_225 : memref<1x64xi32, #tpu.memory_space<vmem>> -> memref<64xi32, #tpu.memory_space<vmem>>
        %dma_start3A_227 = arith.constant 0 : i32
        %dma_start3A_228 = arith.constant 0 : i32
        %dma_start3A_229 = tpu.memref_slice %arg5[%dma_start3A_227, %dma_start3A_228] : memref<10112x16xf32, #tpu.memory_space<hbm>> -> memref<10112x16xf32, #tpu.memory_space<hbm>>
        tpu.enqueue_indirect_dma source(%dma_start3A_229 : memref<10112x16xf32, #tpu.memory_space<hbm>>) target(%arg14 : memref<64x16xf32, #tpu.memory_space<vmem>>) offsets(%dma_start3A_226 : memref<64xi32, #tpu.memory_space<vmem>>) semaphore(%arg21 : memref<!tpu.dma_semaphore, #tpu.memory_space<semaphore_mem>>)
        %dma_start3A_230 = arith.constant 0 : i32
        %dma_start3A_231 = tpu.memref_slice %arg11[%add3A_217, %dma_start3A_230] : memref<80x64xi32, #tpu.memory_space<vmem>> -> memref<1x64xi32, #tpu.memory_space<vmem>>
        %dma_start3A_232 = tpu.memref_squeeze %dma_start3A_231 : memref<1x64xi32, #tpu.memory_space<vmem>> -> memref<64xi32, #tpu.memory_space<vmem>>
        %dma_start3A_233 = arith.constant 0 : i32
        %dma_start3A_234 = arith.constant 0 : i32
        %dma_start3A_235 = tpu.memref_slice %arg6[%dma_start3A_233, %dma_start3A_234] : memref<10112x128xf32, #tpu.memory_space<hbm>> -> memref<10112x128xf32, #tpu.memory_space<hbm>>
        tpu.enqueue_indirect_dma source(%dma_start3A_235 : memref<10112x128xf32, #tpu.memory_space<hbm>>) target(%arg15 : memref<64x128xf32, #tpu.memory_space<vmem>>) offsets(%dma_start3A_232 : memref<64xi32, #tpu.memory_space<vmem>>) semaphore(%arg21 : memref<!tpu.dma_semaphore, #tpu.memory_space<semaphore_mem>>)
      } else {
      }
      %add3A_162 = arith.constant 1 : i32
      %add3A_163 = arith.addi %add3A_112, %add3A_162 : i32
      %dma_wait3A_164 = arith.constant 0 : i32
      %dma_wait3A_165 = tpu.memref_slice %arg11[%add3A_163, %dma_wait3A_164] : memref<80x64xi32, #tpu.memory_space<vmem>> -> memref<1x64xi32, #tpu.memory_space<vmem>>
      %dma_wait3A_166 = tpu.memref_squeeze %dma_wait3A_165 : memref<1x64xi32, #tpu.memory_space<vmem>> -> memref<64xi32, #tpu.memory_space<vmem>>
      %dma_wait3A_167 = arith.constant 0 : i32
      %dma_wait3A_168 = arith.constant 0 : i32
      %dma_wait3A_169 = tpu.memref_slice %arg4[%dma_wait3A_167, %dma_wait3A_168] : memref<10112x16xf32, #tpu.memory_space<hbm>> -> memref<10112x16xf32, #tpu.memory_space<hbm>>
      tpu.wait_indirect_dma semaphore(%arg22 : memref<!tpu.dma_semaphore, #tpu.memory_space<semaphore_mem>>) src(%dma_wait3A_169 : memref<10112x16xf32, #tpu.memory_space<hbm>>) dst(%arg16 : memref<64x16xf32, #tpu.memory_space<vmem>>)
      %dma_wait3A_170 = arith.constant 0 : i32
      %dma_wait3A_171 = tpu.memref_slice %arg12[%add3A_163, %dma_wait3A_170] : memref<80x64xi32, #tpu.memory_space<vmem>> -> memref<1x64xi32, #tpu.memory_space<vmem>>
      %dma_wait3A_172 = tpu.memref_squeeze %dma_wait3A_171 : memref<1x64xi32, #tpu.memory_space<vmem>> -> memref<64xi32, #tpu.memory_space<vmem>>
      %dma_wait3A_173 = arith.constant 0 : i32
      %dma_wait3A_174 = arith.constant 0 : i32
      %dma_wait3A_175 = tpu.memref_slice %arg5[%dma_wait3A_173, %dma_wait3A_174] : memref<10112x16xf32, #tpu.memory_space<hbm>> -> memref<10112x16xf32, #tpu.memory_space<hbm>>
      tpu.wait_indirect_dma semaphore(%arg22 : memref<!tpu.dma_semaphore, #tpu.memory_space<semaphore_mem>>) src(%dma_wait3A_175 : memref<10112x16xf32, #tpu.memory_space<hbm>>) dst(%arg17 : memref<64x16xf32, #tpu.memory_space<vmem>>)
      %dma_wait3A_176 = arith.constant 0 : i32
      %dma_wait3A_177 = tpu.memref_slice %arg11[%add3A_163, %dma_wait3A_176] : memref<80x64xi32, #tpu.memory_space<vmem>> -> memref<1x64xi32, #tpu.memory_space<vmem>>
      %dma_wait3A_178 = tpu.memref_squeeze %dma_wait3A_177 : memref<1x64xi32, #tpu.memory_space<vmem>> -> memref<64xi32, #tpu.memory_space<vmem>>
      %dma_wait3A_179 = arith.constant 0 : i32
      %dma_wait3A_180 = arith.constant 0 : i32
      %dma_wait3A_181 = tpu.memref_slice %arg6[%dma_wait3A_179, %dma_wait3A_180] : memref<10112x128xf32, #tpu.memory_space<hbm>> -> memref<10112x128xf32, #tpu.memory_space<hbm>>
      tpu.wait_indirect_dma semaphore(%arg22 : memref<!tpu.dma_semaphore, #tpu.memory_space<semaphore_mem>>) src(%dma_wait3A_181 : memref<10112x128xf32, #tpu.memory_space<hbm>>) dst(%arg18 : memref<64x128xf32, #tpu.memory_space<vmem>>)
      %parallel_loop3A_182 = arith.constant 0 : i32
      %parallel_loop3A_183 = arith.constant 64 : i32
      %parallel_loop3A_184 = arith.constant 1 : i32
      scf.for %parallel_loop3A_216 = %parallel_loop3A_182 to %parallel_loop3A_183 step %parallel_loop3A_184  : i32 {
        %parallel_loop3A_217 = arith.index_cast %parallel_loop3A_216 : i32 to index
        %parallel_loop3A_218 = arith.constant 0 : index
        %parallel_loop3A_219 = tpu.vector_load %arg16[%parallel_loop3A_217, %parallel_loop3A_218] {strides = array<i32>} : memref<64x16xf32, #tpu.memory_space<vmem>>, vector<16xf32>,
        %parallel_loop3A_220 = arith.index_cast %parallel_loop3A_216 : i32 to index
        %parallel_loop3A_221 = arith.constant 0 : index
        %parallel_loop3A_222 = tpu.vector_load %arg17[%parallel_loop3A_220, %parallel_loop3A_221] {strides = array<i32>} : memref<64x16xf32, #tpu.memory_space<vmem>>, vector<16xf32>,
        %parallel_loop3A_223 = arith.addf %parallel_loop3A_219, %parallel_loop3A_222 : vector<16xf32>
        %parallel_loop3A_224 = arith.constant 2.000000e-01 : f32
        %parallel_loop3A_225 = vector.broadcast %parallel_loop3A_224 : f32 to vector<16xf32>
        %parallel_loop3A_226 = arith.mulf %parallel_loop3A_223, %parallel_loop3A_225 : vector<16xf32>
        %parallel_loop3A_227 = arith.maximumf %parallel_loop3A_223, %parallel_loop3A_226 : vector<16xf32>
        %parallel_loop3A_228 = math.exp %parallel_loop3A_227 : vector<16xf32>
        %parallel_loop3A_229 = arith.index_cast %parallel_loop3A_216 : i32 to index
        %parallel_loop3A_230 = arith.constant 0 : index
        %parallel_loop3A_231 = tpu.vector_load %arg16[%parallel_loop3A_229, %parallel_loop3A_230] {strides = array<i32>} : memref<64x16xf32, #tpu.memory_space<vmem>>, vector<16xf32>,
        tpu.vector_store %arg16[%parallel_loop3A_229, %parallel_loop3A_230], %parallel_loop3A_228 {strides = array<i32>} : memref<64x16xf32, #tpu.memory_space<vmem>>, vector<16xf32>,
        %parallel_loop3A_232 = arith.index_cast %parallel_loop3A_216 : i32 to index
        %parallel_loop3A_233 = arith.constant 0 : index
        %parallel_loop3A_234 = tpu.vector_load %arg18[%parallel_loop3A_232, %parallel_loop3A_233] {strides = array<i32>} : memref<64x128xf32, #tpu.memory_space<vmem>>, vector<16xf32>,
        %parallel_loop3A_235 = arith.constant 0 : i32
        %parallel_loop3A_236 = vector.broadcast %parallel_loop3A_235 : i32 to vector<16x1xi32>
        %parallel_loop3A_237 = vector.shape_cast %parallel_loop3A_236 : vector<16x1xi32> to vector<16xi32>
        %parallel_loop3A_238 = tpu.dynamic_gather %parallel_loop3A_228[%parallel_loop3A_237] in [0] : vector<16xf32>, vector<16xi32> -> vector<16xf32>
        %parallel_loop3A_239 = arith.mulf %parallel_loop3A_234, %parallel_loop3A_238 : vector<16xf32>
        %parallel_loop3A_240 = arith.index_cast %parallel_loop3A_216 : i32 to index
        %parallel_loop3A_241 = arith.constant 0 : index
        %parallel_loop3A_242 = tpu.vector_load %arg18[%parallel_loop3A_240, %parallel_loop3A_241] {strides = array<i32>} : memref<64x128xf32, #tpu.memory_space<vmem>>, vector<16xf32>,
        tpu.vector_store %arg18[%parallel_loop3A_240, %parallel_loop3A_241], %parallel_loop3A_239 {strides = array<i32>} : memref<64x128xf32, #tpu.memory_space<vmem>>, vector<16xf32>,
        %parallel_loop3A_243 = arith.index_cast %parallel_loop3A_216 : i32 to index
        %parallel_loop3A_244 = arith.constant 16 : index
        %parallel_loop3A_245 = tpu.vector_load %arg18[%parallel_loop3A_243, %parallel_loop3A_244] {strides = array<i32>} : memref<64x128xf32, #tpu.memory_space<vmem>>, vector<16xf32>,
        %parallel_loop3A_246 = arith.constant 1 : i32
        %parallel_loop3A_247 = vector.broadcast %parallel_loop3A_246 : i32 to vector<16x1xi32>
        %parallel_loop3A_248 = vector.shape_cast %parallel_loop3A_247 : vector<16x1xi32> to vector<16xi32>
        %parallel_loop3A_249 = tpu.dynamic_gather %parallel_loop3A_228[%parallel_loop3A_248] in [0] : vector<16xf32>, vector<16xi32> -> vector<16xf32>
        %parallel_loop3A_250 = arith.mulf %parallel_loop3A_245, %parallel_loop3A_249 : vector<16xf32>
        %parallel_loop3A_251 = arith.index_cast %parallel_loop3A_216 : i32 to index
        %parallel_loop3A_252 = arith.constant 16 : index
        %parallel_loop3A_253 = tpu.vector_load %arg18[%parallel_loop3A_251, %parallel_loop3A_252] {strides = array<i32>} : memref<64x128xf32, #tpu.memory_space<vmem>>, vector<16xf32>,
        tpu.vector_store %arg18[%parallel_loop3A_251, %parallel_loop3A_252], %parallel_loop3A_250 {strides = array<i32>} : memref<64x128xf32, #tpu.memory_space<vmem>>, vector<16xf32>,
        %parallel_loop3A_254 = arith.index_cast %parallel_loop3A_216 : i32 to index
        %parallel_loop3A_255 = arith.constant 32 : index
        %parallel_loop3A_256 = tpu.vector_load %arg18[%parallel_loop3A_254, %parallel_loop3A_255] {strides = array<i32>} : memref<64x128xf32, #tpu.memory_space<vmem>>, vector<16xf32>,
        %parallel_loop3A_257 = arith.constant 2 : i32
        %parallel_loop3A_258 = vector.broadcast %parallel_loop3A_257 : i32 to vector<16x1xi32>
        %parallel_loop3A_259 = vector.shape_cast %parallel_loop3A_258 : vector<16x1xi32> to vector<16xi32>
        %parallel_loop3A_260 = tpu.dynamic_gather %parallel_loop3A_228[%parallel_loop3A_259] in [0] : vector<16xf32>, vector<16xi32> -> vector<16xf32>
        %parallel_loop3A_261 = arith.mulf %parallel_loop3A_256, %parallel_loop3A_260 : vector<16xf32>
        %parallel_loop3A_262 = arith.index_cast %parallel_loop3A_216 : i32 to index
        %parallel_loop3A_263 = arith.constant 32 : index
        %parallel_loop3A_264 = tpu.vector_load %arg18[%parallel_loop3A_262, %parallel_loop3A_263] {strides = array<i32>} : memref<64x128xf32, #tpu.memory_space<vmem>>, vector<16xf32>,
        tpu.vector_store %arg18[%parallel_loop3A_262, %parallel_loop3A_263], %parallel_loop3A_261 {strides = array<i32>} : memref<64x128xf32, #tpu.memory_space<vmem>>, vector<16xf32>,
        %parallel_loop3A_265 = arith.index_cast %parallel_loop3A_216 : i32 to index
        %parallel_loop3A_266 = arith.constant 48 : index
        %parallel_loop3A_267 = tpu.vector_load %arg18[%parallel_loop3A_265, %parallel_loop3A_266] {strides = array<i32>} : memref<64x128xf32, #tpu.memory_space<vmem>>, vector<16xf32>,
        %parallel_loop3A_268 = arith.constant 3 : i32
        %parallel_loop3A_269 = vector.broadcast %parallel_loop3A_268 : i32 to vector<16x1xi32>
        %parallel_loop3A_270 = vector.shape_cast %parallel_loop3A_269 : vector<16x1xi32> to vector<16xi32>
        %parallel_loop3A_271 = tpu.dynamic_gather %parallel_loop3A_228[%parallel_loop3A_270] in [0] : vector<16xf32>, vector<16xi32> -> vector<16xf32>
        %parallel_loop3A_272 = arith.mulf %parallel_loop3A_267, %parallel_loop3A_271 : vector<16xf32>
        %parallel_loop3A_273 = arith.index_cast %parallel_loop3A_216 : i32 to index
        %parallel_loop3A_274 = arith.constant 48 : index
        %parallel_loop3A_275 = tpu.vector_load %arg18[%parallel_loop3A_273, %parallel_loop3A_274] {strides = array<i32>} : memref<64x128xf32, #tpu.memory_space<vmem>>, vector<16xf32>,
        tpu.vector_store %arg18[%parallel_loop3A_273, %parallel_loop3A_274], %parallel_loop3A_272 {strides = array<i32>} : memref<64x128xf32, #tpu.memory_space<vmem>>, vector<16xf32>,
        %parallel_loop3A_276 = arith.index_cast %parallel_loop3A_216 : i32 to index
        %parallel_loop3A_277 = arith.constant 64 : index
        %parallel_loop3A_278 = tpu.vector_load %arg18[%parallel_loop3A_276, %parallel_loop3A_277] {strides = array<i32>} : memref<64x128xf32, #tpu.memory_space<vmem>>, vector<16xf32>,
        %parallel_loop3A_279 = arith.constant 4 : i32
        %parallel_loop3A_280 = vector.broadcast %parallel_loop3A_279 : i32 to vector<16x1xi32>
        %parallel_loop3A_281 = vector.shape_cast %parallel_loop3A_280 : vector<16x1xi32> to vector<16xi32>
        %parallel_loop3A_282 = tpu.dynamic_gather %parallel_loop3A_228[%parallel_loop3A_281] in [0] : vector<16xf32>, vector<16xi32> -> vector<16xf32>
        %parallel_loop3A_283 = arith.mulf %parallel_loop3A_278, %parallel_loop3A_282 : vector<16xf32>
        %parallel_loop3A_284 = arith.index_cast %parallel_loop3A_216 : i32 to index
        %parallel_loop3A_285 = arith.constant 64 : index
        %parallel_loop3A_286 = tpu.vector_load %arg18[%parallel_loop3A_284, %parallel_loop3A_285] {strides = array<i32>} : memref<64x128xf32, #tpu.memory_space<vmem>>, vector<16xf32>,
        tpu.vector_store %arg18[%parallel_loop3A_284, %parallel_loop3A_285], %parallel_loop3A_283 {strides = array<i32>} : memref<64x128xf32, #tpu.memory_space<vmem>>, vector<16xf32>,
        %parallel_loop3A_287 = arith.index_cast %parallel_loop3A_216 : i32 to index
        %parallel_loop3A_288 = arith.constant 80 : index
        %parallel_loop3A_289 = tpu.vector_load %arg18[%parallel_loop3A_287, %parallel_loop3A_288] {strides = array<i32>} : memref<64x128xf32, #tpu.memory_space<vmem>>, vector<16xf32>,
        %parallel_loop3A_290 = arith.constant 5 : i32
        %parallel_loop3A_291 = vector.broadcast %parallel_loop3A_290 : i32 to vector<16x1xi32>
        %parallel_loop3A_292 = vector.shape_cast %parallel_loop3A_291 : vector<16x1xi32> to vector<16xi32>
        %parallel_loop3A_293 = tpu.dynamic_gather %parallel_loop3A_228[%parallel_loop3A_292] in [0] : vector<16xf32>, vector<16xi32> -> vector<16xf32>
        %parallel_loop3A_294 = arith.mulf %parallel_loop3A_289, %parallel_loop3A_293 : vector<16xf32>
        %parallel_loop3A_295 = arith.index_cast %parallel_loop3A_216 : i32 to index
        %parallel_loop3A_296 = arith.constant 80 : index
        %parallel_loop3A_297 = tpu.vector_load %arg18[%parallel_loop3A_295, %parallel_loop3A_296] {strides = array<i32>} : memref<64x128xf32, #tpu.memory_space<vmem>>, vector<16xf32>,
        tpu.vector_store %arg18[%parallel_loop3A_295, %parallel_loop3A_296], %parallel_loop3A_294 {strides = array<i32>} : memref<64x128xf32, #tpu.memory_space<vmem>>, vector<16xf32>,
        %parallel_loop3A_298 = arith.index_cast %parallel_loop3A_216 : i32 to index
        %parallel_loop3A_299 = arith.constant 96 : index
        %parallel_loop3A_300 = tpu.vector_load %arg18[%parallel_loop3A_298, %parallel_loop3A_299] {strides = array<i32>} : memref<64x128xf32, #tpu.memory_space<vmem>>, vector<16xf32>,
        %parallel_loop3A_301 = arith.constant 6 : i32
        %parallel_loop3A_302 = vector.broadcast %parallel_loop3A_301 : i32 to vector<16x1xi32>
        %parallel_loop3A_303 = vector.shape_cast %parallel_loop3A_302 : vector<16x1xi32> to vector<16xi32>
        %parallel_loop3A_304 = tpu.dynamic_gather %parallel_loop3A_228[%parallel_loop3A_303] in [0] : vector<16xf32>, vector<16xi32> -> vector<16xf32>
        %parallel_loop3A_305 = arith.mulf %parallel_loop3A_300, %parallel_loop3A_304 : vector<16xf32>
        %parallel_loop3A_306 = arith.index_cast %parallel_loop3A_216 : i32 to index
        %parallel_loop3A_307 = arith.constant 96 : index
        %parallel_loop3A_308 = tpu.vector_load %arg18[%parallel_loop3A_306, %parallel_loop3A_307] {strides = array<i32>} : memref<64x128xf32, #tpu.memory_space<vmem>>, vector<16xf32>,
        tpu.vector_store %arg18[%parallel_loop3A_306, %parallel_loop3A_307], %parallel_loop3A_305 {strides = array<i32>} : memref<64x128xf32, #tpu.memory_space<vmem>>, vector<16xf32>,
        %parallel_loop3A_309 = arith.index_cast %parallel_loop3A_216 : i32 to index
        %parallel_loop3A_310 = arith.constant 112 : index
        %parallel_loop3A_311 = tpu.vector_load %arg18[%parallel_loop3A_309, %parallel_loop3A_310] {strides = array<i32>} : memref<64x128xf32, #tpu.memory_space<vmem>>, vector<16xf32>,
        %parallel_loop3A_312 = arith.constant 7 : i32
        %parallel_loop3A_313 = vector.broadcast %parallel_loop3A_312 : i32 to vector<16x1xi32>
        %parallel_loop3A_314 = vector.shape_cast %parallel_loop3A_313 : vector<16x1xi32> to vector<16xi32>
        %parallel_loop3A_315 = tpu.dynamic_gather %parallel_loop3A_228[%parallel_loop3A_314] in [0] : vector<16xf32>, vector<16xi32> -> vector<16xf32>
        %parallel_loop3A_316 = arith.mulf %parallel_loop3A_311, %parallel_loop3A_315 : vector<16xf32>
        %parallel_loop3A_317 = arith.index_cast %parallel_loop3A_216 : i32 to index
        %parallel_loop3A_318 = arith.constant 112 : index
        %parallel_loop3A_319 = tpu.vector_load %arg18[%parallel_loop3A_317, %parallel_loop3A_318] {strides = array<i32>} : memref<64x128xf32, #tpu.memory_space<vmem>>, vector<16xf32>,
        tpu.vector_store %arg18[%parallel_loop3A_317, %parallel_loop3A_318], %parallel_loop3A_316 {strides = array<i32>} : memref<64x128xf32, #tpu.memory_space<vmem>>, vector<16xf32>,
      } {sc.loop_unroll_factor = 4 : i64, sc.parallel_access}
      %dma_start3A_185 = arith.constant 0 : i32
      %dma_start3A_186 = tpu.memref_slice %arg12[%add3A_163, %dma_start3A_185] : memref<80x64xi32, #tpu.memory_space<vmem>> -> memref<1x64xi32, #tpu.memory_space<vmem>>
      %dma_start3A_187 = tpu.memref_squeeze %dma_start3A_186 : memref<1x64xi32, #tpu.memory_space<vmem>> -> memref<64xi32, #tpu.memory_space<vmem>>
      %dma_start3A_188 = arith.constant 0 : i32
      %dma_start3A_189 = arith.constant 0 : i32
      %dma_start3A_190 = tpu.memref_slice %arg20[%dma_start3A_188, %dma_start3A_189] : memref<10112x128xf32, #tpu.memory_space<vmem_shared>> -> memref<10112x128xf32, #tpu.memory_space<vmem_shared>>
      tpu.enqueue_indirect_dma source(%arg18 : memref<64x128xf32, #tpu.memory_space<vmem>>) target(%dma_start3A_190 : memref<10112x128xf32, #tpu.memory_space<vmem_shared>>) offsets(%dma_start3A_187 : memref<64xi32, #tpu.memory_space<vmem>>) semaphore(%arg23 : memref<!tpu.dma_semaphore, #tpu.memory_space<semaphore_mem>>) {add = true}
      %dma_start3A_191 = arith.constant 0 : i32
      %dma_start3A_192 = tpu.memref_slice %arg12[%add3A_163, %dma_start3A_191] : memref<80x64xi32, #tpu.memory_space<vmem>> -> memref<1x64xi32, #tpu.memory_space<vmem>>
      %dma_start3A_193 = tpu.memref_squeeze %dma_start3A_192 : memref<1x64xi32, #tpu.memory_space<vmem>> -> memref<64xi32, #tpu.memory_space<vmem>>
      %dma_start3A_194 = arith.constant 0 : i32
      %dma_start3A_195 = arith.constant 0 : i32
      %dma_start3A_196 = tpu.memref_slice %arg19[%dma_start3A_194, %dma_start3A_195] : memref<10112x16xf32, #tpu.memory_space<vmem_shared>> -> memref<10112x16xf32, #tpu.memory_space<vmem_shared>>
      tpu.enqueue_indirect_dma source(%arg16 : memref<64x16xf32, #tpu.memory_space<vmem>>) target(%dma_start3A_196 : memref<10112x16xf32, #tpu.memory_space<vmem_shared>>) offsets(%dma_start3A_193 : memref<64xi32, #tpu.memory_space<vmem>>) semaphore(%arg23 : memref<!tpu.dma_semaphore, #tpu.memory_space<semaphore_mem>>) {add = true}
      %dma_wait3A_197 = arith.constant 0 : i32
      %dma_wait3A_198 = tpu.memref_slice %arg12[%add3A_163, %dma_wait3A_197] : memref<80x64xi32, #tpu.memory_space<vmem>> -> memref<1x64xi32, #tpu.memory_space<vmem>>
      %dma_wait3A_199 = tpu.memref_squeeze %dma_wait3A_198 : memref<1x64xi32, #tpu.memory_space<vmem>> -> memref<64xi32, #tpu.memory_space<vmem>>
      %dma_wait3A_200 = arith.constant 0 : i32
      %dma_wait3A_201 = arith.constant 0 : i32
      %dma_wait3A_202 = tpu.memref_slice %arg20[%dma_wait3A_200, %dma_wait3A_201] : memref<10112x128xf32, #tpu.memory_space<vmem_shared>> -> memref<10112x128xf32, #tpu.memory_space<vmem_shared>>
      tpu.wait_indirect_dma semaphore(%arg23 : memref<!tpu.dma_semaphore, #tpu.memory_space<semaphore_mem>>) src(%arg18 : memref<64x128xf32, #tpu.memory_space<vmem>>) dst(%dma_wait3A_202 : memref<10112x128xf32, #tpu.memory_space<vmem_shared>>)
      %dma_wait3A_203 = arith.constant 0 : i32
      %dma_wait3A_204 = tpu.memref_slice %arg12[%add3A_163, %dma_wait3A_203] : memref<80x64xi32, #tpu.memory_space<vmem>> -> memref<1x64xi32, #tpu.memory_space<vmem>>
      %dma_wait3A_205 = tpu.memref_squeeze %dma_wait3A_204 : memref<1x64xi32, #tpu.memory_space<vmem>> -> memref<64xi32, #tpu.memory_space<vmem>>
      %dma_wait3A_206 = arith.constant 0 : i32
      %dma_wait3A_207 = arith.constant 0 : i32
      %dma_wait3A_208 = tpu.memref_slice %arg19[%dma_wait3A_206, %dma_wait3A_207] : memref<10112x16xf32, #tpu.memory_space<vmem_shared>> -> memref<10112x16xf32, #tpu.memory_space<vmem_shared>>
      tpu.wait_indirect_dma semaphore(%arg23 : memref<!tpu.dma_semaphore, #tpu.memory_space<semaphore_mem>>) src(%arg16 : memref<64x16xf32, #tpu.memory_space<vmem>>) dst(%dma_wait3A_208 : memref<10112x16xf32, #tpu.memory_space<vmem_shared>>)
      %add3A_209 = arith.constant 2 : i32
      %add3A_210 = arith.addi %add3A_163, %add3A_209 : i32
      %lt3A_211 = arith.constant 80 : i32
      %lt3A_212 = arith.cmpi slt, %add3A_210, %lt3A_211 : i32
      %convert_element_type3A_213 = arith.extui %lt3A_212 : i1 to i32
      %cond3A_214 = arith.constant 0 : i32
      %cond3A_215 = arith.cmpi ne, %convert_element_type3A_213, %cond3A_214 : i32
      scf.if %cond3A_215 {
        %add3A_216 = arith.constant 2 : i32
        %add3A_217 = arith.addi %add3A_163, %add3A_216 : i32
        %dma_start3A_218 = arith.constant 0 : i32
        %dma_start3A_219 = tpu.memref_slice %arg11[%add3A_217, %dma_start3A_218] : memref<80x64xi32, #tpu.memory_space<vmem>> -> memref<1x64xi32, #tpu.memory_space<vmem>>
        %dma_start3A_220 = tpu.memref_squeeze %dma_start3A_219 : memref<1x64xi32, #tpu.memory_space<vmem>> -> memref<64xi32, #tpu.memory_space<vmem>>
        %dma_start3A_221 = arith.constant 0 : i32
        %dma_start3A_222 = arith.constant 0 : i32
        %dma_start3A_223 = tpu.memref_slice %arg4[%dma_start3A_221, %dma_start3A_222] : memref<10112x16xf32, #tpu.memory_space<hbm>> -> memref<10112x16xf32, #tpu.memory_space<hbm>>
        tpu.enqueue_indirect_dma source(%dma_start3A_223 : memref<10112x16xf32, #tpu.memory_space<hbm>>) target(%arg16 : memref<64x16xf32, #tpu.memory_space<vmem>>) offsets(%dma_start3A_220 : memref<64xi32, #tpu.memory_space<vmem>>) semaphore(%arg22 : memref<!tpu.dma_semaphore, #tpu.memory_space<semaphore_mem>>)
        %dma_start3A_224 = arith.constant 0 : i32
        %dma_start3A_225 = tpu.memref_slice %arg12[%add3A_217, %dma_start3A_224] : memref<80x64xi32, #tpu.memory_space<vmem>> -> memref<1x64xi32, #tpu.memory_space<vmem>>
        %dma_start3A_226 = tpu.memref_squeeze %dma_start3A_225 : memref<1x64xi32, #tpu.memory_space<vmem>> -> memref<64xi32, #tpu.memory_space<vmem>>
        %dma_start3A_227 = arith.constant 0 : i32
        %dma_start3A_228 = arith.constant 0 : i32
        %dma_start3A_229 = tpu.memref_slice %arg5[%dma_start3A_227, %dma_start3A_228] : memref<10112x16xf32, #tpu.memory_space<hbm>> -> memref<10112x16xf32, #tpu.memory_space<hbm>>
        tpu.enqueue_indirect_dma source(%dma_start3A_229 : memref<10112x16xf32, #tpu.memory_space<hbm>>) target(%arg17 : memref<64x16xf32, #tpu.memory_space<vmem>>) offsets(%dma_start3A_226 : memref<64xi32, #tpu.memory_space<vmem>>) semaphore(%arg22 : memref<!tpu.dma_semaphore, #tpu.memory_space<semaphore_mem>>)
        %dma_start3A_230 = arith.constant 0 : i32
        %dma_start3A_231 = tpu.memref_slice %arg11[%add3A_217, %dma_start3A_230] : memref<80x64xi32, #tpu.memory_space<vmem>> -> memref<1x64xi32, #tpu.memory_space<vmem>>
        %dma_start3A_232 = tpu.memref_squeeze %dma_start3A_231 : memref<1x64xi32, #tpu.memory_space<vmem>> -> memref<64xi32, #tpu.memory_space<vmem>>
        %dma_start3A_233 = arith.constant 0 : i32
        %dma_start3A_234 = arith.constant 0 : i32
        %dma_start3A_235 = tpu.memref_slice %arg6[%dma_start3A_233, %dma_start3A_234] : memref<10112x128xf32, #tpu.memory_space<hbm>> -> memref<10112x128xf32, #tpu.memory_space<hbm>>
        tpu.enqueue_indirect_dma source(%dma_start3A_235 : memref<10112x128xf32, #tpu.memory_space<hbm>>) target(%arg18 : memref<64x128xf32, #tpu.memory_space<vmem>>) offsets(%dma_start3A_232 : memref<64xi32, #tpu.memory_space<vmem>>) semaphore(%arg22 : memref<!tpu.dma_semaphore, #tpu.memory_space<semaphore_mem>>)
      } else {
      }
    }
    %scan3A_104 = arith.constant 40 : i32
    %barrier3A_105 = arith.constant 0 : index
    tpu.barrier barrier_id(%barrier3A_105)
    "tpu.region"() ({
      %run_scoped3A = tpu.sem_alloc : memref<!tpu.dma_semaphore, #tpu.memory_space<semaphore_mem>>
      %dma_start3A_108 = arith.constant 0 : i32
      %dma_start3A_109 = arith.constant 0 : i32
      %dma_start3A_110 = tpu.memref_slice %arg10[%arg0, %dma_start3A_108, %dma_start3A_109] : memref<2x10112x128xf32, #tpu.memory_space<hbm>> -> memref<1x10112x128xf32, #tpu.memory_space<hbm>>
      %dma_start3A_111 = tpu.memref_squeeze %dma_start3A_110 : memref<1x10112x128xf32, #tpu.memory_space<hbm>> -> memref<10112x128xf32, #tpu.memory_space<hbm>>
      %dma_start3A_112 = arith.constant 0 : i32
      %dma_start3A_113 = tpu.memref_slice %dma_start3A_111[%mul3A_2, %dma_start3A_112] : memref<10112x128xf32, #tpu.memory_space<hbm>> -> memref<632x128xf32, #tpu.memory_space<hbm>>
      %dma_start3A_114 = arith.constant 0 : i32
      %dma_start3A_115 = tpu.memref_slice %arg20[%mul3A_2, %dma_start3A_114] : memref<10112x128xf32, #tpu.memory_space<vmem_shared>> -> memref<632x128xf32, #tpu.memory_space<vmem_shared>>
      tpu.enqueue_dma source(%dma_start3A_115 : memref<632x128xf32, #tpu.memory_space<vmem_shared>>) target(%dma_start3A_113 : memref<632x128xf32, #tpu.memory_space<hbm>>) target_semaphore(%run_scoped3A : memref<!tpu.dma_semaphore, #tpu.memory_space<semaphore_mem>>)
      %dma_wait3A = arith.constant 0 : i32
      %dma_wait3A_116 = arith.constant 0 : i32
      %dma_wait3A_117 = tpu.memref_slice %arg10[%arg0, %dma_wait3A, %dma_wait3A_116] : memref<2x10112x128xf32, #tpu.memory_space<hbm>> -> memref<1x10112x128xf32, #tpu.memory_space<hbm>>
      %dma_wait3A_118 = tpu.memref_squeeze %dma_wait3A_117 : memref<1x10112x128xf32, #tpu.memory_space<hbm>> -> memref<10112x128xf32, #tpu.memory_space<hbm>>
      %dma_wait3A_119 = arith.constant 0 : i32
      %dma_wait3A_120 = tpu.memref_slice %dma_wait3A_118[%mul3A_2, %dma_wait3A_119] : memref<10112x128xf32, #tpu.memory_space<hbm>> -> memref<632x128xf32, #tpu.memory_space<hbm>>
      %dma_wait3A_121 = arith.constant 0 : i32
      %dma_wait3A_122 = tpu.memref_slice %arg20[%mul3A_2, %dma_wait3A_121] : memref<10112x128xf32, #tpu.memory_space<vmem_shared>> -> memref<632x128xf32, #tpu.memory_space<vmem_shared>>
      tpu.wait_dma2 semaphore(%run_scoped3A : memref<!tpu.dma_semaphore, #tpu.memory_space<semaphore_mem>>) src(%dma_wait3A_122 : memref<632x128xf32, #tpu.memory_space<vmem_shared>>) dst(%dma_wait3A_120 : memref<632x128xf32, #tpu.memory_space<hbm>>)
      tpu.yield
    }) : () -> ()
    %eq3A = arith.constant 0 : i32
    %eq3A_106 = arith.cmpi eq, %arg1, %eq3A : i32
    %convert_element_type3A = arith.extui %eq3A_106 : i1 to i32
    %cond3A = arith.constant 0 : i32
    %cond3A_107 = arith.cmpi ne, %convert_element_type3A, %cond3A : i32
    scf.if %cond3A_107 {
      "tpu.region"() ({
        %run_scoped3A = tpu.sem_alloc : memref<!tpu.dma_semaphore, #tpu.memory_space<semaphore_mem>>
        %dma_start3A_108 = arith.constant 0 : i32
        %dma_start3A_109 = arith.constant 0 : i32
        %dma_start3A_110 = tpu.memref_slice %arg9[%arg0, %dma_start3A_108, %dma_start3A_109] : memref<2x10112x16xf32, #tpu.memory_space<hbm>> -> memref<1x10112x16xf32, #tpu.memory_space<hbm>>
        %dma_start3A_111 = tpu.memref_squeeze %dma_start3A_110 : memref<1x10112x16xf32, #tpu.memory_space<hbm>> -> memref<10112x16xf32, #tpu.memory_space<hbm>>
        tpu.enqueue_dma source(%arg19 : memref<10112x16xf32, #tpu.memory_space<vmem_shared>>) target(%dma_start3A_111 : memref<10112x16xf32, #tpu.memory_space<hbm>>) target_semaphore(%run_scoped3A : memref<!tpu.dma_semaphore, #tpu.memory_space<semaphore_mem>>)
        %dma_wait3A = arith.constant 0 : i32
        %dma_wait3A_112 = arith.constant 0 : i32
        %dma_wait3A_113 = tpu.memref_slice %arg9[%arg0, %dma_wait3A, %dma_wait3A_112] : memref<2x10112x16xf32, #tpu.memory_space<hbm>> -> memref<1x10112x16xf32, #tpu.memory_space<hbm>>
        %dma_wait3A_114 = tpu.memref_squeeze %dma_wait3A_113 : memref<1x10112x16xf32, #tpu.memory_space<hbm>> -> memref<10112x16xf32, #tpu.memory_space<hbm>>
        tpu.wait_dma2 semaphore(%run_scoped3A : memref<!tpu.dma_semaphore, #tpu.memory_space<semaphore_mem>>) src(%arg19 : memref<10112x16xf32, #tpu.memory_space<vmem_shared>>) dst(%dma_wait3A_114 : memref<10112x16xf32, #tpu.memory_space<hbm>>)
        tpu.yield
      }) : () -> ()
    } else {
    }
    return
  }
}

module attributes {stable_mosaic.version = 14 : i64} {
  func.func @_proj_body(%arg0: memref<10000x128xf32, #tpu.memory_space<vmem>>, %arg1: memref<128x128xf32, #tpu.memory_space<vmem>>, %arg2: memref<1x128xf32, #tpu.memory_space<vmem>>, %arg3: memref<1x128xf32, #tpu.memory_space<vmem>>, %arg4: memref<1x128xf32, #tpu.memory_space<vmem>>, %arg5: memref<128x16xf32, #tpu.memory_space<vmem>>, %arg6: memref<10112x128xf32, #tpu.memory_space<vmem>>, %arg7: memref<10112x16xf32, #tpu.memory_space<vmem>>, %arg8: memref<10112x16xf32, #tpu.memory_space<vmem>>) attributes {dimension_semantics = [], scalar_prefetch = 0 : i64, scratch_operands = 0 : i64, tpu.core_type = #tpu.core_type<tc>} {
    %get3A = arith.constant 0 : index
    %get3A_0 = arith.constant 0 : index
    %get3A_1 = vector.load %arg0[%get3A, %get3A_0] : memref<10000x128xf32, #tpu.memory_space<vmem>>, vector<10000x128xf32>
    %get3A_2 = arith.constant 0 : index
    %get3A_3 = arith.constant 0 : index
    %get3A_4 = vector.load %arg1[%get3A_2, %get3A_3] : memref<128x128xf32, #tpu.memory_space<vmem>>, vector<128x128xf32>
    %dot_general3A = arith.constant dense<0.000000e+00> : vector<10000x128xf32>
    %dot_general3A_5 = tpu.matmul %get3A_1, %get3A_4, %dot_general3A {dimension_numbers = #tpu.dot_dimension_numbers<[1], [0], [0], [1], [0, 0, 1, 1], [], []>, transpose_lhs_hint = false} : vector<10000x128xf32>, vector<128x128xf32>, vector<10000x128xf32> -> vector<10000x128xf32>
    %get3A_6 = arith.constant 0 : index
    %get3A_7 = arith.constant 0 : index
    %get3A_8 = vector.load %arg2[%get3A_6, %get3A_7] : memref<1x128xf32, #tpu.memory_space<vmem>>, vector<1x128xf32>
    %add3A = vector.broadcast %get3A_8 : vector<1x128xf32> to vector<10000x128xf32>
    %add3A_9 = arith.addf %dot_general3A_5, %add3A : vector<10000x128xf32>
    %swap3A = arith.constant 0 : index
    %swap3A_10 = arith.constant 0 : index
    %swap3A_11 = vector.load %arg6[%swap3A, %swap3A_10] : memref<10112x128xf32, #tpu.memory_space<vmem>>, vector<10000x128xf32>
    tpu.vector_store %arg6[%swap3A, %swap3A_10], %add3A_9 {strides = array<i32>} : memref<10112x128xf32, #tpu.memory_space<vmem>>, vector<10000x128xf32>,
    %broadcast_in_dim3A = arith.constant 0.000000e+00 : f32
    %broadcast_in_dim3A_12 = vector.broadcast %broadcast_in_dim3A : f32 to vector<112x128xf32>
    %swap3A_13 = arith.constant 10000 : index
    %swap3A_14 = arith.constant 0 : index
    %swap3A_15 = vector.load %arg6[%swap3A_13, %swap3A_14] : memref<10112x128xf32, #tpu.memory_space<vmem>>, vector<112x128xf32>
    tpu.vector_store %arg6[%swap3A_13, %swap3A_14], %broadcast_in_dim3A_12 {strides = array<i32>} : memref<10112x128xf32, #tpu.memory_space<vmem>>, vector<112x128xf32>,
    %get3A_16 = arith.constant 0 : index
    %get3A_17 = arith.constant 0 : index
    %get3A_18 = vector.load %arg5[%get3A_16, %get3A_17] : memref<128x16xf32, #tpu.memory_space<vmem>>, vector<128x16xf32>
    %get3A_19 = arith.constant 0 : index
    %get3A_20 = arith.constant 0 : index
    %get3A_21 = vector.load %arg3[%get3A_19, %get3A_20] : memref<1x128xf32, #tpu.memory_space<vmem>>, vector<1x128xf32>
    %mul3A = vector.broadcast %get3A_21 : vector<1x128xf32> to vector<10000x128xf32>
    %mul3A_22 = arith.mulf %add3A_9, %mul3A : vector<10000x128xf32>
    %dot_general3A_23 = arith.constant dense<0.000000e+00> : vector<10000x16xf32>
    %dot_general3A_24 = tpu.matmul %mul3A_22, %get3A_18, %dot_general3A_23 {dimension_numbers = #tpu.dot_dimension_numbers<[1], [0], [0], [1], [0, 0, 1, 1], [], []>, transpose_lhs_hint = false} : vector<10000x128xf32>, vector<128x16xf32>, vector<10000x16xf32> -> vector<10000x16xf32>
    %swap3A_25 = arith.constant 0 : index
    %swap3A_26 = arith.constant 0 : index
    %swap3A_27 = vector.load %arg7[%swap3A_25, %swap3A_26] : memref<10112x16xf32, #tpu.memory_space<vmem>>, vector<10000x16xf32>
    tpu.vector_store %arg7[%swap3A_25, %swap3A_26], %dot_general3A_24 {strides = array<i32>} : memref<10112x16xf32, #tpu.memory_space<vmem>>, vector<10000x16xf32>,
    %get3A_28 = arith.constant 0 : index
    %get3A_29 = arith.constant 0 : index
    %get3A_30 = vector.load %arg4[%get3A_28, %get3A_29] : memref<1x128xf32, #tpu.memory_space<vmem>>, vector<1x128xf32>
    %mul3A_31 = vector.broadcast %get3A_30 : vector<1x128xf32> to vector<10000x128xf32>
    %mul3A_32 = arith.mulf %add3A_9, %mul3A_31 : vector<10000x128xf32>
    %dot_general3A_33 = arith.constant dense<0.000000e+00> : vector<10000x16xf32>
    %dot_general3A_34 = tpu.matmul %mul3A_32, %get3A_18, %dot_general3A_33 {dimension_numbers = #tpu.dot_dimension_numbers<[1], [0], [0], [1], [0, 0, 1, 1], [], []>, transpose_lhs_hint = false} : vector<10000x128xf32>, vector<128x16xf32>, vector<10000x16xf32> -> vector<10000x16xf32>
    %swap3A_35 = arith.constant 0 : index
    %swap3A_36 = arith.constant 0 : index
    %swap3A_37 = vector.load %arg8[%swap3A_35, %swap3A_36] : memref<10112x16xf32, #tpu.memory_space<vmem>>, vector<10000x16xf32>
    tpu.vector_store %arg8[%swap3A_35, %swap3A_36], %dot_general3A_34 {strides = array<i32>} : memref<10112x16xf32, #tpu.memory_space<vmem>>, vector<10000x16xf32>,
    %broadcast_in_dim3A_38 = arith.constant -1.000000e+30 : f32
    %broadcast_in_dim3A_39 = vector.broadcast %broadcast_in_dim3A_38 : f32 to vector<112x16xf32>
    %swap3A_40 = arith.constant 10000 : index
    %swap3A_41 = arith.constant 0 : index
    %swap3A_42 = vector.load %arg7[%swap3A_40, %swap3A_41] : memref<10112x16xf32, #tpu.memory_space<vmem>>, vector<112x16xf32>
    tpu.vector_store %arg7[%swap3A_40, %swap3A_41], %broadcast_in_dim3A_39 {strides = array<i32>} : memref<10112x16xf32, #tpu.memory_space<vmem>>, vector<112x16xf32>,
    %swap3A_43 = arith.constant 10000 : index
    %swap3A_44 = arith.constant 0 : index
    %swap3A_45 = vector.load %arg8[%swap3A_43, %swap3A_44] : memref<10112x16xf32, #tpu.memory_space<vmem>>, vector<112x16xf32>
    tpu.vector_store %arg8[%swap3A_43, %swap3A_44], %broadcast_in_dim3A_39 {strides = array<i32>} : memref<10112x16xf32, #tpu.memory_space<vmem>>, vector<112x16xf32>,
    return
  }
}

module attributes {stable_mosaic.version = 14 : i64} {
  func.func @_finish_body(%arg0: memref<2x10112x16xf32, #tpu.memory_space<vmem>>, %arg1: memref<2x10112x128xf32, #tpu.memory_space<vmem>>, %arg2: memref<16x128xf32, #tpu.memory_space<vmem>>, %arg3: memref<10000x128xf32, #tpu.memory_space<vmem>>) attributes {dimension_semantics = [], scalar_prefetch = 0 : i64, scratch_operands = 0 : i64, tpu.core_type = #tpu.core_type<tc>} {
    %get3A = arith.constant 0 : index
    %get3A_0 = arith.constant 0 : index
    %get3A_1 = arith.constant 0 : index
    %get3A_2 = vector.load %arg0[%get3A, %get3A_0, %get3A_1] : memref<2x10112x16xf32, #tpu.memory_space<vmem>>, vector<1x10000x16xf32>
    %get3A_3 = vector.shape_cast %get3A_2 : vector<1x10000x16xf32> to vector<10000x16xf32>
    %get3A_4 = arith.constant 1 : index
    %get3A_5 = arith.constant 0 : index
    %get3A_6 = arith.constant 0 : index
    %get3A_7 = vector.load %arg0[%get3A_4, %get3A_5, %get3A_6] : memref<2x10112x16xf32, #tpu.memory_space<vmem>>, vector<1x10000x16xf32>
    %get3A_8 = vector.shape_cast %get3A_7 : vector<1x10000x16xf32> to vector<10000x16xf32>
    %add3A = arith.addf %get3A_3, %get3A_8 : vector<10000x16xf32>
    %add3A_9 = arith.constant 1.000000e-16 : f32
    %add3A_10 = vector.broadcast %add3A_9 : f32 to vector<10000x16xf32>
    %add3A_11 = arith.addf %add3A, %add3A_10 : vector<10000x16xf32>
    %div3A = arith.constant 1.000000e+00 : f32
    %div3A_12 = vector.broadcast %div3A : f32 to vector<10000x16xf32>
    %div3A_13 = arith.divf %div3A_12, %add3A_11 : vector<10000x16xf32>
    %get3A_14 = arith.constant 0 : index
    %get3A_15 = arith.constant 0 : index
    %get3A_16 = vector.load %arg2[%get3A_14, %get3A_15] : memref<16x128xf32, #tpu.memory_space<vmem>>, vector<16x128xf32>
    %dot_general3A = arith.constant dense<0.000000e+00> : vector<10000x128xf32>
    %dot_general3A_17 = tpu.matmul %div3A_13, %get3A_16, %dot_general3A {dimension_numbers = #tpu.dot_dimension_numbers<[1], [0], [0], [1], [0, 0, 1, 1], [], []>, transpose_lhs_hint = false} : vector<10000x16xf32>, vector<16x128xf32>, vector<10000x128xf32> -> vector<10000x128xf32>
    %get3A_18 = arith.constant 0 : index
    %get3A_19 = arith.constant 0 : index
    %get3A_20 = arith.constant 0 : index
    %get3A_21 = vector.load %arg1[%get3A_18, %get3A_19, %get3A_20] : memref<2x10112x128xf32, #tpu.memory_space<vmem>>, vector<1x10000x128xf32>
    %get3A_22 = vector.shape_cast %get3A_21 : vector<1x10000x128xf32> to vector<10000x128xf32>
    %get3A_23 = arith.constant 1 : index
    %get3A_24 = arith.constant 0 : index
    %get3A_25 = arith.constant 0 : index
    %get3A_26 = vector.load %arg1[%get3A_23, %get3A_24, %get3A_25] : memref<2x10112x128xf32, #tpu.memory_space<vmem>>, vector<1x10000x128xf32>
    %get3A_27 = vector.shape_cast %get3A_26 : vector<1x10000x128xf32> to vector<10000x128xf32>
    %add3A_28 = arith.addf %get3A_22, %get3A_27 : vector<10000x128xf32>
    %mul3A = arith.mulf %add3A_28, %dot_general3A_17 : vector<10000x128xf32>
    %swap3A = arith.constant 0 : index
    %swap3A_29 = arith.constant 0 : index
    %swap3A_30 = vector.load %arg3[%swap3A, %swap3A_29] : memref<10000x128xf32, #tpu.memory_space<vmem>>, vector<10000x128xf32>
    tpu.vector_store %arg3[%swap3A, %swap3A_29], %mul3A {strides = array<i32>} : memref<10000x128xf32, #tpu.memory_space<vmem>>, vector<10000x128xf32>,
    return
  }
}

</mosaic_0001>

<sc_bundles>
// kernel: kernel.5.cloned.1.call-start
scs
__scs_entry_jumppad:
0x0: {  	(pc) =	sbr.rel $0x88, $3  }
0x1: {  	(tag) =	ssettag $0x0;
	lr =	simm.s32 $0x1  }
0x2: {  	[smem:$0x3F9B] =	sst lr;
	_ =	strace $0xD0000000  }
0x3: {  	_ = 	snop  }
0x4: {  	_ = 	snop  }
0x5: {  	_ = 	snop  }
0x6: {  	_ = 	snop  }
0x7: {  	_ = 	snop  }
__scs_overlays_trampoline_lowered:
0x8: {  	[smem:$0x3FAA] =	sst s0  }
0x9: {  	[smem:$0x3FAB] =	sst s1  }
0xa: {  	[smem:$0x3FAC] =	sst s2  }
0xb: {  	[smem:$0x3FAD] =	sst s3  }
0xc: {  	[smem:$0x3FAE] =	sst s4  }
0xd: {  	[smem:$0x3FAF] =	sst s5  }
0xe: {  	[smem:$0x3FB0] =	sst s6  }
0xf: {  	[smem:$0x3FB1] =	sst s7  }
0x10: {  	[smem:$0x3FB2] =	sst s8  }
0x11: {  	[smem:$0x3FB3] =	sst s9;
	s0 =	simm.s32 @!p0 $0x0  }
0x12: {  	s1 =	sld [smem:$0x3F99];
	s0 =	simm.s32 @p0 $0x1  }
0x13: {  	[smem:$0x3FB4] =	sst s0;
	s0 =	simm.s32 @!p1 $0x0  }
0x14: {  	s2 =	sld [smem:$0x3F98];
	s0 =	simm.s32 @p1 $0x1  }
0x15: {  	[smem:$0x3FB5] =	sst s0;
	s0 =	simm.s32 @!p2 $0x0  }
0x16: {  	s3 =	sld [smem:$0x3FDB];
	s0 =	simm.s32 @p2 $0x1  }
0x17: {  	s4 =	simm.s32 $0x1BF5;
	[smem:$0x3FB7] =	sst s0  }
0x18: {  	s0 =	sld [smem:$0x3F9A];
	_ =	swait.ge [sflag:s4], $0x0  }
0x19: {  	s7 =	sld [smem:$0x3F9B]  }
0x1a: {  	s8 =	sadd.s32 $0xFFFFE003, lr  }
0x1b: {  	s9 =	sadd.s32 $0xFFFFFEF7, lr;
	s5 =	simm.s32 $0xFFFFFFFF;
	p2 =	slt.u32 s8, $0xFFFFF086  }
0x1c: {  	p1 =	slt.u32 s9, $0xF7A;
	s5 =	simm.s32 @!p2 $0x0  }
0x1d: {  	s5 =	simm.s32 @p1 $0x1;
	p0 =	seq.s32 s7, s2  }
0x1e: {  	s7 =	smul.u32 @!p0 $0xF7A, s2;
	p2 =	seq.s32 @!p0 s5, $0x0  }
0x1f: {  	s9 =	smul.u32 $0xF7A, s1;
	s8 =	simm.s32 @!p0 $0x1BF5;
	p2 =	por !p2, p0  }
0x20: {  	[sflag:s8] =	ssyncset.s32 @!p0 $0xFFFFF086;
	s6 =	sadd.s32 @!p0 s3, s7;
	s7 =	simm.s32 @!p0 $0x108  }
0x21: {  	s3 =	sadd.s32 s3, s9;
	s6 =	sadd.s32 @!p0 $0x88, s6;
	s7 =	simm.s32 @p2 $0x1082  }
0x22: {  	[simem:s7], [sflag:s8] =	dma.local @!p0 [hbm:s6], $0xF7A  }
0x23: {  	s9 =	sor.u32 $0xD0000000, s2;
	s6 =	simm.s32 $0x108;
	_ =	swait.ge @!p0 [sflag:s8], $0x0  }
0x24: {  	s3 =	sadd.s32 $0x88, s3;
	s6 =	simm.s32 @!p1 $0x1082;
	[sflag:s4] =	ssyncset.s32 $0xFFFFF086  }
0x25: {  	[simem:s6], [sflag:s4] =	dma.local [hbm:s3], $0xF7A  }
0x26: {  	[smem:$0x3F9B] =	sst s1;
	(tag) =	ssettag s2;
	_ =	strace s9  }
0x27: {  	s1 =	sld [smem:$0x3FAB]  }
0x28: {  	s2 =	sld [smem:$0x3FAC]  }
0x29: {  	s4 =	sld [smem:$0x3FAE]  }
0x2a: {  	p0 =	seq.s32 s5, $0x0;
	s5 =	sld [smem:$0x3FAF]  }
0x2b: {  	s6 =	sld [smem:$0x3FB0]  }
0x2c: {  	s7 =	sld [smem:$0x3FB1]  }
0x2d: {  	s3 =	simm.s32 $0x108;
	s8 =	sld [smem:$0x3FB2]  }
0x2e: {  	s3 =	simm.s32 @!p0 $0x1082;
	s9 =	sld [smem:$0x3FB3]  }
0x2f: {  	lr =	sadd.s32 s0, s3;
	s0 =	sld [smem:$0x3FAA]  }
0x30: {  	s3 =	sld [smem:$0x3FAD]  }
0x31: {  	[smem:$0x3FB6] =	sst s10  }
0x32: {  	s10 =	sld [smem:$0x3FB4];
	_ =	sdelay $0x3  }
0x33: {  	p0 =	seq.s32 s10, $0x1;
	s10 =	sld [smem:$0x3FB6];
	_ =	sdelay $0x3  }
0x34: {  	[smem:$0x3FB6] =	sst s10  }
0x35: {  	s10 =	sld [smem:$0x3FB5];
	_ =	sdelay $0x3  }
0x36: {  	p1 =	seq.s32 s10, $0x1;
	s10 =	sld [smem:$0x3FB6];
	_ =	sdelay $0x3  }
0x37: {  	[smem:$0x3FB6] =	sst s10  }
0x38: {  	s10 =	sld [smem:$0x3FB7]  }
0x39: {  	_ = 	snop;
	(pc) =	sbr.ind lr, $3  }
0x3a: {  	_ = 	snop  }
0x3b: {  	_ = 	snop  }
0x3c: {  	p2 =	seq.s32 s10, $0x1;
	s10 =	sld [smem:$0x3FB6]  }
0x3d: {  	_ =	shalt  }
0x3e: {  	_ =	shalt  }
0x3f: {  	_ =	shalt  }
0x40: {  	_ =	shalt  }
0x41: {  	_ =	shalt  }
0x42: {  	_ =	shalt  }
0x43: {  	_ =	shalt  }
0x44: {  	_ =	shalt  }
0x45: {  	_ =	shalt  }
0x46: {  	_ =	shalt  }
0x47: {  	_ =	shalt  }
0x48: {  	_ =	shalt  }
0x49: {  	_ =	shalt  }
0x4a: {  	_ =	shalt  }
0x4b: {  	_ =	shalt  }
0x4c: {  	_ =	shalt  }
0x4d: {  	_ =	shalt  }
0x4e: {  	_ =	shalt  }
0x4f: {  	_ =	shalt  }
0x50: {  	_ =	shalt  }
0x51: {  	_ =	shalt  }
0x52: {  	_ =	shalt  }
0x53: {  	_ =	shalt  }
0x54: {  	_ =	shalt  }
0x55: {  	_ =	shalt  }
0x56: {  	_ =	shalt  }
0x57: {  	_ =	shalt  }
0x58: {  	_ =	shalt  }
0x59: {  	_ =	shalt  }
0x5a: {  	_ =	shalt  }
0x5b: {  	_ =	shalt  }
0x5c: {  	_ =	shalt  }
0x5d: {  	_ =	shalt  }
0x5e: {  	_ =	shalt  }
0x5f: {  	_ =	shalt  }
0x60: {  	_ =	shalt  }
0x61: {  	_ =	shalt  }
0x62: {  	_ =	shalt  }
0x63: {  	_ =	shalt  }
0x64: {  	_ =	shalt  }
0x65: {  	_ =	shalt  }
0x66: {  	_ =	shalt  }
0x67: {  	_ =	shalt  }
0x68: {  	_ =	shalt  }
0x69: {  	_ =	shalt  }
0x6a: {  	_ =	shalt  }
0x6b: {  	_ =	shalt  }
0x6c: {  	_ =	shalt  }
0x6d: {  	_ =	shalt  }
0x6e: {  	_ =	shalt  }
0x6f: {  	_ =	shalt  }
0x70: {  	_ =	shalt  }
0x71: {  	_ =	shalt  }
0x72: {  	_ =	shalt  }
0x73: {  	_ =	shalt  }
0x74: {  	_ =	shalt  }
0x75: {  	_ =	shalt  }
0x76: {  	_ =	shalt  }
0x77: {  	_ =	shalt  }
0x78: {  	_ =	shalt  }
0x79: {  	_ =	shalt  }
0x7a: {  	_ =	shalt  }
0x7b: {  	_ =	shalt  }
0x7c: {  	_ =	shalt  }
0x7d: {  	_ =	shalt  }
0x7e: {  	_ =	shalt  }
0x7f: {  	_ =	shalt  }
0x80: {  	_ =	shalt  }
0x81: {  	_ =	shalt  }
0x82: {  	_ =	shalt  }
0x83: {  	_ =	shalt  }
0x84: {  	_ =	shalt  }
0x85: {  	_ =	shalt  }
0x86: {  	_ =	shalt  }
0x87: {  	_ =	shalt  }
.Lfunc_end0:
.L_simem_size_0:
called_computation_lowered:
.L_overlay_start_0:
0x88: {  	s2 =	sld [smem:$0x3FD9]  }
0x89: {  	s3 =	sld [smem:$0x3FFE];
	_ =	sdelay $0x1  }
0x8a: {  	s1 =	srdreg.scid  }
0x8b: {  	s0 =	sand.u32 $0x1, s1  }
0x8c: {  	s17 =	sshll.u32 s0, $0xA;
	s2 =	sadd.s32 s3, s2  }
0x8d: {  	s2 =	sadd.s32 s2, s17  }
0x8e: {  	[smem:$0x3FC2] =	sst s2  }
0x8f: {  	_ = 	snop  }
0x90: {  	s2 =	sld [smem:$0x3FD0];
	(tm) =	ssettm $0x1  }
0x91: {  	s18 =	sld [smem:$0x3FFB];
	_ =	sdelay $0x3  }
0x92: {  	_ =	strace s18  }
0x93: {  	s3 =	sld [smem:$0x3FFC];
	_ =	sdelay $0x3  }
0x94: {  	_ =	strace s3  }
0x95: {  	s3 =	sld [smem:$0x3FFD];
	_ =	sdelay $0x3  }
0x96: {  	_ =	strace s3  }
0x97: {  	_ =	strace $0x8FFFFFFF  }
0x98: {  	s19 =	sld [smem:$0x3FDB];
	_ =	sdelay $0x1  }
0x99: {  	s4 =	simm.s32 $_scs_section_size  }
0x9a: {  	s5 =	simm.s32 $_size__tile_overlayer_lowered;
	s6 =	simm.s32 $_tile_overlayer_lowered  }
0x9b: {  	s22 =	simm.s32 $0x1BFF;
	s21 =	sshll.u32 s6, $0x1;
	s3 =	sadd.s32 s4, s19  }
0x9c: {  	s7 =	simm.s32 $0x0;
	s20 =	sshll.u32 s5, $0x1;
	s5 =	sadd.s32 s21, s3  }
0x9d: {  	[timem:s7], [sflag:s22] =	dma.local [hbm:s5], s20  }
0x9e: {  	_ =	swait.ge [sflag:s22], s20  }
0x9f: {  	s4 =	ssub.s32 $0x0, s20;
	[sflag:s22] =	ssyncset.done $0x0  }
0xa0: {  	[sflag:s22] =	ssyncadd.s32 s4;
	_ =	sdelay $0x1  }
0xa1: {  	s23 =	simm.s32 $0x1B8B  }
0xa2: {  	_ =	swait.ge [sflag:s23], $0x1  }
0xa3: {  	[sflag:s23] =	ssyncset.done $0x0  }
0xa4: {  	s25 =	simm.s32 $0x1B8E;
	s24 =	sld [smem:$0x3FFE];
	[sflag:s23] =	ssyncadd.s32 $0xFFFFFFFF  }
0xa5: {  	s26 =	simm.s32 $execute0_lowered;
	[smem:$0x3FD2] =	sst s25  }
0xa6: {  	s5 =	sshll.u32 s26, $0x1;
	_ =	strace $0x80000046;
	[dreg:$0x1] =	wrdreg $0xFFFFFFFF  }
0xa7: {  	s28 =	simm.s32 $_size_execute0_lowered;
	s3 =	sadd.s32 s3, s5;
	[dreg:$0x0] =	wrdreg $0x0  }
0xa8: {  	s5 =	sshll.u32 s28, $0x1;
	[dreg:$0x2] =	wrdreg s3  }
0xa9: {  	[dreg:$0x3] =	wrdreg s5  }
0xaa: {  	[dreg:$0x4] =	wrdreg $0xC0  }
0xab: {  	_ =	task [dreg:s7], $0x5FFFF  }
0xac: {  	[dreg:$0x1] =	wrdreg $0xFFFFFFFF  }
0xad: {  	[dreg:$0x0] =	wrdreg $0x60  }
0xae: {  	[dreg:$0x2] =	wrdreg s2  }
0xaf: {  	[dreg:$0x3] =	wrdreg s24  }
0xb0: {  	[dreg:$0x4] =	wrdreg $0x78000  }
0xb1: {  	[dreg:$0x5] =	wrdreg $0x9F800  }
0xb2: {  	[dreg:$0x6] =	wrdreg $0x9  }
0xb3: {  	_ =	task.clear_ibuf [dreg:s7], $0x7FFFF;
	_ =	strace $0x90000046  }
0xb4: {  	s29 =	simm.s32 $0x9;
	_ =	strace $0x80000048  }
0xb5: {  	_ =	swait.ge [sflag:s29], $0x1  }
0xb6: {  	[sflag:s29] =	ssyncadd.s32 $0xFFFFFFFF  }
0xb7: {  	_ =	strace $0x90000048  }
0xb8: {  	_ =	sfence  }
0xb9: {  	s30 =	sld [smem:$0x0];
	_ =	sdelay $0x2  }
0xba: {  	s31 =	sshll.u32 s1, $0xD;
	s1 =	sshrl.u32 s1, $0x2  }
0xbb: {  	s3 =	sand.u32 $0x4000, s31;
	s1 =	sadd.s32 s1, s30  }
0xbc: {  	s0 =	sor.u32 s3, s0;
	s1 =	sshll.u32 s1, $0x11  }
0xbd: {  	s0 =	sor.u32 s1, s0  }
0xbe: {  	s0 =	sadd.s32 $0x8F2B, s0  }
0xbf: {  	[sflag:s0] =	ssyncadd.remote.s32 $0x1  }
0xc0: {  	_ =	sfence.sel $0xFFFF  }
0xc1: {  	[dreg:$0x0] =	wrdreg $0xFFFFFFFF;
	(pc) =	sbr.abs _section_cstart, $3  }
0xc2: {  	[dreg:$0x1] =	wrdreg $0xFFFFFFFF  }
0xc3: {  	_ =	task.clear_ibuf [dreg:s7], $0x2FFFF;
	_ =	strace $0x9FFFFFFF  }
0xc4: {  	(tm) =	ssettm $0x7FFFFFFF  }
0xc5: {  	_ =	shalt  }
tec
execute0_lowered:
.L_overlay_start_1:
0x0: {  	(tag) =	ssettag $0x1  }
0x1: {  	s0 =	rddreg [dreg:$0x0]  }
0x2: {  	s7 =	rddreg [dreg:$0x1]  }
0x3: {  	s1 =	rddreg [dreg:$0x2]  }
0x4: {  	s2 =	rddreg [dreg:$0x3];
	s3 =	simm.s32 $0x0  }
0x5: {  	s9 =	stileid.u32;
	s12 =	srdreg.scid;
	s28 =	simm.s32 $0x5400  }
0x6: {  	s29 =	simm.s32 $0x5800;
	s30 =	simm.s32 $0x1;
	s31 =	simm.s32 $0x3  }
0x7: {  	[smem:$0x7FF] =	sst s3;
	s8 =	smul.u32 $0x2780, s9;
	s10 =	sadd.s32 $0x1200, s7  }
0x8: {  	s4 =	sadd.s32 $0x32A00, s7;
	s11 =	smul.u32 $0x13C00, s9;
	s12 =	sand.u32 $0x1, s12  }
0x9: {  	s5 =	sadd.s32 $0x37A00, s7;
	s6 =	sadd.s32 $0xB200, s7;
	s16 =	smul.u32 $0x4F00, s12  }
0xa: {  	p0 =	sne.s32 s9, $0x0;
	_ =	strace $0x80000047;
	s17 =	smul.u32 $0x27800, s12  }
0xb: {  	s18 =	ssub.s32 $0x2, s12;
	s12 =	sshll.u32 s12, $0x4;
	s13 =	sshrl.u32 s8, $0x3  }
0xc: {  	s14 =	sshrl.u32 s11, $0x3;
	s19 =	sshrl.u32 s18, $0x1;
	s12 =	sor.u32 s9, s12  }
0xd: {  	s11 =	sadd.s32 s11, s2;
	s13 =	sadd.s32 s13, s7;
	s15 =	sadd.s32 s14, s7  }
0xe: {  	s16 =	sadd.s32 s16, s7;
	s7 =	sadd.s32 s17, s7;
	s25 =	smul.u32 $0x2800, s12  }
0xf: {  	s17 =	ssub.s32 s18, s19;
	s19 =	sadd.s32 s8, s1;
	s12 =	smul.u32 $0x500, s12  }
0x10: {  	[dreg:$0x6] =	wrdreg s11;
	s26 =	sadd.s32 $0x3CA00, s13;
	s13 =	sshll.u32 s9, $0x6  }
0x11: {  	s20 =	sadd.s32 $0x41A00, s15;
	s24 =	sadd.s32 $0x73000, s7;
	[dreg:$0x5] =	wrdreg s26  }
0x12: {  	s8 =	sor.u32 $0x1C04, s13;
	s18 =	sshrl.u32 s25, $0x3;
	[dreg:$0x7] =	wrdreg s20  }
0x13: {  	s22 =	sadd.s32 s0, s12;
	s12 =	sadd.s32 s10, s12;
	s25 =	sadd.s32 $0x69200, s16  }
0x14: {  	s26 =	smax.u32 s17, $0x1;
	s17 =	sshrl.u32 s19, $0x3;
	[dreg:$0x8] =	wrdreg s22  }
0x15: {  	s19 =	simm.s32 $0x1400;
	s20 =	simm.s32 $0x40;
	[dreg:$0x9] =	wrdreg s12  }
.Ltmp0:
0x16: {  	s24 =	sadd.s32 s14, s24;
	[dreg:$0xc] =	wrdreg s25;
	(pc) =	sbr.rel .LBB2_1-.Ltmp0, $4  }
0x17: {  	s21 =	sadd.s32 $0x280, s18;
	[dreg:$0xd] =	wrdreg s26;
	s18 =	simm.s32 $0x4  }
0x18: {  	v5 =	vimm.s32 $0x0;
	v6 =	vimm.s32 $0x1;
	s25 =	simm.s32 $0x5000;
	s22 =	simm.s32 $0x0;
	s0 =	sadd.s32 s0, s21  }
0x19: {  	v7 =	vimm.s32 $0x2;
	v1 =	vimm.s32 $0x3;
	v2 =	vimm.s32 $0x4;
	s23 =	sadd.s32 s10, s21;
	s21 =	simm.s32 $0x2800;
	[dreg:$0xa] =	wrdreg s0  }
0x1a: {  	v3 =	vimm.s32 $0x5;
	v4 =	vimm.s32 $0x6;
	v62 =	vimm.s32 $0x7;
	[dreg:$0xb] =	wrdreg s23;
	s23 =	simm.s32 $0x3000;
	s0 =	simm.s32 $0x2  }
.LBB2_15:
0x1b: {  	[bflag:$0x0] =	sbarrier.arrive $0xFFFF  }
0x1c: {  	[hbm:s24], [sflag:s8] =	dma.local [spmem:s26], $0x2780  }
0x1d: {  	_ =	swait.ge [sflag:s18], $0x2780  }
0x1e: {  	[sflag:s18] =	ssyncset.done $0x0  }
0x1f: {  	s7 =	sshrl.u32 @!p0 s1, $0x3;
	s9 =	rddreg [dreg:$0xc];
	[sflag:s18] =	ssyncadd.s32 $0xFFFFD880  }
0x20: {  	[hbm:s9], [sflag:s8] =	dma.local @!p0 [spmem:s7], $0x4F00  }
0x21: {  	s7 =	simm.s32 @!p0 $0x4  }
0x22: {  	_ =	swait.ge @!p0 [sflag:s7], $0x4F00  }
0x23: {  	s22 =	sadd.s32 $0x1, s22;
	s26 =	rddreg [dreg:$0xd]  }
0x24: {  	p1 =	sne.s32 s22, s26  }
.Ltmp1:
0x25: {  	_ = 	snop;
	(pc) =	sbr.rel @!p1 .LBB2_16-.Ltmp1, $4  }
0x26: {  	_ = 	snop  }
0x27: {  	v5 =	vimm.s32 $0x0;
	v6 =	vimm.s32 $0x1  }
0x28: {  	v7 =	vimm.s32 $0x2;
	v1 =	vimm.s32 $0x3;
	v2 =	vimm.s32 $0x4;
	[sflag:s7] =	ssyncset.done @!p0 $0x0  }
0x29: {  	v3 =	vimm.s32 $0x5;
	v4 =	vimm.s32 $0x6;
	v62 =	vimm.s32 $0x7;
	[sflag:s7] =	ssyncadd.s32 @!p0 $0xFFFFB100  }
.LBB2_1:
0x2a: {  	s7 =	rddreg [dreg:$0x5]  }
0x2b: {  	[spmem:s17], [sflag:s8] =	dma.local [hbm:s7], $0x4F0  }
0x2c: {  	_ =	swait.ge [sflag:s18], $0x4F0  }
0x2d: {  	[sflag:s18] =	ssyncset.done $0x0;
	s11 =	rddreg [dreg:$0x6]  }
0x2e: {  	s12 =	rddreg [dreg:$0x7];
	[sflag:s18] =	ssyncadd.s32 $0xFFFFFB10;
	s26 =	sshrl.u32 s11, $0x3  }
0x2f: {  	[spmem:s26], [sflag:s8] =	dma.local [hbm:s12], $0x2780  }
0x30: {  	_ =	swait.ge [sflag:s18], $0x2780  }
0x31: {  	[sflag:s18] =	ssyncset.done $0x0  }
0x32: {  	[sflag:s18] =	ssyncadd.s32 $0xFFFFD880  }
0x33: {  	[bflag:$0x0] =	sbarrier.arrive $0xFFFF  }
0x34: {  	s13 =	rddreg [dreg:$0x8]  }
0x35: {  	[tilespmem:s3], [sflag:$0x4] =	stream.linear.gather [hbm4b:s13+s3], $0x1400, $0x38;
	[tilespmem:$0x1DB80] =	vst v63  }
0x36: {  	_ =	swait.ge [sflag:s18], $0x1400  }
0x37: {  	[sflag:s18] =	ssyncset.done $0x0  }
0x38: {  	s14 =	rddreg [dreg:$0x9];
	[sflag:s18] =	ssyncadd.s32 $0xFFFFEC00  }
0x39: {  	[tilespmem:s19], [sflag:$0x4] =	stream.linear.gather [hbm4b:s14+s3], $0x1400, $0x38;
	[tilespmem:$0x1DB80] =	vst v63  }
0x3a: {  	_ =	swait.ge [sflag:s18], $0x1400  }
0x3b: {  	[sflag:s18] =	ssyncset.done $0x0  }
0x3c: {  	[sflag:s18] =	ssyncadd.s32 $0xFFFFEC00  }
0x3d: {  	[tilespmem:s21], [sflag:$0x1] =	stream.indirect.gather [hbm4b:s4+s20], $0x10, s3, s20, $0xb8;
	[tilespmem:$0x1DB80] =	vst v63  }
0x3e: {  	s15 =	simm.s32 $0x2C00  }
0x3f: {  	[tilespmem:s15], [sflag:$0x1] =	stream.indirect.gather [hbm4b:s5+s20], $0x10, s19, s20, $0xb8;
	[tilespmem:$0x1DB80] =	vst v63  }
0x40: {  	_ = 	snop  }
0x41: {  	[tilespmem:s23], [sflag:$0x1] =	stream.indirect.gather [hbm4b:s6+s20], $0x80, s3, s20, $0xb8;
	[tilespmem:$0x1DB80] =	vst v63  }
0x42: {  	_ = 	snop  }
0x43: {  	[tilespmem:s25], [sflag:$0x2] =	stream.indirect.gather [hbm4b:s4+s20], $0x10, s20, s20, $0xb8;
	[tilespmem:$0x1DB80] =	vst v63  }
0x44: {  	s16 =	simm.s32 $0x1440  }
0x45: {  	[tilespmem:s28], [sflag:$0x2] =	stream.indirect.gather [hbm4b:s5+s20], $0x10, s16, s20, $0xb8;
	[tilespmem:$0x1DB80] =	vst v63  }
0x46: {  	s7 =	simm.s32 $0x0  }
0x47: {  	[tilespmem:s29], [sflag:$0x2] =	stream.indirect.gather [hbm4b:s6+s20], $0x80, s20, s20, $0xb8;
	[tilespmem:$0x1DB80] =	vst v63  }
.LBB2_2:
0x48: {  	_ =	swait.ge [sflag:s30], $0x400  }
0x49: {  	[sflag:s30] =	ssyncset.done $0x0  }
0x4a: {  	[sflag:s30] =	ssyncadd.s32 $0xFFFFFC00  }
0x4b: {  	_ =	swait.ge [sflag:s30], $0x400  }
0x4c: {  	[sflag:s30] =	ssyncset.done $0x0  }
0x4d: {  	[sflag:s30] =	ssyncadd.s32 $0xFFFFFC00  }
0x4e: {  	_ =	swait.ge [sflag:s30], $0x2000  }
0x4f: {  	[sflag:s30] =	ssyncset.done $0x0  }
0x50: {  	s11 =	simm.s32 $0x2820;
	[sflag:s30] =	ssyncadd.s32 $0xFFFFE000  }
0x51: {  	s9 =	simm.s32 $0x2C20;
	v0 =	vld [tilespmem:s11+$0x10]  }
0x52: {  	v8 =	vld [tilespmem:s9+$0x10];
	_ =	sdelay $0x1  }
0x53: {  	v10 =	vld [tilespmem:s11+$0xFFFFFFF0]  }
0x54: {  	v11 =	vld [tilespmem:s9+$0xFFFFFFF0];
	_ =	sdelay $0x1  }
0x55: {  	v9 =	vld [tilespmem:s9+$0xFFFFFFE0];
	v0 =	vadd.f32 v8, v0  }
0x56: {  	v12 =	vld [tilespmem:s11+$0x0]  }
0x57: {  	v8 =	vld [tilespmem:s11+$0xFFFFFFE0];
	v14 =	vmul.f32 $2.000000030e-01, v0  }
0x58: {  	v13 =	vld [tilespmem:s9+$0x0];
	v10 =	vadd.f32 v11, v10  }
0x59: {  	v0 =	vmax.f32 v0, v14  }
0x5a: {  	v11 =	vmul.f32 $2.000000030e-01, v10;
	v0 =	vmul.f32 $1.442695020e+00, v0;
	_ =	sdelay $0x1  }
0x5b: {  	v8 =	vadd.f32 v9, v8;
	v9 =	vmax.f32 v10, v11;
	(erf) = vpow2.f32 v0  }
0x5c: {  	s12 =	simm.s32 $0x2860;
	v12 =	vadd.f32 v13, v12;
	v9 =	vmul.f32 $1.442695020e+00, v9  }
0x5d: {  	s10 =	simm.s32 $0x2C60;
	v48 =	vld [tilespmem:s12+$0x10];
	v0 =	vmul.f32 $2.000000030e-01, v8  }
0x5e: {  	v51 =	vld [tilespmem:s10+$0x10];
	v10 =	vmul.f32 $2.000000030e-01, v12;
	(erf) = vpow2.f32 v9  }
0x5f: {  	v0 =	vmax.f32 v8, v0  }
0x60: {  	v10 =	vmax.f32 v12, v10;
	v0 =	vmul.f32 $1.442695020e+00, v0  }
0x61: {  	v8 =	vmul.f32 $1.442695020e+00, v10;
	_ =	sdelay $0x1  }
0x62: {  	v54 =	vld [tilespmem:s10+$0xFFFFFFE0];
	v60 =	vadd.f32 v51, v48;
	(erf) = vpow2.f32 v8  }
0x63: {  	v57 =	vld [tilespmem:s12+$0xFFFFFFF0];
	(erf) = vpow2.f32 v0;
	v0 =	vpop (erf)  }
0x64: {  	s9 =	simm.s32 $0x3100;
	v59 =	vld [tilespmem:s10+$0xFFFFFFF0];
	v63 =	vmul.f32 $2.000000030e-01, v60;
	[tilespmem:s11+$0x10] =	vst v0;
	v19 =	vperm.xlane v0, v5  }
0x65: {  	v20 =	vperm.xlane v0, v6;
	v9 =	vperm.xlane v0, v7;
	v12 =	vld [tilespmem:s9+$0xF0]  }
0x66: {  	v13 =	vpop (erf);
	v8 =	vperm.xlane v0, v1;
	v11 =	vperm.xlane v0, v2;
	v14 =	vld [tilespmem:s9+$0x80]  }
0x67: {  	v10 =	vperm.xlane v0, v3;
	v28 =	vperm.xlane v0, v62;
	[tilespmem:s11+$0xFFFFFFF0] =	vst v13;
	v51 =	vld [tilespmem:s9+$0x90]  }
0x68: {  	v24 =	vperm.xlane v13, v5;
	v25 =	vperm.xlane v13, v6;
	v15 =	vld [tilespmem:s9+$0xFFFFFF80]  }
0x69: {  	v27 =	vperm.xlane v13, v7;
	v30 =	vperm.xlane v13, v1;
	v17 =	vld [tilespmem:s9+$0xFFFFFF90]  }
0x6a: {  	v31 =	vperm.xlane v13, v2;
	v44 =	vperm.xlane v13, v3;
	v21 =	vld [tilespmem:s9+$0xFFFFFFA0]  }
0x6b: {  	v46 =	vperm.xlane v13, v4;
	v47 =	vperm.xlane v13, v62;
	v43 =	vld [tilespmem:s9+$0xFFFFFFB0];
	v16 =	vpop (erf)  }
0x6c: {  	v45 =	vld [tilespmem:s9+$0xFFFFFFC0];
	v49 =	vperm.xlane v16, v5;
	v50 =	vperm.xlane v16, v6  }
0x6d: {  	v61 =	vld [tilespmem:s9+$0xFFFFFFD0];
	v18 =	vpop (erf);
	v52 =	vperm.xlane v16, v7;
	v53 =	vperm.xlane v16, v1  }
0x6e: {  	v48 =	vld [tilespmem:s9+$0xFFFFFFE0];
	v55 =	vperm.xlane v16, v2;
	v56 =	vperm.xlane v16, v3;
	[tilespmem:s11+$0xFFFFFFE0] =	vst v18  }
0x6f: {  	v58 =	vperm.xlane v16, v4;
	v13 =	vperm.xlane v16, v62;
	v22 =	vld [tilespmem:s9+$0xFFFFFF00]  }
0x70: {  	v33 =	vperm.xlane v18, v5;
	v35 =	vperm.xlane v18, v6;
	v23 =	vld [tilespmem:s9+$0xFFFFFF10]  }
0x71: {  	v36 =	vperm.xlane v18, v7;
	v38 =	vperm.xlane v18, v1;
	v26 =	vld [tilespmem:s9+$0xFFFFFF20]  }
0x72: {  	v28 =	vmul.f32 v28, v12;
	v12 =	vperm.xlane v0, v4;
	v0 =	vld [tilespmem:s12+$0x0]  }
0x73: {  	v39 =	vperm.xlane v18, v2;
	v15 =	vmul.f32 v24, v15;
	v24 =	vld [tilespmem:s10+$0x0]  }
0x74: {  	[tilespmem:s11+$0x0] =	vst v16;
	v16 =	vmax.f32 v60, v63;
	v41 =	vperm.xlane v18, v3;
	v17 =	vmul.f32 v25, v17;
	v25 =	vld [tilespmem:s12+$0xFFFFFFE0]  }
0x75: {  	v57 =	vadd.f32 v59, v57;
	v42 =	vperm.xlane v18, v4;
	v16 =	vmul.f32 $1.442695020e+00, v16;
	v29 =	vld [tilespmem:s9+$0xFFFFFF30]  }
0x76: {  	v34 =	vld [tilespmem:s9+$0xFFFFFF50];
	v14 =	vmul.f32 v19, v14;
	v20 =	vmul.f32 v20, v51  }
0x77: {  	(erf) = vpow2.f32 v16;
	v16 =	vld [tilespmem:s9+$0x20];
	[tilespmem:s9+$0xF0] =	vst v28;
	v28 =	vmul.f32 $2.000000030e-01, v57  }
0x78: {  	v32 =	vld [tilespmem:s9+$0xFFFFFF40];
	[tilespmem:s9+$0xFFFFFF90] =	vst v17;
	v17 =	vmul.f32 v27, v21;
	v22 =	vmul.f32 v33, v22  }
0x79: {  	v37 =	vld [tilespmem:s9+$0xFFFFFF60];
	[tilespmem:s9+$0x80] =	vst v14;
	v26 =	vmul.f32 v36, v26;
	v0 =	vadd.f32 v24, v0;
	v19 =	vadd.f32 v54, v25  }
0x7a: {  	v40 =	vld [tilespmem:s9+$0xFFFFFF70];
	[tilespmem:s9+$0xFFFFFF80] =	vst v15;
	v23 =	vmul.f32 v35, v23;
	v29 =	vmul.f32 v38, v29  }
0x7b: {  	v27 =	vld [tilespmem:s9+$0xFFFFFFF0];
	[tilespmem:s9+$0xFFFFFF20] =	vst v26;
	v25 =	vmul.f32 $2.000000030e-01, v0;
	v26 =	vmul.f32 $2.000000030e-01, v19  }
0x7c: {  	v15 =	vmul.f32 v41, v34;
	v24 =	vld [tilespmem:s9+$0x0];
	v34 =	vmul.f32 v52, v16;
	[tilespmem:s9+$0xFFFFFF10] =	vst v23;
	v23 =	vmax.f32 v57, v28  }
0x7d: {  	[tilespmem:s9+$0x90] =	vst v20;
	v16 =	vld [tilespmem:s9+$0xC0];
	v23 =	vmul.f32 $1.442695020e+00, v23;
	v0 =	vmax.f32 v0, v25;
	v19 =	vmax.f32 v19, v26  }
0x7e: {  	[tilespmem:s9+$0xFFFFFFA0] =	vst v17;
	v0 =	vmul.f32 $1.442695020e+00, v0;
	v14 =	vmul.f32 $1.442695020e+00, v19;
	v19 =	vld [tilespmem:s9+$0x60]  }
0x7f: {  	v18 =	vperm.xlane v18, v62;
	[tilespmem:s9+$0xFFFFFF00] =	vst v22;
	v22 =	vld [tilespmem:s9+$0x10];
	(erf) = vpow2.f32 v23  }
0x80: {  	v32 =	vmul.f32 v39, v32;
	v28 =	vld [tilespmem:s9+$0x30];
	[tilespmem:s9+$0xFFFFFF30] =	vst v29;
	(erf) = vpow2.f32 v0  }
0x81: {  	v37 =	vmul.f32 v42, v37;
	[tilespmem:s9+$0xFFFFFF50] =	vst v15;
	v15 =	vld [tilespmem:s9+$0xB0];
	(erf) = vpow2.f32 v14  }
0x82: {  	v18 =	vmul.f32 v18, v40;
	[tilespmem:s9+$0xFFFFFF40] =	vst v32;
	v25 =	vld [tilespmem:s9+$0x40]  }
0x83: {  	[tilespmem:s9+$0xFFFFFF60] =	vst v37;
	v26 =	vld [tilespmem:s9+$0x50];
	v0 =	vmul.f32 v58, v19  }
0x84: {  	v21 =	vmul.f32 v30, v43;
	v30 =	vmul.f32 v31, v45;
	[tilespmem:s9+$0xFFFFFF70] =	vst v18;
	v23 =	vld [tilespmem:s9+$0x70]  }
0x85: {  	v43 =	vpop (erf);
	v14 =	vld [tilespmem:s9+$0xA0];
	[tilespmem:$0x1FFE0] =	vst v0  }
0x86: {  	[tilespmem:s12+$0x10] =	vst v43  }
0x87: {  	v29 =	vmul.f32 v44, v61;
	v17 =	vld [tilespmem:s9+$0xD0];
	[tilespmem:s9+$0xFFFFFFB0] =	vst v21  }
0x88: {  	s11 =	simm.s32 $0x3300;
	v59 =	vmul.f32 v46, v48;
	v18 =	vld [tilespmem:s9+$0xE0];
	[tilespmem:s9+$0xFFFFFFC0] =	vst v30;
	v30 =	vpop (erf)  }
0x89: {  	v27 =	vmul.f32 v47, v27;
	v36 =	vmul.f32 v49, v24;
	[tilespmem:s9+$0xFFFFFFD0] =	vst v29;
	v49 =	vld [tilespmem:s11+$0xF0];
	v47 =	vpop (erf)  }
0x8a: {  	v5 =	vimm.s32 $0x0;
	v33 =	vmul.f32 v50, v22;
	v61 =	vmul.f32 v56, v26;
	[tilespmem:s9+$0xFFFFFFE0] =	vst v59;
	v26 =	vld [tilespmem:s11+$0x80];
	v50 =	vpop (erf)  }
0x8b: {  	[tilespmem:s12+$0xFFFFFFF0] =	vst v30;
	v31 =	vld [tilespmem:s11+$0x90];
	v0 =	vperm.xlane v50, v5  }
0x8c: {  	v44 =	vld [tilespmem:s11+$0xFFFFFF80];
	[tilespmem:s12+$0xFFFFFFE0] =	vst v50  }
0x8d: {  	v45 =	vld [tilespmem:s11+$0xFFFFFF90];
	[tilespmem:$0x1FFF0] =	vst v0  }
0x8e: {  	[tilespmem:s9+$0xFFFFFFF0] =	vst v27  }
0x8f: {  	[tilespmem:s9+$0x0] =	vst v36  }
0x90: {  	v28 =	vmul.f32 v53, v28;
	[tilespmem:s9+$0x10] =	vst v33  }
0x91: {  	v24 =	vperm.xlane v43, v6;
	v48 =	vmul.f32 v55, v25;
	[tilespmem:s9+$0x20] =	vst v34  }
0x92: {  	v20 =	vperm.xlane v43, v2;
	v22 =	vperm.xlane v43, v7;
	[tilespmem:s9+$0x30] =	vst v28  }
0x93: {  	v21 =	vperm.xlane v43, v1;
	v29 =	vperm.xlane v43, v62;
	[tilespmem:s9+$0x40] =	vst v48  }
0x94: {  	v42 =	vperm.xlane v30, v1;
	v55 =	vperm.xlane v50, v1;
	[tilespmem:s9+$0x50] =	vst v61  }
0x95: {  	v0 =	vmul.f32 v29, v49;
	v29 =	vperm.xlane v47, v1;
	v1 =	vimm.s32 $0x4;
	v46 =	vld [tilespmem:s11+$0xFFFFFFA0];
	[tilespmem:s12+$0x0] =	vst v47  }
0x96: {  	v25 =	vperm.xlane v43, v5;
	v33 =	vperm.xlane v47, v1;
	v1 =	vld [tilespmem:$0x1FFE0]  }
0x97: {  	v19 =	vperm.xlane v43, v3;
	v41 =	vperm.xlane v30, v5;
	v63 =	vld [tilespmem:s11+$0xFFFFFF00]  }
0x98: {  	v38 =	vperm.xlane v30, v6;
	v39 =	vperm.xlane v30, v7;
	v58 =	vld [tilespmem:s11+$0xFFFFFF10]  }
0x99: {  	v56 =	vperm.xlane v50, v6;
	v57 =	vperm.xlane v50, v7;
	v59 =	vld [tilespmem:s11+$0xFFFFFF20]  }
0x9a: {  	v53 =	vperm.xlane v50, v2;
	v54 =	vperm.xlane v50, v3;
	v60 =	vld [tilespmem:s11+$0xFFFFFF30];
	[tilespmem:s11+$0xF0] =	vst v0  }
0x9b: {  	v52 =	vperm.xlane v50, v4;
	v49 =	vperm.xlane v50, v62;
	v50 =	vld [tilespmem:s11+$0xFFFFFF40];
	[tilespmem:s9+$0x60] =	vst v1  }
0x9c: {  	v40 =	vperm.xlane v30, v2;
	v37 =	vperm.xlane v30, v4;
	v2 =	vimm.s32 $0x5;
	v0 =	vld [tilespmem:$0x1FFF0]  }
0x9d: {  	v35 =	vperm.xlane v30, v62;
	v32 =	vperm.xlane v47, v2;
	v51 =	vld [tilespmem:s11+$0xFFFFFF50]  }
0x9e: {  	v4 =	vimm.s32 $0x7;
	v36 =	vperm.xlane v30, v3;
	v34 =	vperm.xlane v47, v5;
	v61 =	vld [tilespmem:s11+$0xFFFFFF60]  }
0x9f: {  	v27 =	vperm.xlane v47, v6;
	v28 =	vperm.xlane v47, v7;
	v3 =	vimm.s32 $0x6;
	v62 =	vld [tilespmem:s11+$0xFFFFFF70]  }
0xa0: {  	v48 =	vld [tilespmem:s11+$0xFFFFFFB0];
	v30 =	vperm.xlane v47, v3;
	v47 =	vperm.xlane v47, v4  }
0xa1: {  	s13 =	simm.s32 $0x4;
	s14 =	simm.s32 $0x28A0;
	s12 =	simm.s32 $0x3300;
	v43 =	vperm.xlane v43, v3;
	v0 =	vmul.f32 v0, v63;
	v63 =	vld [tilespmem:s11+$0xFFFFFFC0]  }
.LBB2_3:
0xa2: {  	v1 =	vld [tilespmem:s14+$0x10];
	v56 =	vmul.f32 v56, v58;
	v57 =	vmul.f32 v57, v59;
	s10 =	sadd.s32 $0x40, s10  }
0xa3: {  	s13 =	sadd.s32 $0x4, s13;
	v50 =	vmul.f32 v53, v50;
	v58 =	vld [tilespmem:s10+$0x10];
	[tilespmem:s11+$0xFFFFFF00] =	vst v0;
	v0 =	vmul.f32 v55, v60  }
0xa4: {  	v51 =	vmul.f32 v54, v51;
	p1 =	slt.u32 s13, $0x3C;
	v52 =	vmul.f32 v52, v61;
	v53 =	vld [tilespmem:s10+$0xFFFFFFE0];
	[tilespmem:s11+$0xFFFFFF10] =	vst v56  }
0xa5: {  	v41 =	vmul.f32 v41, v44;
	v55 =	vmul.f32 v49, v62;
	v54 =	vld [tilespmem:s14+$0xFFFFFFF0];
	[tilespmem:s11+$0xFFFFFF20] =	vst v57  }
0xa6: {  	v44 =	vld [tilespmem:s10+$0xFFFFFFF0];
	[tilespmem:s11+$0xFFFFFF30] =	vst v0;
	v0 =	vmul.f32 v38, v45;
	v38 =	vmul.f32 v39, v46  }
0xa7: {  	v42 =	vmul.f32 v42, v48;
	v40 =	vmul.f32 v40, v63;
	v39 =	vld [tilespmem:s14+$0x0];
	[tilespmem:s11+$0xFFFFFF40] =	vst v50  }
0xa8: {  	v25 =	vmul.f32 v25, v26;
	v23 =	vmul.f32 v13, v23;
	v45 =	vld [tilespmem:s10+$0x0];
	v1 =	vadd.f32 v58, v1;
	[tilespmem:s11+$0xFFFFFF50] =	vst v51  }
0xa9: {  	v24 =	vmul.f32 v24, v31;
	v13 =	vmovc v47;
	v49 =	vmul.f32 v9, v14;
	v9 =	vmov v22;
	v26 =	vld [tilespmem:s14+$0xFFFFFFE0];
	[tilespmem:s11+$0xFFFFFF60] =	vst v52  }
0xaa: {  	v50 =	vmul.f32 v8, v15;
	v8 =	vmov v21;
	v14 =	vmul.f32 $2.000000030e-01, v1;
	[tilespmem:s11+$0xFFFFFF70] =	vst v55;
	v22 =	vld [tilespmem:s11+$0xFFFFFFD0]  }
0xab: {  	v47 =	vmul.f32 v10, v17;
	v51 =	vmul.f32 v11, v16;
	v15 =	vadd.f32 v44, v54;
	[tilespmem:s11+$0xFFFFFF80] =	vst v41;
	v21 =	vld [tilespmem:s11+$0xFFFFFFE0]  }
0xac: {  	v10 =	vmovc v19;
	v48 =	vmul.f32 v12, v18;
	v11 =	vmov v20;
	v1 =	vmax.f32 v1, v14;
	[tilespmem:s11+$0xFFFFFF90] =	vst v0;
	v0 =	vld [tilespmem:s11+$0xFFFFFFF0]  }
0xad: {  	v12 =	vmovc v43;
	v14 =	vmul.f32 $2.000000030e-01, v15;
	v16 =	vadd.f32 v45, v39;
	v1 =	vmul.f32 $1.442695020e+00, v1;
	[tilespmem:s11+$0xFFFFFFA0] =	vst v38;
	v17 =	vld [tilespmem:s11+$0x0]  }
0xae: {  	v18 =	vadd.f32 v53, v26;
	[tilespmem:s11+$0xFFFFFFB0] =	vst v42;
	v19 =	vld [tilespmem:s11+$0x10]  }
0xaf: {  	v14 =	vmax.f32 v15, v14;
	v15 =	vmul.f32 $2.000000030e-01, v16;
	(erf) = vpow2.f32 v1;
	[tilespmem:s11+$0xFFFFFFC0] =	vst v40;
	v1 =	vld [tilespmem:s11+$0x20]  }
0xb0: {  	v20 =	vmul.f32 $2.000000030e-01, v18;
	v14 =	vmul.f32 $1.442695020e+00, v14;
	v26 =	vld [tilespmem:s11+$0x30];
	[tilespmem:s9+$0x70] =	vst v23  }
0xb1: {  	v21 =	vmul.f32 v37, v21;
	v15 =	vmax.f32 v16, v15;
	v16 =	vmul.f32 v36, v22;
	v22 =	vld [tilespmem:s11+$0x40];
	[tilespmem:s11+$0x80] =	vst v25  }
0xb2: {  	v18 =	vmax.f32 v18, v20;
	v15 =	vmul.f32 $1.442695020e+00, v15;
	(erf) = vpow2.f32 v14;
	v20 =	vld [tilespmem:s11+$0x50];
	[tilespmem:s11+$0x90] =	vst v24  }
0xb3: {  	v0 =	vmul.f32 v35, v0;
	v14 =	vmul.f32 $1.442695020e+00, v18;
	[tilespmem:s11+$0xFFFFFFD0] =	vst v16;
	v18 =	vld [tilespmem:s11+$0x60]  }
0xb4: {  	(erf) = vpow2.f32 v15;
	[tilespmem:s11+$0xFFFFFFE0] =	vst v21;
	v15 =	vmul.f32 v34, v17;
	v23 =	vld [tilespmem:s11+$0x70]  }
0xb5: {  	(erf) = vpow2.f32 v14;
	[tilespmem:s11+$0xFFFFFFF0] =	vst v0;
	v0 =	vmul.f32 v27, v19;
	v14 =	vld [tilespmem:s11+$0xA0]  }
0xb6: {  	v1 =	vmul.f32 v28, v1;
	v19 =	vmul.f32 v29, v26;
	[tilespmem:s11+$0x0] =	vst v15;
	v15 =	vld [tilespmem:s11+$0xB0]  }
0xb7: {  	[tilespmem:s11+$0x10] =	vst v0;
	v0 =	vmul.f32 v33, v22;
	v27 =	vmul.f32 v32, v20;
	v16 =	vld [tilespmem:s11+$0xC0]  }
0xb8: {  	v4 =	vimm.s32 $0x3;
	v33 =	vimm.s32 $0x0;
	v43 =	vpop (erf);
	[tilespmem:s11+$0x20] =	vst v1;
	v1 =	vmul.f32 v30, v18;
	v17 =	vld [tilespmem:s11+$0xD0]  }
0xb9: {  	v32 =	vimm.s32 $0x5;
	s11 =	sadd.s32 $0x200, s11;
	[tilespmem:s14+$0x10] =	vst v43;
	v25 =	vperm.xlane v43, v33;
	v24 =	vperm.xlane v43, v6;
	v18 =	vld [tilespmem:s12+$0xE0]  }
0xba: {  	v30 =	vimm.s32 $0x4;
	v22 =	vperm.xlane v43, v7;
	v21 =	vperm.xlane v43, v4;
	v28 =	vld [tilespmem:s11+$0xF0];
	[tilespmem:s12+$0x30] =	vst v19  }
0xbb: {  	v20 =	vperm.xlane v43, v30;
	v19 =	vperm.xlane v43, v32;
	v26 =	vld [tilespmem:s11+$0x80];
	v29 =	vpop (erf);
	[tilespmem:s12+$0x40] =	vst v0  }
0xbc: {  	v5 =	vimm.s32 $0x7;
	[tilespmem:s14+$0xFFFFFFF0] =	vst v29;
	v41 =	vperm.xlane v29, v33;
	v38 =	vperm.xlane v29, v6;
	v31 =	vld [tilespmem:s11+$0x90]  }
0xbd: {  	v0 =	vperm.xlane v43, v5;
	v39 =	vperm.xlane v29, v7;
	v44 =	vld [tilespmem:s11+$0xFFFFFF80];
	v63 =	vpop (erf);
	[tilespmem:s12+$0x50] =	vst v27  }
0xbe: {  	v42 =	vperm.xlane v29, v4;
	v40 =	vperm.xlane v29, v30;
	v45 =	vld [tilespmem:s11+$0xFFFFFF90];
	[tilespmem:s14+$0x0] =	vst v63;
	v27 =	vpop (erf)  }
0xbf: {  	[tilespmem:s14+$0xFFFFFFE0] =	vst v27;
	v2 =	vperm.xlane v27, v33;
	v46 =	vld [tilespmem:s11+$0xFFFFFFA0];
	v0 =	vmul.f32 v0, v28  }
0xc0: {  	v56 =	vperm.xlane v27, v6;
	v57 =	vperm.xlane v27, v7;
	v3 =	vld [tilespmem:s11+$0xFFFFFF00];
	[tilespmem:s12+$0x60] =	vst v1  }
0xc1: {  	v55 =	vperm.xlane v27, v4;
	v53 =	vperm.xlane v27, v30;
	v1 =	vimm.s32 $0x6;
	v58 =	vld [tilespmem:s11+$0xFFFFFF10];
	[tilespmem:s11+$0xF0] =	vst v0  }
0xc2: {  	v54 =	vperm.xlane v27, v32;
	v52 =	vperm.xlane v27, v1;
	v59 =	vld [tilespmem:s11+$0xFFFFFF20];
	[tilespmem:s9+$0xA0] =	vst v49  }
0xc3: {  	v36 =	vperm.xlane v29, v32;
	v49 =	vperm.xlane v27, v5;
	v60 =	vld [tilespmem:s11+$0xFFFFFF30];
	[tilespmem:s9+$0xB0] =	vst v50  }
0xc4: {  	v35 =	vperm.xlane v29, v5;
	v37 =	vperm.xlane v29, v1;
	v50 =	vld [tilespmem:s11+$0xFFFFFF40];
	[tilespmem:s9+$0xC0] =	vst v51  }
.Ltmp2:
0xc5: {  	v34 =	vperm.xlane v63, v33;
	v27 =	vperm.xlane v63, v6;
	v51 =	vld [tilespmem:s11+$0xFFFFFF50];
	[tilespmem:s9+$0xD0] =	vst v47;
	(pc) =	sbr.rel @p1 .LBB2_3-.Ltmp2, $4  }
0xc6: {  	v28 =	vperm.xlane v63, v7;
	v29 =	vperm.xlane v63, v4;
	v61 =	vld [tilespmem:s11+$0xFFFFFF60];
	[tilespmem:s9+$0xE0] =	vst v48;
	s9 =	smov.u32 s12;
	s12 =	smov.u32 s11  }
0xc7: {  	v33 =	vperm.xlane v63, v30;
	v32 =	vperm.xlane v63, v32;
	v62 =	vld [tilespmem:s11+$0xFFFFFF70]  }
0xc8: {  	v30 =	vperm.xlane v63, v1;
	v47 =	vperm.xlane v63, v5;
	v48 =	vld [tilespmem:s11+$0xFFFFFFB0]  }
0xc9: {  	s14 =	sadd.s32 $0x40, s14;
	v43 =	vperm.xlane v43, v1;
	v0 =	vmul.f32 v2, v3;
	v63 =	vld [tilespmem:s11+$0xFFFFFFC0]  }
0xca: {  	v1 =	vmul.f32 v56, v58  }
0xcb: {  	v2 =	vmul.f32 v57, v59;
	[tilespmem:s11+$0xFFFFFF00] =	vst v0  }
0xcc: {  	v3 =	vmul.f32 v38, v45;
	[tilespmem:s11+$0xFFFFFF10] =	vst v1  }
0xcd: {  	v58 =	vmul.f32 v39, v46;
	[tilespmem:s11+$0xFFFFFF20] =	vst v2  }
0xce: {  	v13 =	vmul.f32 v13, v23;
	[tilespmem:s11+$0xFFFFFF90] =	vst v3  }
0xcf: {  	v0 =	vmul.f32 v55, v60;
	[tilespmem:s11+$0xFFFFFFA0] =	vst v58  }
0xd0: {  	v1 =	vmul.f32 v53, v50;
	[tilespmem:s9+$0x70] =	vst v13  }
0xd1: {  	v2 =	vmul.f32 v54, v51;
	[tilespmem:s11+$0xFFFFFF30] =	vst v0  }
0xd2: {  	v0 =	vmul.f32 v41, v44;
	[tilespmem:s11+$0xFFFFFF40] =	vst v1  }
0xd3: {  	v1 =	vmul.f32 v52, v61;
	[tilespmem:s11+$0xFFFFFF50] =	vst v2  }
0xd4: {  	v2 =	vld [tilespmem:s11+$0xFFFFFFD0];
	[tilespmem:s11+$0xFFFFFF80] =	vst v0;
	v0 =	vmul.f32 v49, v62  }
0xd5: {  	v24 =	vmul.f32 v24, v31;
	[tilespmem:s11+$0xFFFFFF60] =	vst v1;
	v1 =	vld [tilespmem:s11+$0xFFFFFFE0]  }
0xd6: {  	v3 =	vmul.f32 v42, v48;
	[tilespmem:s11+$0xFFFFFF70] =	vst v0;
	v0 =	vld [tilespmem:s11+$0xFFFFFFF0]  }
0xd7: {  	v23 =	vld [tilespmem:s11+$0x0];
	[tilespmem:s11+$0x90] =	vst v24;
	v59 =	vmul.f32 v40, v63  }
0xd8: {  	[tilespmem:s11+$0xFFFFFFB0] =	vst v3;
	v3 =	vmul.f32 v25, v26;
	v25 =	vld [tilespmem:s11+$0x10]  }
0xd9: {  	v26 =	vld [tilespmem:s11+$0x20];
	[tilespmem:s11+$0xFFFFFFC0] =	vst v59;
	v2 =	vmul.f32 v36, v2  }
0xda: {  	v13 =	vld [tilespmem:s11+$0x30];
	[tilespmem:s11+$0x80] =	vst v3;
	v1 =	vmul.f32 v37, v1  }
0xdb: {  	v3 =	vld [tilespmem:s11+$0x40];
	[tilespmem:s11+$0xFFFFFFD0] =	vst v2;
	v0 =	vmul.f32 v35, v0  }
0xdc: {  	v2 =	vld [tilespmem:s11+$0x60];
	[tilespmem:s11+$0xFFFFFFE0] =	vst v1;
	v1 =	vmul.f32 v34, v23  }
0xdd: {  	v24 =	vld [tilespmem:s11+$0x50];
	[tilespmem:s11+$0xFFFFFFF0] =	vst v0;
	v0 =	vmul.f32 v27, v25  }
0xde: {  	[tilespmem:s11+$0x0] =	vst v1;
	v1 =	vmul.f32 v28, v26  }
0xdf: {  	v13 =	vmul.f32 v29, v13;
	[tilespmem:s11+$0x10] =	vst v0  }
0xe0: {  	v0 =	vmul.f32 v33, v3;
	[tilespmem:s11+$0x20] =	vst v1  }
0xe1: {  	v23 =	vld [tilespmem:s11+$0x70];
	v2 =	vmul.f32 v30, v2;
	[tilespmem:s12+$0x30] =	vst v13  }
0xe2: {  	v1 =	vmul.f32 v32, v24;
	[tilespmem:s12+$0x40] =	vst v0  }
0xe3: {  	v0 =	vmul.f32 v9, v14;
	[tilespmem:s12+$0x60] =	vst v2  }
0xe4: {  	v3 =	vld [tilespmem:s11+$0xA0];
	v2 =	vmul.f32 v11, v16;
	[tilespmem:s12+$0x50] =	vst v1  }
0xe5: {  	v1 =	vmul.f32 v8, v15;
	v8 =	vld [tilespmem:s11+$0xB0];
	[tilespmem:s9+$0xA0] =	vst v0  }
0xe6: {  	v9 =	vld [tilespmem:s11+$0xC0];
	v0 =	vmul.f32 v10, v17;
	[tilespmem:s9+$0xC0] =	vst v2  }
0xe7: {  	v10 =	vld [tilespmem:s11+$0xD0];
	[tilespmem:s9+$0xB0] =	vst v1;
	v1 =	vmul.f32 v12, v18  }
0xe8: {  	v2 =	vld [tilespmem:s12+$0xE0];
	[tilespmem:s9+$0xD0] =	vst v0;
	v0 =	vmul.f32 v47, v23  }
0xe9: {  	[tilespmem:s9+$0xE0] =	vst v1;
	v1 =	vmul.f32 v22, v3  }
0xea: {  	v3 =	vmul.f32 v21, v8;
	[tilespmem:s12+$0x70] =	vst v0  }
0xeb: {  	v0 =	vmul.f32 v20, v9;
	[tilespmem:s12+$0xA0] =	vst v1  }
0xec: {  	v1 =	vmul.f32 v19, v10;
	[tilespmem:s12+$0xB0] =	vst v3  }
0xed: {  	s9 =	sshll.u32 s7, $0x7;
	v2 =	vmul.f32 v43, v2;
	[tilespmem:s12+$0xC0] =	vst v0  }
0xee: {  	s10 =	sand.u32 $0x3FFFFF80, s9;
	[tilespmem:s12+$0xD0] =	vst v1  }
0xef: {  	s13 =	sadd.s32 $0x1400, s10;
	[tilespmem:s12+$0xE0] =	vst v2  }
0xf0: {  	[spmem:s2] =	stream.indirect.scatter.add.f32 [tilespmem:s23], [sflag:$0x3], $0x80, s13, s20, $0xb8;
	[tilespmem:$0x1DB80] =	vst v63  }
0xf1: {  	_ = 	snop  }
0xf2: {  	[spmem:s1] =	stream.indirect.scatter.add.f32 [tilespmem:s21], [sflag:$0x3], $0x10, s13, s20, $0xb8;
	[tilespmem:$0x1DB80] =	vst v63  }
0xf3: {  	_ =	swait.ge [sflag:s31], $0x2000  }
0xf4: {  	[sflag:s31] =	ssyncset.done $0x0  }
0xf5: {  	[sflag:s31] =	ssyncadd.s32 $0xFFFFE000  }
0xf6: {  	p1 =	seq.s32 s7, $0x27;
	_ =	swait.ge [sflag:s31], $0x400  }
0xf7: {  	s11 =	sadd.s32 @!p1 $0x80, s9;
	[sflag:s31] =	ssyncset.done $0x0  }
0xf8: {  	s12 =	simm.s32 @!p1 $0x40;
	s13 =	simm.s32 @!p1 $0x2800;
	[sflag:s31] =	ssyncadd.s32 $0xFFFFFC00  }
0xf9: {  	[tilespmem:s13], [sflag:$0x1] =	stream.indirect.gather @!p1 [hbm4b:s4+s12], $0x10, s11, s12, $0xb8;
	[tilespmem:$0x1DB80] =	vst v63  }
0xfa: {  	s14 =	simm.s32 @!p1 $0x2C00;
	s13 =	sadd.s32 @!p1 $0x1480, s9  }
0xfb: {  	[tilespmem:s14], [sflag:$0x1] =	stream.indirect.gather @!p1 [hbm4b:s5+s12], $0x10, s13, s12, $0xb8;
	[tilespmem:$0x1DB80] =	vst v63  }
0xfc: {  	s13 =	simm.s32 @!p1 $0x3000  }
0xfd: {  	[tilespmem:s13], [sflag:$0x1] =	stream.indirect.gather @!p1 [hbm4b:s6+s12], $0x80, s11, s12, $0xb8;
	[tilespmem:$0x1DB80] =	vst v63  }
0xfe: {  	_ =	swait.ge [sflag:s0], $0x400  }
0xff: {  	[sflag:s0] =	ssyncset.done $0x0  }
0x100: {  	[sflag:s0] =	ssyncadd.s32 $0xFFFFFC00  }
0x101: {  	_ =	swait.ge [sflag:s0], $0x400  }
0x102: {  	[sflag:s0] =	ssyncset.done $0x0  }
0x103: {  	[sflag:s0] =	ssyncadd.s32 $0xFFFFFC00  }
0x104: {  	_ =	swait.ge [sflag:s0], $0x2000  }
0x105: {  	[sflag:s0] =	ssyncset.done $0x0  }
0x106: {  	s14 =	simm.s32 $0x5020;
	[sflag:s0] =	ssyncadd.s32 $0xFFFFE000  }
0x107: {  	s15 =	simm.s32 $0x5420;
	v0 =	vld [tilespmem:s14+$0x10]  }
0x108: {  	v1 =	vld [tilespmem:s15+$0x10];
	_ =	sdelay $0x1  }
0x109: {  	v3 =	vld [tilespmem:s14+$0xFFFFFFF0]  }
0x10a: {  	v8 =	vld [tilespmem:s15+$0xFFFFFFF0]  }
0x10b: {  	v2 =	vld [tilespmem:s15+$0xFFFFFFE0]  }
0x10c: {  	v9 =	vld [tilespmem:s14+$0x0];
	v0 =	vadd.f32 v1, v0  }
0x10d: {  	v10 =	vld [tilespmem:s15+$0x0]  }
0x10e: {  	v1 =	vld [tilespmem:s14+$0xFFFFFFE0];
	v11 =	vmul.f32 $2.000000030e-01, v0  }
0x10f: {  	v3 =	vadd.f32 v8, v3  }
0x110: {  	v0 =	vmax.f32 v0, v11  }
0x111: {  	v8 =	vmul.f32 $2.000000030e-01, v3;
	v0 =	vmul.f32 $1.442695020e+00, v0  }
0x112: {  	v9 =	vadd.f32 v10, v9  }
0x113: {  	v1 =	vadd.f32 v2, v1;
	v2 =	vmax.f32 v3, v8;
	(erf) = vpow2.f32 v0  }
0x114: {  	v3 =	vmul.f32 $2.000000030e-01, v9;
	v2 =	vmul.f32 $1.442695020e+00, v2  }
0x115: {  	v0 =	vmul.f32 $2.000000030e-01, v1  }
0x116: {  	v3 =	vmax.f32 v9, v3;
	(erf) = vpow2.f32 v2  }
0x117: {  	v0 =	vmax.f32 v1, v0;
	v1 =	vmul.f32 $1.442695020e+00, v3  }
0x118: {  	v0 =	vmul.f32 $1.442695020e+00, v0  }
0x119: {  	(erf) = vpow2.f32 v1  }
0x11a: {  	s16 =	simm.s32 $0x5060  }
0x11b: {  	s12 =	simm.s32 $0x5460;
	v45 =	vld [tilespmem:s16+$0x10];
	(erf) = vpow2.f32 v0  }
0x11c: {  	v61 =	vimm.s32 $0x0;
	v51 =	vld [tilespmem:s12+$0xFFFFFFE0];
	v0 =	vpop (erf)  }
0x11d: {  	v4 =	vimm.s32 $0x4;
	s11 =	simm.s32 $0x5900;
	v54 =	vld [tilespmem:s16+$0xFFFFFFF0];
	[tilespmem:s14+$0x10] =	vst v0;
	v17 =	vperm.xlane v0, v61  }
0x11e: {  	v62 =	vimm.s32 $0x3;
	v18 =	vperm.xlane v0, v6;
	v9 =	vperm.xlane v0, v7;
	v1 =	vld [tilespmem:s11+$0xF0]  }
0x11f: {  	v2 =	vpop (erf);
	v8 =	vperm.xlane v0, v62;
	v11 =	vperm.xlane v0, v4;
	v4 =	vimm.s32 $0x5;
	v3 =	vld [tilespmem:s11+$0x80]  }
0x120: {  	[tilespmem:s14+$0xFFFFFFF0] =	vst v2;
	v10 =	vperm.xlane v0, v4;
	v22 =	vperm.xlane v2, v61;
	v59 =	vld [tilespmem:s11+$0x90]  }
0x121: {  	v23 =	vperm.xlane v2, v6;
	v25 =	vperm.xlane v2, v7;
	v4 =	vimm.s32 $0x7;
	v14 =	vld [tilespmem:s11+$0xFFFFFF80]  }
0x122: {  	v27 =	vperm.xlane v2, v62;
	v16 =	vld [tilespmem:s11+$0xFFFFFF90];
	v13 =	vperm.xlane v0, v4;
	v4 =	vimm.s32 $0x4;
	v15 =	vpop (erf)  }
0x123: {  	v19 =	vld [tilespmem:s11+$0xFFFFFFA0];
	v28 =	vperm.xlane v2, v4;
	v46 =	vperm.xlane v15, v61  }
0x124: {  	v60 =	vimm.s32 $0x5;
	v40 =	vld [tilespmem:s11+$0xFFFFFFB0];
	v12 =	vpop (erf);
	v47 =	vperm.xlane v15, v6;
	v49 =	vperm.xlane v15, v7  }
0x125: {  	v50 =	vperm.xlane v15, v62;
	[tilespmem:s14+$0xFFFFFFE0] =	vst v12;
	v38 =	vperm.xlane v12, v60;
	v60 =	vld [tilespmem:s12+$0x10]  }
0x126: {  	v30 =	vperm.xlane v12, v61;
	v32 =	vperm.xlane v12, v6;
	v20 =	vld [tilespmem:s11+$0xFFFFFF00]  }
0x127: {  	v63 =	vimm.s32 $0x7;
	v33 =	vperm.xlane v12, v7;
	v35 =	vperm.xlane v12, v62;
	v21 =	vld [tilespmem:s11+$0xFFFFFF10]  }
0x128: {  	v36 =	vperm.xlane v12, v4;
	v4 =	vimm.s32 $0x6;
	v41 =	vperm.xlane v12, v63;
	v24 =	vld [tilespmem:s11+$0xFFFFFF20]  }
0x129: {  	v26 =	vld [tilespmem:s11+$0xFFFFFF30];
	v1 =	vmul.f32 v13, v1;
	v39 =	vperm.xlane v12, v4  }
0x12a: {  	v29 =	vld [tilespmem:s11+$0xFFFFFF40];
	v44 =	vperm.xlane v2, v4;
	v55 =	vperm.xlane v15, v4  }
0x12b: {  	v31 =	vld [tilespmem:s11+$0xFFFFFF50];
	v12 =	vimm.s32 $0x5;
	v3 =	vmul.f32 v17, v3;
	v18 =	vmul.f32 v18, v59  }
0x12c: {  	v34 =	vld [tilespmem:s11+$0xFFFFFF60];
	v13 =	vimm.s32 $0x4;
	v42 =	vperm.xlane v2, v12;
	v2 =	vperm.xlane v2, v63  }
0x12d: {  	v52 =	vperm.xlane v15, v13;
	v13 =	vperm.xlane v15, v63;
	v63 =	vld [tilespmem:s12+$0xFFFFFFF0]  }
0x12e: {  	v53 =	vperm.xlane v15, v12;
	v12 =	vperm.xlane v0, v4;
	v0 =	vld [tilespmem:s16+$0x0]  }
0x12f: {  	[tilespmem:s14+$0x0] =	vst v15;
	v14 =	vmul.f32 v22, v14;
	v22 =	vld [tilespmem:s12+$0x0];
	v16 =	vmul.f32 v23, v16  }
0x130: {  	v23 =	vld [tilespmem:s16+$0xFFFFFFE0];
	v19 =	vmul.f32 v25, v19;
	v27 =	vmul.f32 v27, v40;
	[tilespmem:s11+$0xF0] =	vst v1  }
0x131: {  	v43 =	vld [tilespmem:s11+$0xFFFFFFC0];
	[tilespmem:s11+$0x80] =	vst v3;
	v20 =	vmul.f32 v30, v20;
	v21 =	vmul.f32 v32, v21;
	v30 =	vadd.f32 v60, v45  }
0x132: {  	v57 =	vld [tilespmem:s11+$0xFFFFFFD0];
	[tilespmem:s11+$0x90] =	vst v18;
	v24 =	vmul.f32 v33, v24;
	v26 =	vmul.f32 v35, v26  }
0x133: {  	v37 =	vld [tilespmem:s11+$0xFFFFFF70];
	[tilespmem:s11+$0xFFFFFF80] =	vst v14;
	v14 =	vmul.f32 v38, v31;
	v31 =	vmul.f32 $2.000000030e-01, v30  }
0x134: {  	v58 =	vld [tilespmem:s11+$0xFFFFFFE0];
	[tilespmem:s11+$0xFFFFFF90] =	vst v16;
	v29 =	vmul.f32 v36, v29;
	v34 =	vmul.f32 v39, v34;
	v63 =	vadd.f32 v63, v54  }
0x135: {  	v25 =	vld [tilespmem:s11+$0x10];
	[tilespmem:s11+$0xFFFFFFA0] =	vst v19;
	v0 =	vadd.f32 v22, v0;
	v17 =	vadd.f32 v51, v23;
	v15 =	vmax.f32 v30, v31  }
0x136: {  	v16 =	vld [tilespmem:s11+$0xFFFFFFF0];
	[tilespmem:s11+$0xFFFFFFB0] =	vst v27;
	v1 =	vmul.f32 $2.000000030e-01, v63;
	v15 =	vmul.f32 $1.442695020e+00, v15  }
0x137: {  	v22 =	vld [tilespmem:s11+$0x0];
	[tilespmem:s11+$0xFFFFFF10] =	vst v21;
	v21 =	vmul.f32 $2.000000030e-01, v0;
	v23 =	vmul.f32 $2.000000030e-01, v17  }
0x138: {  	v60 =	vmul.f32 v41, v37;
	[tilespmem:s11+$0xFFFFFF20] =	vst v24;
	v24 =	vld [tilespmem:s11+$0x30];
	v1 =	vmax.f32 v63, v1;
	(erf) = vpow2.f32 v15  }
0x139: {  	[tilespmem:s11+$0xFFFFFF00] =	vst v20;
	v0 =	vmax.f32 v0, v21;
	v21 =	vld [tilespmem:s11+$0x40];
	v17 =	vmax.f32 v17, v23;
	v1 =	vmul.f32 $1.442695020e+00, v1  }
0x13a: {  	v20 =	vmul.f32 v28, v43;
	[tilespmem:s11+$0xFFFFFF30] =	vst v26;
	v3 =	vmul.f32 $1.442695020e+00, v17;
	v17 =	vld [tilespmem:s11+$0x60]  }
0x13b: {  	v28 =	vmul.f32 v42, v57;
	[tilespmem:s11+$0xFFFFFF40] =	vst v29;
	v15 =	vld [tilespmem:s11+$0x20];
	(erf) = vpow2.f32 v1  }
0x13c: {  	v29 =	vmul.f32 v44, v58;
	[tilespmem:s11+$0xFFFFFF50] =	vst v14;
	v0 =	vmul.f32 $1.442695020e+00, v0;
	v1 =	vld [tilespmem:s11+$0x50]  }
0x13d: {  	v18 =	vld [tilespmem:s11+$0xE0];
	[tilespmem:s11+$0xFFFFFF60] =	vst v34;
	v2 =	vmul.f32 v2, v16;
	v35 =	vmul.f32 v46, v22  }
0x13e: {  	v14 =	vld [tilespmem:s11+$0xA0];
	[tilespmem:s11+$0xFFFFFFC0] =	vst v20;
	v32 =	vmul.f32 v50, v24;
	(erf) = vpow2.f32 v0  }
0x13f: {  	v16 =	vld [tilespmem:s11+$0xC0];
	[tilespmem:s11+$0xFFFFFFD0] =	vst v28;
	(erf) = vpow2.f32 v3;
	v3 =	vmul.f32 v47, v25  }
0x140: {  	[tilespmem:s11+$0xFFFFFFE0] =	vst v29;
	v23 =	vld [tilespmem:s11+$0x70];
	v33 =	vmul.f32 v52, v21;
	v47 =	vmul.f32 v55, v17  }
0x141: {  	[tilespmem:s11+$0xFFFFFFF0] =	vst v2;
	v17 =	vld [tilespmem:s11+$0xD0];
	v30 =	vmul.f32 v49, v15;
	v48 =	vmul.f32 v53, v1;
	v43 =	vpop (erf)  }
0x142: {  	s13 =	simm.s32 $0x5B00;
	v36 =	vimm.s32 $0x5;
	v15 =	vld [tilespmem:s11+$0xB0];
	[tilespmem:s16+$0x10] =	vst v43;
	v25 =	vperm.xlane v43, v61;
	v24 =	vperm.xlane v43, v6  }
0x143: {  	[tilespmem:s11+$0x0] =	vst v35;
	v0 =	vimm.s32 $0x4;
	v22 =	vperm.xlane v43, v7;
	v21 =	vperm.xlane v43, v62;
	v27 =	vld [tilespmem:s13+$0xF0]  }
0x144: {  	v51 =	vimm.s32 $0x7;
	[tilespmem:s11+$0x30] =	vst v32;
	v20 =	vperm.xlane v43, v0;
	v19 =	vperm.xlane v43, v36;
	v34 =	vpop (erf);
	v26 =	vld [tilespmem:s13+$0x80]  }
0x145: {  	v28 =	vperm.xlane v43, v51;
	v43 =	vperm.xlane v43, v4;
	[tilespmem:s16+$0xFFFFFFF0] =	vst v34;
	v31 =	vld [tilespmem:s13+$0x90]  }
0x146: {  	[tilespmem:s11+$0x40] =	vst v33;
	v41 =	vperm.xlane v34, v61;
	v38 =	vperm.xlane v34, v6;
	v44 =	vld [tilespmem:s13+$0xFFFFFF80]  }
0x147: {  	[tilespmem:s11+$0x20] =	vst v30;
	v39 =	vperm.xlane v34, v7;
	v63 =	vpop (erf);
	v42 =	vperm.xlane v34, v62;
	v45 =	vld [tilespmem:s13+$0xFFFFFF90]  }
0x148: {  	v5 =	vimm.s32 $0x4;
	[tilespmem:s11+$0x50] =	vst v48;
	v40 =	vperm.xlane v34, v0;
	v37 =	vperm.xlane v34, v4;
	v29 =	vpop (erf);
	v46 =	vld [tilespmem:s13+$0xFFFFFFA0]  }
0x149: {  	v30 =	vimm.s32 $0x5;
	v35 =	vperm.xlane v34, v51;
	v33 =	vperm.xlane v63, v5;
	v48 =	vld [tilespmem:s13+$0xFFFFFFB0];
	[tilespmem:s16+$0xFFFFFFE0] =	vst v29  }
0x14a: {  	[tilespmem:s11+$0x10] =	vst v3;
	v3 =	vimm.s32 $0x7;
	v32 =	vperm.xlane v63, v30;
	v30 =	vperm.xlane v63, v4;
	v2 =	vld [tilespmem:s13+$0xFFFFFF00]  }
0x14b: {  	[tilespmem:s11+$0x60] =	vst v47;
	v47 =	vperm.xlane v63, v3;
	v1 =	vperm.xlane v29, v61;
	v58 =	vld [tilespmem:s13+$0xFFFFFF10]  }
0x14c: {  	v56 =	vperm.xlane v29, v6;
	v57 =	vperm.xlane v29, v7;
	v59 =	vld [tilespmem:s13+$0xFFFFFF20]  }
0x14d: {  	[tilespmem:s11+$0xFFFFFF70] =	vst v60;
	v55 =	vperm.xlane v29, v62;
	v53 =	vperm.xlane v29, v5;
	v60 =	vld [tilespmem:s13+$0xFFFFFF30]  }
0x14e: {  	v54 =	vperm.xlane v29, v36;
	v52 =	vperm.xlane v29, v4;
	v50 =	vld [tilespmem:s13+$0xFFFFFF40]  }
0x14f: {  	v49 =	vperm.xlane v29, v51;
	v36 =	vperm.xlane v34, v36;
	v51 =	vld [tilespmem:s13+$0xFFFFFF50]  }
0x150: {  	v34 =	vperm.xlane v63, v61;
	v61 =	vld [tilespmem:s13+$0xFFFFFF60];
	v0 =	vmul.f32 v28, v27  }
0x151: {  	[tilespmem:s16+$0x0] =	vst v63;
	v29 =	vperm.xlane v63, v62;
	v62 =	vld [tilespmem:s13+$0xFFFFFF70];
	v27 =	vperm.xlane v63, v6  }
0x152: {  	s15 =	simm.s32 $0x4;
	s14 =	simm.s32 $0x5B00;
	s16 =	simm.s32 $0x50A0;
	v28 =	vperm.xlane v63, v7;
	v63 =	vld [tilespmem:s13+$0xFFFFFFC0];
	[tilespmem:s13+$0xF0] =	vst v0;
	v0 =	vmul.f32 v1, v2  }
.LBB2_5:
0x153: {  	v1 =	vld [tilespmem:s16+$0x10];
	v2 =	vmul.f32 v56, v58;
	v3 =	vmul.f32 v57, v59;
	s12 =	sadd.s32 $0x40, s12  }
0x154: {  	s15 =	sadd.s32 $0x4, s15;
	v50 =	vmul.f32 v53, v50;
	v56 =	vld [tilespmem:s12+$0x10];
	[tilespmem:s13+$0xFFFFFF00] =	vst v0;
	v0 =	vmul.f32 v55, v60  }
0x155: {  	p2 =	slt.u32 s15, $0x3C;
	v53 =	vld [tilespmem:s12+$0xFFFFFFE0];
	[tilespmem:s13+$0xFFFFFF10] =	vst v2;
	v2 =	vmul.f32 v54, v51;
	v51 =	vmul.f32 v52, v61  }
0x156: {  	v41 =	vmul.f32 v41, v44;
	v52 =	vld [tilespmem:s16+$0xFFFFFFF0];
	[tilespmem:s13+$0xFFFFFF20] =	vst v3;
	v3 =	vmul.f32 v49, v62  }
0x157: {  	v44 =	vld [tilespmem:s12+$0xFFFFFFF0];
	[tilespmem:s13+$0xFFFFFF30] =	vst v0;
	v0 =	vmul.f32 v38, v45;
	v38 =	vmul.f32 v39, v46  }
0x158: {  	v42 =	vmul.f32 v42, v48;
	v40 =	vmul.f32 v40, v63;
	v39 =	vld [tilespmem:s16+$0x0];
	[tilespmem:s13+$0xFFFFFF40] =	vst v50  }
0x159: {  	v23 =	vmul.f32 v13, v23;
	v45 =	vld [tilespmem:s12+$0x0];
	v1 =	vadd.f32 v56, v1;
	[tilespmem:s13+$0xFFFFFF50] =	vst v2;
	v2 =	vmul.f32 v25, v26  }
0x15a: {  	v24 =	vmul.f32 v24, v31;
	v13 =	vmovc v47;
	v49 =	vmul.f32 v9, v14;
	v9 =	vmov v22;
	v25 =	vld [tilespmem:s16+$0xFFFFFFE0];
	[tilespmem:s13+$0xFFFFFF60] =	vst v51  }
0x15b: {  	v50 =	vmul.f32 v8, v15;
	v8 =	vmov v21;
	v14 =	vmul.f32 $2.000000030e-01, v1;
	[tilespmem:s13+$0xFFFFFF70] =	vst v3;
	v3 =	vld [tilespmem:s13+$0xFFFFFFD0]  }
0x15c: {  	v47 =	vmul.f32 v10, v17;
	v51 =	vmul.f32 v11, v16;
	v15 =	vadd.f32 v44, v52;
	[tilespmem:s13+$0xFFFFFF80] =	vst v41;
	v21 =	vld [tilespmem:s13+$0xFFFFFFE0]  }
0x15d: {  	v10 =	vmovc v19;
	v48 =	vmul.f32 v12, v18;
	v11 =	vmov v20;
	v1 =	vmax.f32 v1, v14;
	[tilespmem:s13+$0xFFFFFF90] =	vst v0;
	v0 =	vld [tilespmem:s13+$0xFFFFFFF0]  }
0x15e: {  	v12 =	vmovc v43;
	v14 =	vmul.f32 $2.000000030e-01, v15;
	v16 =	vadd.f32 v45, v39;
	v1 =	vmul.f32 $1.442695020e+00, v1;
	[tilespmem:s13+$0xFFFFFFA0] =	vst v38;
	v17 =	vld [tilespmem:s13+$0x0]  }
0x15f: {  	v18 =	vadd.f32 v53, v25;
	[tilespmem:s13+$0xFFFFFFB0] =	vst v42;
	v19 =	vld [tilespmem:s13+$0x10]  }
0x160: {  	v14 =	vmax.f32 v15, v14;
	v15 =	vmul.f32 $2.000000030e-01, v16;
	(erf) = vpow2.f32 v1;
	[tilespmem:s13+$0xFFFFFFC0] =	vst v40;
	v1 =	vld [tilespmem:s13+$0x20]  }
0x161: {  	v20 =	vmul.f32 $2.000000030e-01, v18;
	v14 =	vmul.f32 $1.442695020e+00, v14;
	v22 =	vld [tilespmem:s13+$0x30];
	[tilespmem:s11+$0x70] =	vst v23  }
0x162: {  	v3 =	vmul.f32 v36, v3;
	v15 =	vmax.f32 v16, v15;
	v16 =	vmul.f32 v37, v21;
	v21 =	vld [tilespmem:s13+$0x40];
	[tilespmem:s13+$0x80] =	vst v2  }
0x163: {  	v2 =	vmax.f32 v18, v20;
	v15 =	vmul.f32 $1.442695020e+00, v15;
	(erf) = vpow2.f32 v14;
	v18 =	vld [tilespmem:s13+$0x50];
	[tilespmem:s13+$0x90] =	vst v24  }
0x164: {  	v0 =	vmul.f32 v35, v0;
	v2 =	vmul.f32 $1.442695020e+00, v2;
	[tilespmem:s13+$0xFFFFFFD0] =	vst v3;
	v3 =	vld [tilespmem:s13+$0x60]  }
0x165: {  	(erf) = vpow2.f32 v15;
	[tilespmem:s13+$0xFFFFFFE0] =	vst v16;
	v15 =	vmul.f32 v34, v17;
	v23 =	vld [tilespmem:s13+$0x70]  }
0x166: {  	(erf) = vpow2.f32 v2;
	[tilespmem:s13+$0xFFFFFFF0] =	vst v0;
	v0 =	vmul.f32 v27, v19;
	v14 =	vld [tilespmem:s13+$0xA0]  }
0x167: {  	v1 =	vmul.f32 v28, v1;
	v2 =	vmul.f32 v29, v22;
	[tilespmem:s13+$0x0] =	vst v15;
	v15 =	vld [tilespmem:s13+$0xB0]  }
0x168: {  	[tilespmem:s13+$0x10] =	vst v0;
	v0 =	vmul.f32 v33, v21;
	v27 =	vmul.f32 v32, v18;
	v16 =	vld [tilespmem:s13+$0xC0]  }
0x169: {  	v28 =	vimm.s32 $0x0;
	v29 =	vimm.s32 $0x3;
	v43 =	vpop (erf);
	[tilespmem:s13+$0x20] =	vst v1;
	v1 =	vmul.f32 v30, v3;
	v17 =	vld [tilespmem:s13+$0xD0]  }
0x16a: {  	v32 =	vimm.s32 $0x5;
	s13 =	sadd.s32 $0x200, s13;
	[tilespmem:s16+$0x10] =	vst v43;
	v25 =	vperm.xlane v43, v28;
	v24 =	vperm.xlane v43, v6;
	v18 =	vld [tilespmem:s14+$0xE0]  }
0x16b: {  	v30 =	vimm.s32 $0x4;
	v22 =	vperm.xlane v43, v7;
	v21 =	vperm.xlane v43, v29;
	v3 =	vld [tilespmem:s13+$0xF0];
	[tilespmem:s14+$0x30] =	vst v2  }
0x16c: {  	v20 =	vperm.xlane v43, v30;
	v19 =	vperm.xlane v43, v32;
	v26 =	vld [tilespmem:s13+$0x80];
	v2 =	vpop (erf);
	[tilespmem:s14+$0x40] =	vst v0  }
0x16d: {  	v5 =	vimm.s32 $0x7;
	[tilespmem:s16+$0xFFFFFFF0] =	vst v2;
	v41 =	vperm.xlane v2, v28;
	v38 =	vperm.xlane v2, v6;
	v31 =	vld [tilespmem:s13+$0x90]  }
0x16e: {  	v0 =	vperm.xlane v43, v5;
	v39 =	vperm.xlane v2, v7;
	v44 =	vld [tilespmem:s13+$0xFFFFFF80];
	v63 =	vpop (erf);
	[tilespmem:s14+$0x50] =	vst v27  }
0x16f: {  	v42 =	vperm.xlane v2, v29;
	v40 =	vperm.xlane v2, v30;
	v45 =	vld [tilespmem:s13+$0xFFFFFF90];
	[tilespmem:s16+$0x0] =	vst v63;
	v27 =	vpop (erf)  }
0x170: {  	[tilespmem:s16+$0xFFFFFFE0] =	vst v27;
	v4 =	vperm.xlane v27, v28;
	v46 =	vld [tilespmem:s13+$0xFFFFFFA0];
	v0 =	vmul.f32 v0, v3  }
0x171: {  	v56 =	vperm.xlane v27, v6;
	v57 =	vperm.xlane v27, v7;
	v3 =	vld [tilespmem:s13+$0xFFFFFF00];
	[tilespmem:s14+$0x60] =	vst v1  }
0x172: {  	v55 =	vperm.xlane v27, v29;
	v53 =	vperm.xlane v27, v30;
	v1 =	vimm.s32 $0x6;
	v58 =	vld [tilespmem:s13+$0xFFFFFF10];
	[tilespmem:s13+$0xF0] =	vst v0  }
0x173: {  	v54 =	vperm.xlane v27, v32;
	v52 =	vperm.xlane v27, v1;
	v59 =	vld [tilespmem:s13+$0xFFFFFF20];
	[tilespmem:s11+$0xA0] =	vst v49  }
0x174: {  	v36 =	vperm.xlane v2, v32;
	v49 =	vperm.xlane v27, v5;
	v60 =	vld [tilespmem:s13+$0xFFFFFF30];
	[tilespmem:s11+$0xB0] =	vst v50  }
0x175: {  	v35 =	vperm.xlane v2, v5;
	v37 =	vperm.xlane v2, v1;
	v50 =	vld [tilespmem:s13+$0xFFFFFF40];
	[tilespmem:s11+$0xC0] =	vst v51  }
.Ltmp3:
0x176: {  	v34 =	vperm.xlane v63, v28;
	v27 =	vperm.xlane v63, v6;
	v51 =	vld [tilespmem:s13+$0xFFFFFF50];
	[tilespmem:s11+$0xD0] =	vst v47;
	(pc) =	sbr.rel @p2 .LBB2_5-.Ltmp3, $4  }
0x177: {  	v28 =	vperm.xlane v63, v7;
	v29 =	vperm.xlane v63, v29;
	v61 =	vld [tilespmem:s13+$0xFFFFFF60];
	[tilespmem:s11+$0xE0] =	vst v48;
	s11 =	smov.u32 s14;
	s14 =	smov.u32 s13  }
0x178: {  	v33 =	vperm.xlane v63, v30;
	v32 =	vperm.xlane v63, v32;
	v62 =	vld [tilespmem:s13+$0xFFFFFF70]  }
0x179: {  	v30 =	vperm.xlane v63, v1;
	v47 =	vperm.xlane v63, v5;
	v48 =	vld [tilespmem:s13+$0xFFFFFFB0]  }
0x17a: {  	s16 =	sadd.s32 $0x40, s16;
	v43 =	vperm.xlane v43, v1;
	v0 =	vmul.f32 v4, v3;
	v63 =	vld [tilespmem:s13+$0xFFFFFFC0]  }
0x17b: {  	v1 =	vmul.f32 v56, v58  }
0x17c: {  	v2 =	vmul.f32 v57, v59;
	[tilespmem:s13+$0xFFFFFF00] =	vst v0  }
0x17d: {  	v60 =	vmul.f32 v55, v60;
	[tilespmem:s13+$0xFFFFFF10] =	vst v1  }
0x17e: {  	v50 =	vmul.f32 v53, v50;
	[tilespmem:s13+$0xFFFFFF20] =	vst v2  }
0x17f: {  	v51 =	vmul.f32 v54, v51;
	[tilespmem:s13+$0xFFFFFF30] =	vst v60  }
0x180: {  	v53 =	vmul.f32 v41, v44;
	[tilespmem:s13+$0xFFFFFF40] =	vst v50  }
0x181: {  	v3 =	vmul.f32 v38, v45;
	[tilespmem:s13+$0xFFFFFF50] =	vst v51  }
0x182: {  	v4 =	vmul.f32 v39, v46;
	[tilespmem:s13+$0xFFFFFF80] =	vst v53  }
0x183: {  	v24 =	vmul.f32 v24, v31;
	[tilespmem:s13+$0xFFFFFF90] =	vst v3  }
0x184: {  	v54 =	vmul.f32 v52, v61;
	[tilespmem:s13+$0xFFFFFFA0] =	vst v4  }
0x185: {  	v52 =	vmul.f32 v8, v15;
	[tilespmem:s13+$0x90] =	vst v24  }
0x186: {  	v56 =	vmul.f32 v49, v62;
	[tilespmem:s13+$0xFFFFFF60] =	vst v54  }
0x187: {  	v4 =	vmul.f32 v13, v23;
	[tilespmem:s11+$0xB0] =	vst v52  }
0x188: {  	v62 =	vmul.f32 v25, v26;
	[tilespmem:s13+$0xFFFFFF70] =	vst v56  }
0x189: {  	v55 =	vld [tilespmem:s13+$0xFFFFFFD0];
	v51 =	vmul.f32 v9, v14;
	[tilespmem:s11+$0x70] =	vst v4  }
0x18a: {  	v57 =	vld [tilespmem:s13+$0xFFFFFFE0];
	v58 =	vmul.f32 v42, v48;
	[tilespmem:s13+$0x80] =	vst v62  }
0x18b: {  	v59 =	vld [tilespmem:s13+$0xFFFFFFF0];
	v54 =	vmul.f32 v11, v16;
	[tilespmem:s11+$0xA0] =	vst v51  }
0x18c: {  	v39 =	vld [tilespmem:s13+$0x20];
	v60 =	vmul.f32 v40, v63;
	[tilespmem:s13+$0xFFFFFFB0] =	vst v58  }
0x18d: {  	v56 =	vmul.f32 v12, v18;
	[tilespmem:s11+$0xC0] =	vst v54  }
0x18e: {  	v61 =	vld [tilespmem:s13+$0x0];
	v2 =	vmul.f32 v36, v55;
	[tilespmem:s13+$0xFFFFFFC0] =	vst v60  }
0x18f: {  	v63 =	vld [tilespmem:s13+$0x10];
	v1 =	vmul.f32 v37, v57;
	[tilespmem:s11+$0xE0] =	vst v56  }
0x190: {  	v4 =	vld [tilespmem:s13+$0x30];
	v0 =	vmul.f32 v35, v59;
	[tilespmem:s13+$0xFFFFFFD0] =	vst v2  }
0x191: {  	v40 =	vld [tilespmem:s13+$0x40];
	v48 =	vmul.f32 v28, v39;
	[tilespmem:s13+$0xFFFFFFE0] =	vst v1  }
0x192: {  	v41 =	vld [tilespmem:s13+$0x50];
	v55 =	vmul.f32 v10, v17;
	[tilespmem:s13+$0xFFFFFFF0] =	vst v0  }
0x193: {  	v42 =	vld [tilespmem:s13+$0x60];
	v44 =	vmul.f32 v34, v61;
	[tilespmem:s13+$0x20] =	vst v48  }
0x194: {  	v45 =	vld [tilespmem:s13+$0x70];
	[tilespmem:s11+$0xD0] =	vst v55;
	v46 =	vmul.f32 v27, v63  }
0x195: {  	v53 =	vld [tilespmem:s13+$0xA0];
	[tilespmem:s13+$0x0] =	vst v44;
	v4 =	vmul.f32 v29, v4  }
0x196: {  	v8 =	vld [tilespmem:s13+$0xC0];
	v49 =	vmul.f32 v33, v40;
	[tilespmem:s13+$0x10] =	vst v46  }
0x197: {  	v50 =	vmul.f32 v32, v41;
	v57 =	vld [tilespmem:s13+$0xD0];
	[tilespmem:s14+$0x30] =	vst v4  }
0x198: {  	v58 =	vld [tilespmem:s14+$0xE0];
	v2 =	vmul.f32 v30, v42;
	[tilespmem:s14+$0x40] =	vst v49  }
0x199: {  	v59 =	vmul.f32 v47, v45;
	[tilespmem:s14+$0x50] =	vst v50;
	v4 =	vld [tilespmem:s13+$0xB0]  }
0x19a: {  	v60 =	vmul.f32 v22, v53;
	[tilespmem:s14+$0x60] =	vst v2  }
0x19b: {  	v62 =	vmul.f32 v20, v8;
	[tilespmem:s14+$0x70] =	vst v59  }
0x19c: {  	v63 =	vmul.f32 v19, v57;
	[tilespmem:s14+$0xA0] =	vst v60  }
0x19d: {  	v2 =	vmul.f32 v43, v58;
	[tilespmem:s14+$0xC0] =	vst v62  }
0x19e: {  	[tilespmem:s14+$0xD0] =	vst v63;
	v61 =	vmul.f32 v21, v4  }
0x19f: {  	[tilespmem:s14+$0xE0] =	vst v2  }
0x1a0: {  	s10 =	sadd.s32 $0x1440, s10;
	[tilespmem:s14+$0xB0] =	vst v61  }
0x1a1: {  	[spmem:s2] =	stream.indirect.scatter.add.f32 [tilespmem:s29], [sflag:$0x3], $0x80, s10, s20, $0xb8;
	[tilespmem:$0x1DB80] =	vst v63  }
0x1a2: {  	_ = 	snop  }
0x1a3: {  	[spmem:s1] =	stream.indirect.scatter.add.f32 [tilespmem:s25], [sflag:$0x3], $0x10, s10, s20, $0xb8;
	[tilespmem:$0x1DB80] =	vst v63  }
0x1a4: {  	_ =	swait.ge [sflag:s31], $0x2000  }
.Ltmp4:
0x1a5: {  	[sflag:s31] =	ssyncset.done $0x0;
	(pc) =	sbr.rel @p1 .LBB2_8-.Ltmp4, $4  }
0x1a6: {  	[sflag:s31] =	ssyncadd.s32 $0xFFFFE000  }
0x1a7: {  	_ =	swait.ge [sflag:s31], $0x400  }
0x1a8: {  	[sflag:s31] =	ssyncset.done $0x0  }
0x1a9: {  	[sflag:s31] =	ssyncadd.s32 $0xFFFFFC00  }
0x1aa: {  	s10 =	sadd.s32 $0xC0, s9  }
0x1ab: {  	[tilespmem:s25], [sflag:$0x2] =	stream.indirect.gather [hbm4b:s4+s20], $0x10, s10, s20, $0xb8;
	[tilespmem:$0x1DB80] =	vst v63  }
.Ltmp5:
0x1ac: {  	_ = 	snop;
	(pc) =	sbr.rel .LBB2_2-.Ltmp5, $4  }
0x1ad: {  	s16 =	sadd.s32 $0x14C0, s9  }
0x1ae: {  	[tilespmem:s28], [sflag:$0x2] =	stream.indirect.gather [hbm4b:s5+s20], $0x10, s16, s20, $0xb8;
	[tilespmem:$0x1DB80] =	vst v63  }
0x1af: {  	s7 =	sadd.s32 $0x1, s7;
	v1 =	vimm.s32 $0x3;
	v2 =	vimm.s32 $0x4;
	v3 =	vimm.s32 $0x5  }
0x1b0: {  	v4 =	vimm.s32 $0x6;
	v62 =	vimm.s32 $0x7;
	v5 =	vimm.s32 $0x0;
	[tilespmem:s29], [sflag:$0x2] =	stream.indirect.gather [hbm4b:s6+s20], $0x80, s10, s20, $0xb8;
	[tilespmem:$0x1DB80] =	vst v63  }
.LBB2_8:
0x1b1: {  	s7 =	simm.s32 $0x0;
	s9 =	rddreg [dreg:$0xa]  }
0x1b2: {  	[tilespmem:s7], [sflag:$0x4] =	stream.linear.gather [hbm4b:s9+s7], $0x1400, $0x38;
	[tilespmem:$0x1DB80] =	vst v63  }
0x1b3: {  	_ =	swait.ge [sflag:s18], $0x1400  }
0x1b4: {  	[sflag:s18] =	ssyncset.done $0x0  }
0x1b5: {  	s14 =	rddreg [dreg:$0xb];
	[sflag:s18] =	ssyncadd.s32 $0xFFFFEC00  }
0x1b6: {  	[tilespmem:s19], [sflag:$0x4] =	stream.linear.gather [hbm4b:s14+s7], $0x1400, $0x38;
	[tilespmem:$0x1DB80] =	vst v63  }
0x1b7: {  	_ =	swait.ge [sflag:s18], $0x1400  }
0x1b8: {  	[sflag:s18] =	ssyncset.done $0x0  }
0x1b9: {  	[sflag:s18] =	ssyncadd.s32 $0xFFFFEC00  }
0x1ba: {  	[tilespmem:s21], [sflag:$0x1] =	stream.indirect.gather [hbm4b:s4+s20], $0x10, s7, s20, $0xb8;
	[tilespmem:$0x1DB80] =	vst v63  }
0x1bb: {  	s15 =	simm.s32 $0x2C00  }
0x1bc: {  	[tilespmem:s15], [sflag:$0x1] =	stream.indirect.gather [hbm4b:s5+s20], $0x10, s19, s20, $0xb8;
	[tilespmem:$0x1DB80] =	vst v63  }
0x1bd: {  	_ = 	snop  }
0x1be: {  	[tilespmem:s23], [sflag:$0x1] =	stream.indirect.gather [hbm4b:s6+s20], $0x80, s7, s20, $0xb8;
	[tilespmem:$0x1DB80] =	vst v63  }
0x1bf: {  	_ = 	snop  }
0x1c0: {  	[tilespmem:s25], [sflag:$0x2] =	stream.indirect.gather [hbm4b:s4+s20], $0x10, s20, s20, $0xb8;
	[tilespmem:$0x1DB80] =	vst v63  }
0x1c1: {  	s16 =	simm.s32 $0x1440  }
0x1c2: {  	[tilespmem:s28], [sflag:$0x2] =	stream.indirect.gather [hbm4b:s5+s20], $0x10, s16, s20, $0xb8;
	[tilespmem:$0x1DB80] =	vst v63  }
0x1c3: {  	_ = 	snop  }
0x1c4: {  	v62 =	vimm.s32 $0x3;
	v5 =	vimm.s32 $0x0;
	[tilespmem:s29], [sflag:$0x2] =	stream.indirect.gather [hbm4b:s6+s20], $0x80, s20, s20, $0xb8;
	[tilespmem:$0x1DB80] =	vst v63  }
.LBB2_9:
0x1c5: {  	_ =	swait.ge [sflag:s30], $0x400  }
0x1c6: {  	[sflag:s30] =	ssyncset.done $0x0  }
0x1c7: {  	[sflag:s30] =	ssyncadd.s32 $0xFFFFFC00  }
0x1c8: {  	_ =	swait.ge [sflag:s30], $0x400  }
0x1c9: {  	[sflag:s30] =	ssyncset.done $0x0  }
0x1ca: {  	[sflag:s30] =	ssyncadd.s32 $0xFFFFFC00  }
0x1cb: {  	_ =	swait.ge [sflag:s30], $0x2000  }
0x1cc: {  	[sflag:s30] =	ssyncset.done $0x0  }
0x1cd: {  	s11 =	simm.s32 $0x2820;
	[sflag:s30] =	ssyncadd.s32 $0xFFFFE000  }
0x1ce: {  	s9 =	simm.s32 $0x2C20;
	v0 =	vld [tilespmem:s11+$0x10]  }
0x1cf: {  	v1 =	vld [tilespmem:s9+$0x10]  }
0x1d0: {  	v3 =	vld [tilespmem:s11+$0xFFFFFFF0]  }
0x1d1: {  	v4 =	vld [tilespmem:s9+$0xFFFFFFF0]  }
0x1d2: {  	v2 =	vld [tilespmem:s9+$0xFFFFFFE0]  }
0x1d3: {  	v8 =	vld [tilespmem:s11+$0x0]  }
0x1d4: {  	v9 =	vld [tilespmem:s9+$0x0];
	v0 =	vadd.f32 v1, v0  }
0x1d5: {  	v1 =	vld [tilespmem:s11+$0xFFFFFFE0]  }
0x1d6: {  	v3 =	vadd.f32 v4, v3;
	v10 =	vmul.f32 $2.000000030e-01, v0;
	_ =	sdelay $0x1  }
0x1d7: {  	v4 =	vmul.f32 $2.000000030e-01, v3;
	v0 =	vmax.f32 v0, v10  }
0x1d8: {  	v0 =	vmul.f32 $1.442695020e+00, v0  }
0x1d9: {  	v8 =	vadd.f32 v9, v8;
	v1 =	vadd.f32 v2, v1;
	v2 =	vmax.f32 v3, v4  }
0x1da: {  	v2 =	vmul.f32 $1.442695020e+00, v2;
	(erf) = vpow2.f32 v0  }
0x1db: {  	v3 =	vmul.f32 $2.000000030e-01, v8  }
0x1dc: {  	v0 =	vmul.f32 $2.000000030e-01, v1;
	(erf) = vpow2.f32 v2  }
0x1dd: {  	v3 =	vmax.f32 v8, v3  }
0x1de: {  	v0 =	vmax.f32 v1, v0;
	v1 =	vmul.f32 $1.442695020e+00, v3  }
0x1df: {  	s12 =	simm.s32 $0x2860;
	v0 =	vmul.f32 $1.442695020e+00, v0  }
0x1e0: {  	s10 =	simm.s32 $0x2C60;
	v44 =	vld [tilespmem:s12+$0x10];
	(erf) = vpow2.f32 v1  }
0x1e1: {  	v47 =	vld [tilespmem:s10+$0x10];
	(erf) = vpow2.f32 v0  }
0x1e2: {  	v50 =	vld [tilespmem:s10+$0xFFFFFFE0]  }
0x1e3: {  	v53 =	vld [tilespmem:s12+$0xFFFFFFF0];
	v0 =	vpop (erf)  }
0x1e4: {  	v13 =	vimm.s32 $0x7;
	s9 =	simm.s32 $0x3100;
	v63 =	vld [tilespmem:s10+$0xFFFFFFF0];
	[tilespmem:s11+$0x10] =	vst v0;
	v16 =	vperm.xlane v0, v5;
	v17 =	vperm.xlane v0, v6  }
0x1e5: {  	v10 =	vimm.s32 $0x4;
	v2 =	vpop (erf);
	v9 =	vperm.xlane v0, v7;
	v8 =	vperm.xlane v0, v62;
	v1 =	vld [tilespmem:s9+$0xF0]  }
0x1e6: {  	v11 =	vperm.xlane v0, v10;
	v10 =	vimm.s32 $0x5;
	v13 =	vperm.xlane v0, v13;
	v3 =	vld [tilespmem:s9+$0x80];
	[tilespmem:s11+$0xFFFFFFF0] =	vst v2  }
0x1e7: {  	v10 =	vperm.xlane v0, v10;
	v21 =	vperm.xlane v2, v5;
	v4 =	vld [tilespmem:s9+$0xFFFFFF80]  }
0x1e8: {  	v51 =	vimm.s32 $0x4;
	v22 =	vperm.xlane v2, v6;
	v24 =	vperm.xlane v2, v7;
	v15 =	vld [tilespmem:s9+$0xFFFFFF90]  }
0x1e9: {  	v56 =	vimm.s32 $0x6;
	v26 =	vperm.xlane v2, v62;
	v27 =	vperm.xlane v2, v51;
	v18 =	vld [tilespmem:s9+$0xFFFFFFA0];
	v14 =	vpop (erf)  }
0x1ea: {  	v43 =	vperm.xlane v2, v56;
	v39 =	vld [tilespmem:s9+$0xFFFFFFB0];
	v12 =	vpop (erf);
	v45 =	vperm.xlane v14, v5  }
0x1eb: {  	v42 =	vld [tilespmem:s9+$0xFFFFFFC0];
	v46 =	vperm.xlane v14, v6;
	v48 =	vperm.xlane v14, v7;
	[tilespmem:s11+$0xFFFFFFE0] =	vst v12  }
0x1ec: {  	v49 =	vperm.xlane v14, v62;
	v54 =	vperm.xlane v14, v56;
	v19 =	vld [tilespmem:s9+$0xFFFFFF00]  }
0x1ed: {  	v29 =	vperm.xlane v12, v5;
	v31 =	vperm.xlane v12, v6;
	v20 =	vld [tilespmem:s9+$0xFFFFFF10]  }
0x1ee: {  	v37 =	vimm.s32 $0x5;
	v32 =	vperm.xlane v12, v7;
	v34 =	vperm.xlane v12, v62;
	v23 =	vld [tilespmem:s9+$0xFFFFFF20]  }
0x1ef: {  	v55 =	vimm.s32 $0x7;
	v35 =	vperm.xlane v12, v51;
	v37 =	vperm.xlane v12, v37;
	v25 =	vld [tilespmem:s9+$0xFFFFFF30]  }
0x1f0: {  	v38 =	vperm.xlane v12, v56;
	v40 =	vperm.xlane v12, v55;
	v12 =	vimm.s32 $0x5;
	v28 =	vld [tilespmem:s9+$0xFFFFFF40]  }
0x1f1: {  	v51 =	vperm.xlane v14, v51;
	v30 =	vld [tilespmem:s9+$0xFFFFFF50];
	v41 =	vperm.xlane v2, v12  }
0x1f2: {  	v52 =	vperm.xlane v14, v12;
	v12 =	vperm.xlane v0, v56;
	v0 =	vld [tilespmem:s12+$0x0]  }
0x1f3: {  	v1 =	vmul.f32 v13, v1;
	v4 =	vmul.f32 v21, v4;
	v21 =	vld [tilespmem:s10+$0x0]  }
0x1f4: {  	v15 =	vmul.f32 v22, v15;
	v22 =	vld [tilespmem:s12+$0xFFFFFFE0];
	v19 =	vmul.f32 v29, v19;
	v29 =	vadd.f32 v47, v44  }
0x1f5: {  	[tilespmem:s11+$0x0] =	vst v14;
	v33 =	vld [tilespmem:s9+$0xFFFFFF60];
	v13 =	vperm.xlane v14, v55;
	v3 =	vmul.f32 v16, v3  }
0x1f6: {  	v36 =	vld [tilespmem:s9+$0xFFFFFF70];
	[tilespmem:s9+$0xFFFFFF80] =	vst v4;
	v4 =	vmul.f32 v37, v30;
	v30 =	vmul.f32 $2.000000030e-01, v29  }
0x1f7: {  	v58 =	vadd.f32 v63, v53;
	v56 =	vld [tilespmem:s9+$0x90];
	v18 =	vmul.f32 v24, v18;
	v26 =	vmul.f32 v26, v39;
	[tilespmem:s9+$0xF0] =	vst v1  }
0x1f8: {  	v24 =	vld [tilespmem:s9+$0x20];
	[tilespmem:s9+$0xFFFFFF90] =	vst v15;
	v20 =	vmul.f32 v31, v20;
	v0 =	vadd.f32 v21, v0;
	v14 =	vmax.f32 v29, v30  }
0x1f9: {  	v1 =	vmul.f32 $2.000000030e-01, v58;
	v15 =	vld [tilespmem:s9+$0xFFFFFFF0];
	[tilespmem:s9+$0xFFFFFFA0] =	vst v18;
	v16 =	vadd.f32 v50, v22;
	v14 =	vmul.f32 $1.442695020e+00, v14  }
0x1fa: {  	v18 =	vld [tilespmem:s9+$0xE0];
	v23 =	vmul.f32 v32, v23;
	[tilespmem:s9+$0xFFFFFF10] =	vst v20;
	v20 =	vmul.f32 $2.000000030e-01, v0  }
0x1fb: {  	v1 =	vmax.f32 v58, v1;
	v31 =	vld [tilespmem:s9+$0xFFFFFFD0];
	(erf) = vpow2.f32 v14;
	v14 =	vmul.f32 $2.000000030e-01, v16  }
0x1fc: {  	[tilespmem:s9+$0x80] =	vst v3;
	v25 =	vmul.f32 v34, v25;
	v47 =	vld [tilespmem:s9+$0xFFFFFFE0];
	v1 =	vmul.f32 $1.442695020e+00, v1;
	v0 =	vmax.f32 v0, v20  }
0x1fd: {  	[tilespmem:s9+$0xFFFFFFB0] =	vst v26;
	v28 =	vmul.f32 v35, v28;
	v21 =	vld [tilespmem:s9+$0x0];
	v0 =	vmul.f32 $1.442695020e+00, v0;
	v14 =	vmax.f32 v16, v14  }
0x1fe: {  	v22 =	vld [tilespmem:s9+$0x10];
	[tilespmem:s9+$0xFFFFFF00] =	vst v19;
	(erf) = vpow2.f32 v1;
	v3 =	vmul.f32 $1.442695020e+00, v14  }
0x1ff: {  	v19 =	vmul.f32 v27, v42;
	[tilespmem:s9+$0xFFFFFF20] =	vst v23;
	v27 =	vld [tilespmem:s9+$0x30];
	(erf) = vpow2.f32 v0  }
0x200: {  	v17 =	vmul.f32 v17, v56;
	[tilespmem:s9+$0xFFFFFF30] =	vst v25;
	v25 =	vld [tilespmem:s9+$0x60];
	(erf) = vpow2.f32 v3  }
0x201: {  	[tilespmem:s9+$0xFFFFFF40] =	vst v28;
	v23 =	vld [tilespmem:s9+$0x70]  }
0x202: {  	v33 =	vmul.f32 v38, v33;
	[tilespmem:s9+$0x90] =	vst v17;
	v17 =	vld [tilespmem:s9+$0xD0]  }
0x203: {  	v2 =	vperm.xlane v2, v55;
	v57 =	vmul.f32 v40, v36;
	[tilespmem:s9+$0xFFFFFF50] =	vst v4;
	v1 =	vld [tilespmem:s9+$0x50]  }
0x204: {  	[tilespmem:s9+$0xFFFFFF60] =	vst v33;
	v20 =	vld [tilespmem:s9+$0x40]  }
0x205: {  	[tilespmem:s9+$0xFFFFFF70] =	vst v57;
	v2 =	vmul.f32 v2, v15;
	v15 =	vld [tilespmem:s9+$0xB0];
	v28 =	vmul.f32 v43, v47  }
0x206: {  	[tilespmem:s9+$0xFFFFFFC0] =	vst v19;
	v29 =	vmul.f32 v41, v31;
	v16 =	vld [tilespmem:s9+$0xC0];
	v43 =	vpop (erf)  }
0x207: {  	s11 =	simm.s32 $0x3300;
	v14 =	vld [tilespmem:s9+$0xA0];
	[tilespmem:s12+$0x10] =	vst v43;
	v33 =	vpop (erf)  }
0x208: {  	[tilespmem:s9+$0xFFFFFFD0] =	vst v29;
	v61 =	vmul.f32 v52, v1;
	v1 =	vimm.s32 $0x4;
	v59 =	vld [tilespmem:s11+$0xF0];
	v63 =	vpop (erf)  }
0x209: {  	[tilespmem:s9+$0xFFFFFFE0] =	vst v28;
	v30 =	vmul.f32 v51, v20;
	v20 =	vperm.xlane v43, v1;
	v26 =	vld [tilespmem:s11+$0x80];
	v28 =	vpop (erf)  }
0x20a: {  	[tilespmem:s12+$0xFFFFFFF0] =	vst v33;
	v31 =	vld [tilespmem:s11+$0x90];
	v40 =	vperm.xlane v33, v1;
	v1 =	vperm.xlane v28, v5  }
0x20b: {  	v34 =	vmul.f32 v48, v24;
	v27 =	vmul.f32 v49, v27;
	v44 =	vld [tilespmem:s11+$0xFFFFFF80];
	[tilespmem:s12+$0xFFFFFFE0] =	vst v28  }
0x20c: {  	v47 =	vmul.f32 v54, v25;
	v0 =	vmul.f32 v45, v21;
	v45 =	vld [tilespmem:s11+$0xFFFFFF90];
	[tilespmem:$0x1FFD0] =	vst v1  }
0x20d: {  	v3 =	vmul.f32 v46, v22;
	v25 =	vperm.xlane v43, v5;
	[tilespmem:s9+$0xFFFFFFF0] =	vst v2  }
0x20e: {  	v36 =	vimm.s32 $0x5;
	v24 =	vperm.xlane v43, v6;
	v22 =	vperm.xlane v43, v7;
	[tilespmem:s9+$0x0] =	vst v0  }
0x20f: {  	v37 =	vimm.s32 $0x7;
	v21 =	vperm.xlane v43, v62;
	v19 =	vperm.xlane v43, v36;
	[tilespmem:s9+$0x10] =	vst v3  }
0x210: {  	v29 =	vperm.xlane v43, v37;
	v41 =	vperm.xlane v33, v5;
	[tilespmem:s9+$0x20] =	vst v34  }
0x211: {  	v32 =	vimm.s32 $0x5;
	v38 =	vperm.xlane v33, v6;
	v39 =	vperm.xlane v33, v7;
	v46 =	vld [tilespmem:s11+$0xFFFFFFA0];
	[tilespmem:s9+$0x30] =	vst v27  }
0x212: {  	v42 =	vperm.xlane v33, v62;
	v32 =	vperm.xlane v63, v32;
	v2 =	vld [tilespmem:s11+$0xFFFFFF00];
	[tilespmem:s9+$0x40] =	vst v30  }
0x213: {  	v56 =	vperm.xlane v28, v6;
	v57 =	vperm.xlane v28, v7;
	v58 =	vld [tilespmem:s11+$0xFFFFFF10];
	[tilespmem:s9+$0x50] =	vst v61  }
0x214: {  	v48 =	vimm.s32 $0x4;
	v55 =	vperm.xlane v28, v62;
	v4 =	vmul.f32 v29, v59;
	v59 =	vld [tilespmem:s11+$0xFFFFFF20];
	[tilespmem:s12+$0x0] =	vst v63  }
0x215: {  	v53 =	vperm.xlane v28, v48;
	v54 =	vperm.xlane v28, v36;
	v60 =	vld [tilespmem:s11+$0xFFFFFF30];
	[tilespmem:s9+$0x60] =	vst v47  }
0x216: {  	v49 =	vperm.xlane v28, v37;
	v36 =	vperm.xlane v33, v36;
	v0 =	vimm.s32 $0x6;
	v50 =	vld [tilespmem:s11+$0xFFFFFF40];
	[tilespmem:s11+$0xF0] =	vst v4  }
0x217: {  	v1 =	vimm.s32 $0x7;
	v52 =	vperm.xlane v28, v0;
	v37 =	vperm.xlane v33, v0;
	v0 =	vld [tilespmem:$0x1FFD0]  }
0x218: {  	v29 =	vperm.xlane v63, v62;
	v35 =	vperm.xlane v33, v1;
	v51 =	vld [tilespmem:s11+$0xFFFFFF50]  }
0x219: {  	v34 =	vperm.xlane v63, v5;
	v27 =	vperm.xlane v63, v6;
	v61 =	vld [tilespmem:s11+$0xFFFFFF60]  }
0x21a: {  	v3 =	vimm.s32 $0x6;
	v62 =	vld [tilespmem:s11+$0xFFFFFF70];
	v47 =	vperm.xlane v63, v1;
	v28 =	vperm.xlane v63, v7  }
0x21b: {  	v33 =	vperm.xlane v63, v48;
	v48 =	vld [tilespmem:s11+$0xFFFFFFB0];
	v30 =	vperm.xlane v63, v3  }
0x21c: {  	s13 =	simm.s32 $0x4;
	s14 =	simm.s32 $0x28A0;
	s12 =	simm.s32 $0x3300;
	v63 =	vld [tilespmem:s11+$0xFFFFFFC0];
	v43 =	vperm.xlane v43, v3;
	v7 =	vimm.s32 $0x2;
	v0 =	vmul.f32 v0, v2  }
.LBB2_10:
0x21d: {  	v1 =	vld [tilespmem:s14+$0x10];
	v2 =	vmul.f32 v56, v58;
	v3 =	vmul.f32 v57, v59;
	s10 =	sadd.s32 $0x40, s10  }
0x21e: {  	s13 =	sadd.s32 $0x4, s13;
	v50 =	vmul.f32 v53, v50;
	v4 =	vld [tilespmem:s10+$0x10];
	[tilespmem:s11+$0xFFFFFF00] =	vst v0;
	v0 =	vmul.f32 v55, v60  }
0x21f: {  	p1 =	slt.u32 s13, $0x3C;
	v53 =	vld [tilespmem:s10+$0xFFFFFFE0];
	[tilespmem:s11+$0xFFFFFF10] =	vst v2;
	v2 =	vmul.f32 v54, v51;
	v51 =	vmul.f32 v52, v61  }
0x220: {  	v41 =	vmul.f32 v41, v44;
	v52 =	vld [tilespmem:s14+$0xFFFFFFF0];
	[tilespmem:s11+$0xFFFFFF20] =	vst v3;
	v3 =	vmul.f32 v49, v62  }
0x221: {  	v44 =	vld [tilespmem:s10+$0xFFFFFFF0];
	[tilespmem:s11+$0xFFFFFF30] =	vst v0;
	v0 =	vmul.f32 v38, v45;
	v38 =	vmul.f32 v39, v46  }
0x222: {  	v42 =	vmul.f32 v42, v48;
	v40 =	vmul.f32 v40, v63;
	v39 =	vld [tilespmem:s14+$0x0];
	[tilespmem:s11+$0xFFFFFF40] =	vst v50  }
0x223: {  	v45 =	vld [tilespmem:s10+$0x0];
	v1 =	vadd.f32 v4, v1;
	[tilespmem:s11+$0xFFFFFF50] =	vst v2;
	v2 =	vmul.f32 v25, v26;
	v4 =	vmul.f32 v13, v23  }
0x224: {  	v24 =	vmul.f32 v24, v31;
	v49 =	vmul.f32 v9, v14;
	v9 =	vmovc v22;
	v13 =	vmov v47;
	v23 =	vld [tilespmem:s14+$0xFFFFFFE0];
	[tilespmem:s11+$0xFFFFFF60] =	vst v51  }
0x225: {  	v50 =	vmul.f32 v8, v15;
	v8 =	vmov v21;
	v14 =	vmul.f32 $2.000000030e-01, v1;
	[tilespmem:s11+$0xFFFFFF70] =	vst v3;
	v3 =	vld [tilespmem:s11+$0xFFFFFFD0]  }
0x226: {  	v47 =	vmul.f32 v10, v17;
	v51 =	vmul.f32 v11, v16;
	v15 =	vadd.f32 v44, v52;
	[tilespmem:s11+$0xFFFFFF80] =	vst v41;
	v21 =	vld [tilespmem:s11+$0xFFFFFFE0]  }
0x227: {  	v48 =	vmul.f32 v12, v18;
	v10 =	vmovc v19;
	v11 =	vmov v20;
	v1 =	vmax.f32 v1, v14;
	[tilespmem:s11+$0xFFFFFF90] =	vst v0;
	v0 =	vld [tilespmem:s11+$0xFFFFFFF0]  }
0x228: {  	v12 =	vmovc v43;
	v14 =	vmul.f32 $2.000000030e-01, v15;
	v16 =	vadd.f32 v45, v39;
	v1 =	vmul.f32 $1.442695020e+00, v1;
	[tilespmem:s11+$0xFFFFFFA0] =	vst v38;
	v17 =	vld [tilespmem:s11+$0x0]  }
0x229: {  	v18 =	vadd.f32 v53, v23;
	[tilespmem:s11+$0xFFFFFFB0] =	vst v42;
	v19 =	vld [tilespmem:s11+$0x10]  }
0x22a: {  	v14 =	vmax.f32 v15, v14;
	v15 =	vmul.f32 $2.000000030e-01, v16;
	(erf) = vpow2.f32 v1;
	[tilespmem:s11+$0xFFFFFFC0] =	vst v40;
	v1 =	vld [tilespmem:s11+$0x20]  }
0x22b: {  	v20 =	vmul.f32 $2.000000030e-01, v18;
	v14 =	vmul.f32 $1.442695020e+00, v14;
	v22 =	vld [tilespmem:s11+$0x30];
	[tilespmem:s9+$0x70] =	vst v4  }
0x22c: {  	v3 =	vmul.f32 v36, v3;
	v4 =	vmax.f32 v16, v15;
	v15 =	vmul.f32 v37, v21;
	v16 =	vld [tilespmem:s11+$0x40];
	[tilespmem:s11+$0x80] =	vst v2  }
0x22d: {  	v2 =	vmax.f32 v18, v20;
	v4 =	vmul.f32 $1.442695020e+00, v4;
	(erf) = vpow2.f32 v14;
	v18 =	vld [tilespmem:s11+$0x50];
	[tilespmem:s11+$0x90] =	vst v24  }
0x22e: {  	v0 =	vmul.f32 v35, v0;
	v2 =	vmul.f32 $1.442695020e+00, v2;
	[tilespmem:s11+$0xFFFFFFD0] =	vst v3;
	v3 =	vld [tilespmem:s11+$0x60]  }
0x22f: {  	(erf) = vpow2.f32 v4;
	[tilespmem:s11+$0xFFFFFFE0] =	vst v15;
	v4 =	vmul.f32 v34, v17;
	v23 =	vld [tilespmem:s11+$0x70]  }
0x230: {  	(erf) = vpow2.f32 v2;
	[tilespmem:s11+$0xFFFFFFF0] =	vst v0;
	v0 =	vmul.f32 v27, v19;
	v14 =	vld [tilespmem:s11+$0xA0]  }
0x231: {  	v1 =	vmul.f32 v28, v1;
	v2 =	vmul.f32 v29, v22;
	[tilespmem:s11+$0x0] =	vst v4;
	v15 =	vld [tilespmem:s11+$0xB0]  }
0x232: {  	v28 =	vimm.s32 $0x0;
	[tilespmem:s11+$0x10] =	vst v0;
	v0 =	vmul.f32 v33, v16;
	v4 =	vmul.f32 v32, v18;
	v16 =	vld [tilespmem:s11+$0xC0]  }
0x233: {  	v27 =	vimm.s32 $0x1;
	v29 =	vimm.s32 $0x3;
	v43 =	vpop (erf);
	[tilespmem:s11+$0x20] =	vst v1;
	v1 =	vmul.f32 v30, v3;
	v17 =	vld [tilespmem:s11+$0xD0]  }
0x234: {  	v32 =	vimm.s32 $0x5;
	s11 =	sadd.s32 $0x200, s11;
	[tilespmem:s14+$0x10] =	vst v43;
	v25 =	vperm.xlane v43, v28;
	v24 =	vperm.xlane v43, v27;
	v18 =	vld [tilespmem:s12+$0xE0]  }
0x235: {  	v30 =	vimm.s32 $0x4;
	v22 =	vperm.xlane v43, v7;
	v21 =	vperm.xlane v43, v29;
	v3 =	vld [tilespmem:s11+$0xF0];
	[tilespmem:s12+$0x30] =	vst v2  }
0x236: {  	v20 =	vperm.xlane v43, v30;
	v19 =	vperm.xlane v43, v32;
	v26 =	vld [tilespmem:s11+$0x80];
	v2 =	vpop (erf);
	[tilespmem:s12+$0x40] =	vst v0  }
0x237: {  	v6 =	vimm.s32 $0x7;
	[tilespmem:s14+$0xFFFFFFF0] =	vst v2;
	v41 =	vperm.xlane v2, v28;
	v38 =	vperm.xlane v2, v27;
	v31 =	vld [tilespmem:s11+$0x90]  }
0x238: {  	v0 =	vperm.xlane v43, v6;
	v39 =	vperm.xlane v2, v7;
	v44 =	vld [tilespmem:s11+$0xFFFFFF80];
	v63 =	vpop (erf);
	[tilespmem:s12+$0x50] =	vst v4  }
0x239: {  	v42 =	vperm.xlane v2, v29;
	v40 =	vperm.xlane v2, v30;
	v45 =	vld [tilespmem:s11+$0xFFFFFF90];
	[tilespmem:s14+$0x0] =	vst v63;
	v4 =	vpop (erf)  }
0x23a: {  	[tilespmem:s14+$0xFFFFFFE0] =	vst v4;
	v5 =	vperm.xlane v4, v28;
	v46 =	vld [tilespmem:s11+$0xFFFFFFA0];
	v0 =	vmul.f32 v0, v3  }
0x23b: {  	v56 =	vperm.xlane v4, v27;
	v57 =	vperm.xlane v4, v7;
	v3 =	vld [tilespmem:s11+$0xFFFFFF00];
	[tilespmem:s12+$0x60] =	vst v1  }
0x23c: {  	v55 =	vperm.xlane v4, v29;
	v53 =	vperm.xlane v4, v30;
	v1 =	vimm.s32 $0x6;
	v58 =	vld [tilespmem:s11+$0xFFFFFF10];
	[tilespmem:s11+$0xF0] =	vst v0  }
0x23d: {  	v54 =	vperm.xlane v4, v32;
	v52 =	vperm.xlane v4, v1;
	v59 =	vld [tilespmem:s11+$0xFFFFFF20];
	[tilespmem:s9+$0xA0] =	vst v49  }
0x23e: {  	v36 =	vperm.xlane v2, v32;
	v49 =	vperm.xlane v4, v6;
	v60 =	vld [tilespmem:s11+$0xFFFFFF30];
	[tilespmem:s9+$0xB0] =	vst v50  }
0x23f: {  	v35 =	vperm.xlane v2, v6;
	v37 =	vperm.xlane v2, v1;
	v50 =	vld [tilespmem:s11+$0xFFFFFF40];
	[tilespmem:s9+$0xC0] =	vst v51  }
.Ltmp6:
0x240: {  	v34 =	vperm.xlane v63, v28;
	v27 =	vperm.xlane v63, v27;
	v51 =	vld [tilespmem:s11+$0xFFFFFF50];
	[tilespmem:s9+$0xD0] =	vst v47;
	(pc) =	sbr.rel @p1 .LBB2_10-.Ltmp6, $4  }
0x241: {  	v28 =	vperm.xlane v63, v7;
	v29 =	vperm.xlane v63, v29;
	v61 =	vld [tilespmem:s11+$0xFFFFFF60];
	[tilespmem:s9+$0xE0] =	vst v48;
	s9 =	smov.u32 s12;
	s12 =	smov.u32 s11  }
0x242: {  	v33 =	vperm.xlane v63, v30;
	v32 =	vperm.xlane v63, v32;
	v62 =	vld [tilespmem:s11+$0xFFFFFF70]  }
0x243: {  	v30 =	vperm.xlane v63, v1;
	v47 =	vperm.xlane v63, v6;
	v48 =	vld [tilespmem:s11+$0xFFFFFFB0]  }
0x244: {  	s14 =	sadd.s32 $0x40, s14;
	v43 =	vperm.xlane v43, v1;
	v0 =	vmul.f32 v5, v3;
	v63 =	vld [tilespmem:s11+$0xFFFFFFC0]  }
0x245: {  	v1 =	vmul.f32 v56, v58  }
0x246: {  	v2 =	vmul.f32 v57, v59;
	[tilespmem:s11+$0xFFFFFF00] =	vst v0  }
0x247: {  	v3 =	vmul.f32 v38, v45;
	[tilespmem:s11+$0xFFFFFF10] =	vst v1  }
0x248: {  	v4 =	vmul.f32 v39, v46;
	[tilespmem:s11+$0xFFFFFF20] =	vst v2  }
0x249: {  	v0 =	vmul.f32 v55, v60;
	[tilespmem:s11+$0xFFFFFF90] =	vst v3  }
0x24a: {  	v1 =	vmul.f32 v53, v50;
	[tilespmem:s11+$0xFFFFFFA0] =	vst v4  }
0x24b: {  	v2 =	vmul.f32 v54, v51;
	[tilespmem:s11+$0xFFFFFF30] =	vst v0  }
0x24c: {  	v4 =	vmul.f32 v13, v23;
	[tilespmem:s11+$0xFFFFFF40] =	vst v1  }
0x24d: {  	v0 =	vmul.f32 v41, v44;
	[tilespmem:s11+$0xFFFFFF50] =	vst v2  }
0x24e: {  	v1 =	vmul.f32 v52, v61;
	[tilespmem:s9+$0x70] =	vst v4  }
0x24f: {  	v2 =	vld [tilespmem:s11+$0xFFFFFFD0];
	[tilespmem:s11+$0xFFFFFF80] =	vst v0;
	v0 =	vmul.f32 v49, v62  }
0x250: {  	v3 =	vmul.f32 v42, v48;
	[tilespmem:s11+$0xFFFFFF60] =	vst v1;
	v1 =	vld [tilespmem:s11+$0xFFFFFFE0]  }
0x251: {  	v5 =	vmul.f32 v40, v63;
	[tilespmem:s11+$0xFFFFFF70] =	vst v0;
	v0 =	vld [tilespmem:s11+$0xFFFFFFF0]  }
0x252: {  	v13 =	vld [tilespmem:s11+$0x0];
	[tilespmem:s11+$0xFFFFFFB0] =	vst v3;
	v3 =	vmul.f32 v25, v26  }
0x253: {  	v23 =	vld [tilespmem:s11+$0x10];
	[tilespmem:s11+$0xFFFFFFC0] =	vst v5;
	v5 =	vmul.f32 v24, v31  }
0x254: {  	v24 =	vld [tilespmem:s11+$0x20];
	[tilespmem:s11+$0x80] =	vst v3;
	v2 =	vmul.f32 v36, v2  }
0x255: {  	v4 =	vld [tilespmem:s11+$0x30];
	[tilespmem:s11+$0x90] =	vst v5;
	v1 =	vmul.f32 v37, v1  }
0x256: {  	v3 =	vld [tilespmem:s11+$0x40];
	[tilespmem:s11+$0xFFFFFFD0] =	vst v2;
	v0 =	vmul.f32 v35, v0  }
0x257: {  	v2 =	vld [tilespmem:s11+$0x60];
	[tilespmem:s11+$0xFFFFFFE0] =	vst v1;
	v1 =	vmul.f32 v34, v13  }
0x258: {  	v5 =	vld [tilespmem:s11+$0x50];
	[tilespmem:s11+$0xFFFFFFF0] =	vst v0;
	v0 =	vmul.f32 v27, v23  }
0x259: {  	[tilespmem:s11+$0x0] =	vst v1;
	v1 =	vmul.f32 v28, v24  }
0x25a: {  	v4 =	vmul.f32 v29, v4;
	[tilespmem:s11+$0x10] =	vst v0  }
0x25b: {  	v0 =	vmul.f32 v33, v3;
	[tilespmem:s11+$0x20] =	vst v1  }
0x25c: {  	v13 =	vld [tilespmem:s11+$0x70];
	v2 =	vmul.f32 v30, v2;
	[tilespmem:s12+$0x30] =	vst v4  }
0x25d: {  	v1 =	vmul.f32 v32, v5;
	[tilespmem:s12+$0x40] =	vst v0  }
0x25e: {  	v0 =	vmul.f32 v9, v14;
	[tilespmem:s12+$0x60] =	vst v2  }
0x25f: {  	v3 =	vld [tilespmem:s11+$0xA0];
	v2 =	vmul.f32 v11, v16;
	[tilespmem:s12+$0x50] =	vst v1  }
0x260: {  	v4 =	vld [tilespmem:s11+$0xB0];
	v1 =	vmul.f32 v8, v15;
	[tilespmem:s9+$0xA0] =	vst v0  }
0x261: {  	v5 =	vld [tilespmem:s11+$0xC0];
	v0 =	vmul.f32 v10, v17;
	[tilespmem:s9+$0xC0] =	vst v2  }
0x262: {  	v8 =	vld [tilespmem:s11+$0xD0];
	[tilespmem:s9+$0xB0] =	vst v1;
	v1 =	vmul.f32 v12, v18  }
0x263: {  	v2 =	vld [tilespmem:s12+$0xE0];
	[tilespmem:s9+$0xD0] =	vst v0;
	v0 =	vmul.f32 v47, v13  }
0x264: {  	[tilespmem:s9+$0xE0] =	vst v1;
	v1 =	vmul.f32 v22, v3  }
0x265: {  	v3 =	vmul.f32 v21, v4;
	[tilespmem:s12+$0x70] =	vst v0  }
0x266: {  	v0 =	vmul.f32 v20, v5;
	[tilespmem:s12+$0xA0] =	vst v1  }
0x267: {  	v1 =	vmul.f32 v19, v8;
	[tilespmem:s12+$0xB0] =	vst v3  }
0x268: {  	s9 =	sshll.u32 s7, $0x7;
	v2 =	vmul.f32 v43, v2;
	[tilespmem:s12+$0xC0] =	vst v0  }
0x269: {  	s10 =	sand.u32 $0x3FFFFF80, s9;
	[tilespmem:s12+$0xD0] =	vst v1  }
0x26a: {  	s13 =	sadd.s32 $0x1400, s10;
	[tilespmem:s12+$0xE0] =	vst v2  }
0x26b: {  	[spmem:s2] =	stream.indirect.scatter.add.f32 [tilespmem:s23], [sflag:$0x3], $0x80, s13, s20, $0xb8;
	[tilespmem:$0x1DB80] =	vst v63  }
0x26c: {  	_ = 	snop  }
0x26d: {  	[spmem:s1] =	stream.indirect.scatter.add.f32 [tilespmem:s21], [sflag:$0x3], $0x10, s13, s20, $0xb8;
	[tilespmem:$0x1DB80] =	vst v63  }
0x26e: {  	_ =	swait.ge [sflag:s31], $0x2000  }
0x26f: {  	[sflag:s31] =	ssyncset.done $0x0  }
0x270: {  	[sflag:s31] =	ssyncadd.s32 $0xFFFFE000  }
0x271: {  	p1 =	seq.s32 s7, $0x27;
	_ =	swait.ge [sflag:s31], $0x400  }
0x272: {  	s11 =	sadd.s32 @!p1 $0x80, s9;
	[sflag:s31] =	ssyncset.done $0x0  }
0x273: {  	s12 =	simm.s32 @!p1 $0x40;
	s13 =	simm.s32 @!p1 $0x2800;
	[sflag:s31] =	ssyncadd.s32 $0xFFFFFC00  }
0x274: {  	[tilespmem:s13], [sflag:$0x1] =	stream.indirect.gather @!p1 [hbm4b:s4+s12], $0x10, s11, s12, $0xb8;
	[tilespmem:$0x1DB80] =	vst v63  }
0x275: {  	s14 =	simm.s32 @!p1 $0x2C00;
	s13 =	sadd.s32 @!p1 $0x1480, s9  }
0x276: {  	[tilespmem:s14], [sflag:$0x1] =	stream.indirect.gather @!p1 [hbm4b:s5+s12], $0x10, s13, s12, $0xb8;
	[tilespmem:$0x1DB80] =	vst v63  }
0x277: {  	s13 =	simm.s32 @!p1 $0x3000  }
0x278: {  	[tilespmem:s13], [sflag:$0x1] =	stream.indirect.gather @!p1 [hbm4b:s6+s12], $0x80, s11, s12, $0xb8;
	[tilespmem:$0x1DB80] =	vst v63  }
0x279: {  	_ =	swait.ge [sflag:s0], $0x400  }
0x27a: {  	[sflag:s0] =	ssyncset.done $0x0  }
0x27b: {  	[sflag:s0] =	ssyncadd.s32 $0xFFFFFC00  }
0x27c: {  	_ =	swait.ge [sflag:s0], $0x400  }
0x27d: {  	[sflag:s0] =	ssyncset.done $0x0  }
0x27e: {  	[sflag:s0] =	ssyncadd.s32 $0xFFFFFC00  }
0x27f: {  	_ =	swait.ge [sflag:s0], $0x2000  }
0x280: {  	[sflag:s0] =	ssyncset.done $0x0  }
0x281: {  	s14 =	simm.s32 $0x5020;
	[sflag:s0] =	ssyncadd.s32 $0xFFFFE000  }
0x282: {  	s15 =	simm.s32 $0x5420;
	v0 =	vld [tilespmem:s14+$0x10]  }
0x283: {  	v1 =	vld [tilespmem:s15+$0x10];
	_ =	sdelay $0x1  }
0x284: {  	v3 =	vld [tilespmem:s14+$0xFFFFFFF0]  }
0x285: {  	v4 =	vld [tilespmem:s15+$0xFFFFFFF0];
	_ =	sdelay $0x1  }
0x286: {  	v2 =	vld [tilespmem:s15+$0xFFFFFFE0];
	v0 =	vadd.f32 v1, v0  }
0x287: {  	v5 =	vld [tilespmem:s14+$0x0]  }
0x288: {  	v1 =	vld [tilespmem:s14+$0xFFFFFFE0];
	v9 =	vmul.f32 $2.000000030e-01, v0  }
0x289: {  	v8 =	vld [tilespmem:s15+$0x0];
	v3 =	vadd.f32 v4, v3  }
0x28a: {  	v0 =	vmax.f32 v0, v9  }
0x28b: {  	v4 =	vmul.f32 $2.000000030e-01, v3;
	v0 =	vmul.f32 $1.442695020e+00, v0;
	_ =	sdelay $0x1  }
0x28c: {  	v1 =	vadd.f32 v2, v1;
	v2 =	vmax.f32 v3, v4;
	(erf) = vpow2.f32 v0  }
0x28d: {  	v5 =	vadd.f32 v8, v5;
	v2 =	vmul.f32 $1.442695020e+00, v2  }
0x28e: {  	v0 =	vmul.f32 $2.000000030e-01, v1  }
0x28f: {  	v3 =	vmul.f32 $2.000000030e-01, v5;
	(erf) = vpow2.f32 v2  }
0x290: {  	v0 =	vmax.f32 v1, v0  }
0x291: {  	v3 =	vmax.f32 v5, v3;
	v0 =	vmul.f32 $1.442695020e+00, v0  }
0x292: {  	v1 =	vmul.f32 $1.442695020e+00, v3  }
0x293: {  	s16 =	simm.s32 $0x5060  }
0x294: {  	s12 =	simm.s32 $0x5460;
	v57 =	vld [tilespmem:s16+$0x10];
	(erf) = vpow2.f32 v1  }
0x295: {  	v58 =	vld [tilespmem:s12+$0x10];
	(erf) = vpow2.f32 v0;
	v0 =	vpop (erf)  }
0x296: {  	s11 =	simm.s32 $0x5900;
	v49 =	vld [tilespmem:s12+$0xFFFFFFE0];
	[tilespmem:s14+$0x10] =	vst v0  }
0x297: {  	v6 =	vimm.s32 $0x0;
	v59 =	vimm.s32 $0x0;
	v61 =	vimm.s32 $0x1;
	v1 =	vld [tilespmem:s11+$0xF0]  }
0x298: {  	v62 =	vimm.s32 $0x3;
	v2 =	vpop (erf);
	v15 =	vperm.xlane v0, v6;
	v16 =	vperm.xlane v0, v61;
	v3 =	vld [tilespmem:s11+$0x80]  }
0x299: {  	v9 =	vperm.xlane v0, v7;
	v8 =	vperm.xlane v0, v62;
	v6 =	vimm.s32 $0x4;
	[tilespmem:s14+$0xFFFFFFF0] =	vst v2;
	v55 =	vld [tilespmem:s11+$0x90]  }
0x29a: {  	v11 =	vperm.xlane v0, v6;
	v6 =	vimm.s32 $0x5;
	v20 =	vperm.xlane v2, v59;
	v4 =	vld [tilespmem:s11+$0xFFFFFF80]  }
0x29b: {  	v21 =	vperm.xlane v2, v61;
	v14 =	vld [tilespmem:s11+$0xFFFFFF90];
	v10 =	vperm.xlane v0, v6;
	v6 =	vimm.s32 $0x7  }
0x29c: {  	v23 =	vperm.xlane v2, v7;
	v17 =	vld [tilespmem:s11+$0xFFFFFFA0];
	v13 =	vperm.xlane v0, v6;
	v6 =	vimm.s32 $0x4  }
0x29d: {  	v25 =	vperm.xlane v2, v62;
	v38 =	vld [tilespmem:s11+$0xFFFFFFB0];
	v5 =	vpop (erf);
	v26 =	vperm.xlane v2, v6  }
0x29e: {  	v41 =	vld [tilespmem:s11+$0xFFFFFFC0];
	v12 =	vpop (erf);
	v44 =	vperm.xlane v5, v59;
	v45 =	vperm.xlane v5, v61  }
0x29f: {  	v47 =	vperm.xlane v5, v7;
	[tilespmem:s14+$0xFFFFFFE0] =	vst v12;
	v28 =	vperm.xlane v12, v59;
	v59 =	vld [tilespmem:s16+$0xFFFFFFF0]  }
0x2a0: {  	v48 =	vperm.xlane v5, v62;
	v30 =	vperm.xlane v12, v61;
	v18 =	vld [tilespmem:s11+$0xFFFFFF00]  }
0x2a1: {  	v60 =	vimm.s32 $0x5;
	v31 =	vperm.xlane v12, v7;
	v33 =	vperm.xlane v12, v62;
	v19 =	vld [tilespmem:s11+$0xFFFFFF10]  }
0x2a2: {  	v63 =	vimm.s32 $0x7;
	v34 =	vperm.xlane v12, v6;
	v36 =	vperm.xlane v12, v60;
	v22 =	vld [tilespmem:s11+$0xFFFFFF20]  }
0x2a3: {  	v6 =	vimm.s32 $0x6;
	v39 =	vperm.xlane v12, v63;
	v24 =	vld [tilespmem:s11+$0xFFFFFF30];
	v1 =	vmul.f32 v13, v1  }
0x2a4: {  	v27 =	vld [tilespmem:s11+$0xFFFFFF40];
	v37 =	vperm.xlane v12, v6;
	v42 =	vperm.xlane v2, v6  }
0x2a5: {  	v29 =	vld [tilespmem:s11+$0xFFFFFF50];
	v12 =	vimm.s32 $0x5;
	v60 =	vperm.xlane v5, v6;
	v3 =	vmul.f32 v15, v3  }
0x2a6: {  	v32 =	vld [tilespmem:s11+$0xFFFFFF60];
	v13 =	vimm.s32 $0x4;
	v16 =	vmul.f32 v16, v55;
	v40 =	vperm.xlane v2, v12  }
0x2a7: {  	v35 =	vld [tilespmem:s11+$0xFFFFFF70];
	v2 =	vperm.xlane v2, v63;
	v50 =	vperm.xlane v5, v13  }
0x2a8: {  	v51 =	vperm.xlane v5, v12;
	v13 =	vperm.xlane v5, v63;
	v63 =	vld [tilespmem:s12+$0xFFFFFFF0]  }
0x2a9: {  	[tilespmem:s14+$0x0] =	vst v5;
	v12 =	vperm.xlane v0, v6;
	v0 =	vld [tilespmem:s16+$0x0];
	v4 =	vmul.f32 v20, v4  }
0x2aa: {  	v20 =	vld [tilespmem:s12+$0x0];
	v14 =	vmul.f32 v21, v14;
	[tilespmem:s11+$0xF0] =	vst v1;
	v18 =	vmul.f32 v28, v18;
	v28 =	vadd.f32 v58, v57  }
0x2ab: {  	v21 =	vld [tilespmem:s16+$0xFFFFFFE0];
	v5 =	vmul.f32 v23, v17;
	v26 =	vmul.f32 v26, v41;
	[tilespmem:s11+$0x80] =	vst v3  }
0x2ac: {  	v17 =	vld [tilespmem:s11+$0xFFFFFFF0];
	[tilespmem:s11+$0xFFFFFF80] =	vst v4;
	v4 =	vmul.f32 v36, v29;
	v29 =	vmul.f32 $2.000000030e-01, v28  }
0x2ad: {  	[tilespmem:s11+$0x90] =	vst v16;
	v19 =	vmul.f32 v30, v19;
	v22 =	vmul.f32 v31, v22;
	v30 =	vld [tilespmem:s11+$0xFFFFFFD0];
	v57 =	vadd.f32 v63, v59  }
0x2ae: {  	[tilespmem:s11+$0xFFFFFF90] =	vst v14;
	v24 =	vmul.f32 v33, v24;
	v27 =	vmul.f32 v34, v27;
	v31 =	vld [tilespmem:s11+$0xFFFFFFE0];
	v14 =	vmax.f32 v28, v29  }
0x2af: {  	[tilespmem:s11+$0xFFFFFFA0] =	vst v5;
	v0 =	vadd.f32 v20, v0;
	v20 =	vld [tilespmem:s11+$0x0];
	v1 =	vmul.f32 $2.000000030e-01, v57;
	v14 =	vmul.f32 $1.442695020e+00, v14  }
0x2b0: {  	v32 =	vmul.f32 v37, v32;
	v56 =	vmul.f32 v39, v35;
	v15 =	vadd.f32 v49, v21;
	v21 =	vld [tilespmem:s11+$0x20];
	[tilespmem:s11+$0xFFFFFF00] =	vst v18  }
0x2b1: {  	v58 =	vmul.f32 v25, v38;
	v18 =	vld [tilespmem:s11+$0x10];
	[tilespmem:s11+$0xFFFFFF10] =	vst v19;
	v1 =	vmax.f32 v57, v1;
	(erf) = vpow2.f32 v14  }
0x2b2: {  	[tilespmem:s11+$0xFFFFFF20] =	vst v22;
	v22 =	vld [tilespmem:s11+$0x30];
	v19 =	vmul.f32 $2.000000030e-01, v0;
	v1 =	vmul.f32 $1.442695020e+00, v1  }
0x2b3: {  	v2 =	vmul.f32 v2, v17;
	[tilespmem:s11+$0xFFFFFF30] =	vst v24;
	v24 =	vld [tilespmem:s11+$0x60];
	v14 =	vmul.f32 $2.000000030e-01, v15  }
0x2b4: {  	[tilespmem:s11+$0xFFFFFFC0] =	vst v26;
	v0 =	vmax.f32 v0, v19;
	v28 =	vmul.f32 v40, v30;
	v19 =	vld [tilespmem:s11+$0x40];
	(erf) = vpow2.f32 v1  }
0x2b5: {  	[tilespmem:s11+$0xFFFFFF40] =	vst v27;
	v27 =	vmul.f32 v42, v31;
	v0 =	vmul.f32 $1.442695020e+00, v0;
	v1 =	vld [tilespmem:s11+$0x50];
	v14 =	vmax.f32 v15, v14  }
0x2b6: {  	v23 =	vld [tilespmem:s11+$0x70];
	[tilespmem:s11+$0xFFFFFF50] =	vst v4;
	v4 =	vmul.f32 v47, v21;
	v3 =	vmul.f32 $1.442695020e+00, v14  }
0x2b7: {  	v16 =	vld [tilespmem:s11+$0xC0];
	[tilespmem:s11+$0xFFFFFF60] =	vst v32;
	v29 =	vmul.f32 v48, v22;
	(erf) = vpow2.f32 v0  }
0x2b8: {  	v17 =	vld [tilespmem:s11+$0xD0];
	[tilespmem:s11+$0xFFFFFF70] =	vst v56;
	v48 =	vmul.f32 v60, v24;
	(erf) = vpow2.f32 v3  }
0x2b9: {  	[tilespmem:s11+$0xFFFFFFF0] =	vst v2;
	v0 =	vmul.f32 v44, v20;
	v15 =	vld [tilespmem:s11+$0xB0];
	v30 =	vmul.f32 v50, v19  }
0x2ba: {  	v31 =	vimm.s32 $0x0;
	[tilespmem:s11+$0xFFFFFFD0] =	vst v28;
	v14 =	vld [tilespmem:s11+$0xA0];
	v3 =	vmul.f32 v45, v18;
	v6 =	vmul.f32 v51, v1;
	v5 =	vpop (erf)  }
0x2bb: {  	s13 =	simm.s32 $0x5B00;
	v37 =	vimm.s32 $0x5;
	v18 =	vld [tilespmem:s11+$0xE0];
	[tilespmem:s16+$0x10] =	vst v5;
	v25 =	vperm.xlane v5, v31;
	v24 =	vperm.xlane v5, v61  }
0x2bc: {  	v49 =	vimm.s32 $0x4;
	[tilespmem:s11+$0xFFFFFFE0] =	vst v27;
	v22 =	vperm.xlane v5, v7;
	v21 =	vperm.xlane v5, v62;
	v59 =	vld [tilespmem:s13+$0xF0]  }
0x2bd: {  	[tilespmem:s11+$0x20] =	vst v4;
	v50 =	vimm.s32 $0x7;
	v20 =	vperm.xlane v5, v49;
	v19 =	vperm.xlane v5, v37;
	v33 =	vpop (erf);
	v26 =	vld [tilespmem:s13+$0x80]  }
0x2be: {  	v28 =	vperm.xlane v5, v50;
	[tilespmem:s16+$0xFFFFFFF0] =	vst v33;
	v41 =	vperm.xlane v33, v31;
	v31 =	vld [tilespmem:s13+$0x90]  }
0x2bf: {  	v34 =	vimm.s32 $0x0;
	[tilespmem:s11+$0x30] =	vst v29;
	v38 =	vperm.xlane v33, v61;
	v39 =	vperm.xlane v33, v7;
	v44 =	vld [tilespmem:s13+$0xFFFFFF80]  }
0x2c0: {  	v4 =	vimm.s32 $0x7;
	[tilespmem:s11+$0x60] =	vst v48;
	v47 =	vpop (erf);
	v42 =	vperm.xlane v33, v62;
	v40 =	vperm.xlane v33, v49;
	v45 =	vld [tilespmem:s13+$0xFFFFFF90]  }
0x2c1: {  	v32 =	vimm.s32 $0x5;
	[tilespmem:s11+$0x10] =	vst v3;
	v36 =	vperm.xlane v33, v37;
	v35 =	vperm.xlane v33, v4;
	v46 =	vld [tilespmem:s13+$0xFFFFFFA0];
	v27 =	vpop (erf)  }
0x2c2: {  	v3 =	vimm.s32 $0x6;
	v29 =	vperm.xlane v47, v62;
	v32 =	vperm.xlane v47, v32;
	v48 =	vld [tilespmem:s13+$0xFFFFFFB0];
	[tilespmem:s16+$0xFFFFFFE0] =	vst v27  }
0x2c3: {  	[tilespmem:s11+$0x40] =	vst v30;
	v30 =	vperm.xlane v47, v3;
	v63 =	vperm.xlane v27, v34;
	v2 =	vld [tilespmem:s13+$0xFFFFFF00]  }
0x2c4: {  	[tilespmem:s11+$0xFFFFFFB0] =	vst v58;
	v56 =	vperm.xlane v27, v61;
	v57 =	vperm.xlane v27, v7;
	v58 =	vld [tilespmem:s13+$0xFFFFFF10]  }
0x2c5: {  	v1 =	vimm.s32 $0x4;
	v55 =	vperm.xlane v27, v62;
	v43 =	vmul.f32 v28, v59;
	v59 =	vld [tilespmem:s13+$0xFFFFFF20]  }
0x2c6: {  	[tilespmem:s11+$0x0] =	vst v0;
	v0 =	vimm.s32 $0x6;
	v53 =	vperm.xlane v27, v1;
	v54 =	vperm.xlane v27, v37;
	v60 =	vld [tilespmem:s13+$0xFFFFFF30]  }
0x2c7: {  	v52 =	vperm.xlane v27, v0;
	v49 =	vperm.xlane v27, v50;
	v50 =	vld [tilespmem:s13+$0xFFFFFF40]  }
0x2c8: {  	v37 =	vperm.xlane v33, v0;
	v34 =	vperm.xlane v47, v34;
	v51 =	vld [tilespmem:s13+$0xFFFFFF50]  }
0x2c9: {  	[tilespmem:s11+$0x50] =	vst v6;
	v27 =	vperm.xlane v47, v61;
	v33 =	vperm.xlane v47, v1;
	v61 =	vld [tilespmem:s13+$0xFFFFFF60]  }
0x2ca: {  	[tilespmem:s16+$0x0] =	vst v47;
	v28 =	vperm.xlane v47, v7;
	v62 =	vld [tilespmem:s13+$0xFFFFFF70];
	v47 =	vperm.xlane v47, v4  }
0x2cb: {  	s15 =	simm.s32 $0x4;
	s14 =	simm.s32 $0x5B00;
	s16 =	simm.s32 $0x50A0;
	[tilespmem:s13+$0xF0] =	vst v43;
	v43 =	vperm.xlane v5, v3;
	v0 =	vmul.f32 v63, v2;
	v63 =	vld [tilespmem:s13+$0xFFFFFFC0]  }
.LBB2_12:
0x2cc: {  	v1 =	vld [tilespmem:s16+$0x10];
	v2 =	vmul.f32 v56, v58;
	v3 =	vmul.f32 v57, v59;
	s12 =	sadd.s32 $0x40, s12  }
0x2cd: {  	s15 =	sadd.s32 $0x4, s15;
	v5 =	vmul.f32 v53, v50;
	v4 =	vld [tilespmem:s12+$0x10];
	[tilespmem:s13+$0xFFFFFF00] =	vst v0;
	v0 =	vmul.f32 v55, v60  }
0x2ce: {  	p2 =	slt.u32 s15, $0x3C;
	v50 =	vmul.f32 v52, v61;
	v53 =	vld [tilespmem:s12+$0xFFFFFFE0];
	[tilespmem:s13+$0xFFFFFF10] =	vst v2;
	v2 =	vmul.f32 v54, v51  }
0x2cf: {  	v41 =	vmul.f32 v41, v44;
	v51 =	vld [tilespmem:s16+$0xFFFFFFF0];
	[tilespmem:s13+$0xFFFFFF20] =	vst v3;
	v3 =	vmul.f32 v49, v62  }
0x2d0: {  	v44 =	vld [tilespmem:s12+$0xFFFFFFF0];
	[tilespmem:s13+$0xFFFFFF30] =	vst v0;
	v0 =	vmul.f32 v38, v45;
	v38 =	vmul.f32 v39, v46  }
0x2d1: {  	v40 =	vmul.f32 v40, v63;
	v39 =	vld [tilespmem:s16+$0x0];
	[tilespmem:s13+$0xFFFFFF40] =	vst v5;
	v5 =	vmul.f32 v42, v48  }
0x2d2: {  	v42 =	vld [tilespmem:s12+$0x0];
	v1 =	vadd.f32 v4, v1;
	[tilespmem:s13+$0xFFFFFF50] =	vst v2;
	v2 =	vmul.f32 v25, v26;
	v4 =	vmul.f32 v13, v23  }
0x2d3: {  	v24 =	vmul.f32 v24, v31;
	v49 =	vmul.f32 v9, v14;
	v9 =	vmovc v22;
	v13 =	vmov v47;
	v23 =	vld [tilespmem:s16+$0xFFFFFFE0];
	[tilespmem:s13+$0xFFFFFF60] =	vst v50  }
0x2d4: {  	v50 =	vmul.f32 v8, v15;
	v8 =	vmov v21;
	v14 =	vmul.f32 $2.000000030e-01, v1;
	[tilespmem:s13+$0xFFFFFF70] =	vst v3;
	v3 =	vld [tilespmem:s13+$0xFFFFFFD0]  }
0x2d5: {  	v47 =	vmul.f32 v10, v17;
	v15 =	vadd.f32 v44, v51;
	[tilespmem:s13+$0xFFFFFF80] =	vst v41;
	v21 =	vld [tilespmem:s13+$0xFFFFFFE0];
	v51 =	vmul.f32 v11, v16  }
0x2d6: {  	v48 =	vmul.f32 v12, v18;
	v10 =	vmovc v19;
	v11 =	vmov v20;
	v1 =	vmax.f32 v1, v14;
	[tilespmem:s13+$0xFFFFFF90] =	vst v0;
	v0 =	vld [tilespmem:s13+$0xFFFFFFF0]  }
0x2d7: {  	v12 =	vmovc v43;
	v14 =	vmul.f32 $2.000000030e-01, v15;
	v16 =	vadd.f32 v42, v39;
	v1 =	vmul.f32 $1.442695020e+00, v1;
	[tilespmem:s13+$0xFFFFFFA0] =	vst v38;
	v17 =	vld [tilespmem:s13+$0x0]  }
0x2d8: {  	v18 =	vadd.f32 v53, v23;
	[tilespmem:s13+$0xFFFFFFB0] =	vst v5;
	v5 =	vld [tilespmem:s13+$0x10]  }
0x2d9: {  	v14 =	vmax.f32 v15, v14;
	v15 =	vmul.f32 $2.000000030e-01, v16;
	(erf) = vpow2.f32 v1;
	[tilespmem:s13+$0xFFFFFFC0] =	vst v40;
	v1 =	vld [tilespmem:s13+$0x20]  }
0x2da: {  	v19 =	vmul.f32 $2.000000030e-01, v18;
	v14 =	vmul.f32 $1.442695020e+00, v14;
	v20 =	vld [tilespmem:s13+$0x30];
	[tilespmem:s11+$0x70] =	vst v4  }
0x2db: {  	v3 =	vmul.f32 v36, v3;
	v4 =	vmax.f32 v16, v15;
	v15 =	vmul.f32 v37, v21;
	v16 =	vld [tilespmem:s13+$0x40];
	[tilespmem:s13+$0x80] =	vst v2  }
0x2dc: {  	v2 =	vmax.f32 v18, v19;
	v4 =	vmul.f32 $1.442695020e+00, v4;
	(erf) = vpow2.f32 v14;
	v18 =	vld [tilespmem:s13+$0x50];
	[tilespmem:s13+$0x90] =	vst v24  }
0x2dd: {  	v0 =	vmul.f32 v35, v0;
	v2 =	vmul.f32 $1.442695020e+00, v2;
	[tilespmem:s13+$0xFFFFFFD0] =	vst v3;
	v3 =	vld [tilespmem:s13+$0x60]  }
0x2de: {  	(erf) = vpow2.f32 v4;
	[tilespmem:s13+$0xFFFFFFE0] =	vst v15;
	v4 =	vmul.f32 v34, v17;
	v23 =	vld [tilespmem:s13+$0x70]  }
0x2df: {  	(erf) = vpow2.f32 v2;
	[tilespmem:s13+$0xFFFFFFF0] =	vst v0;
	v0 =	vmul.f32 v27, v5;
	v14 =	vld [tilespmem:s13+$0xA0]  }
0x2e0: {  	v1 =	vmul.f32 v28, v1;
	v2 =	vmul.f32 v29, v20;
	[tilespmem:s13+$0x0] =	vst v4;
	v15 =	vld [tilespmem:s13+$0xB0]  }
0x2e1: {  	v28 =	vimm.s32 $0x0;
	[tilespmem:s13+$0x10] =	vst v0;
	v0 =	vmul.f32 v33, v16;
	v4 =	vmul.f32 v32, v18;
	v16 =	vld [tilespmem:s13+$0xC0]  }
0x2e2: {  	v27 =	vimm.s32 $0x1;
	v29 =	vimm.s32 $0x3;
	v5 =	vpop (erf);
	[tilespmem:s13+$0x20] =	vst v1;
	v1 =	vmul.f32 v30, v3;
	v17 =	vld [tilespmem:s13+$0xD0]  }
0x2e3: {  	v32 =	vimm.s32 $0x5;
	s13 =	sadd.s32 $0x200, s13;
	[tilespmem:s16+$0x10] =	vst v5;
	v25 =	vperm.xlane v5, v28;
	v24 =	vperm.xlane v5, v27;
	v18 =	vld [tilespmem:s14+$0xE0]  }
0x2e4: {  	v30 =	vimm.s32 $0x4;
	v22 =	vperm.xlane v5, v7;
	v21 =	vperm.xlane v5, v29;
	v3 =	vld [tilespmem:s13+$0xF0];
	[tilespmem:s14+$0x30] =	vst v2  }
0x2e5: {  	v20 =	vperm.xlane v5, v30;
	v19 =	vperm.xlane v5, v32;
	v26 =	vld [tilespmem:s13+$0x80];
	v2 =	vpop (erf);
	[tilespmem:s14+$0x40] =	vst v0  }
0x2e6: {  	v6 =	vimm.s32 $0x7;
	[tilespmem:s16+$0xFFFFFFF0] =	vst v2;
	v41 =	vperm.xlane v2, v28;
	v38 =	vperm.xlane v2, v27;
	v31 =	vld [tilespmem:s13+$0x90]  }
0x2e7: {  	v0 =	vperm.xlane v5, v6;
	v39 =	vperm.xlane v2, v7;
	v44 =	vld [tilespmem:s13+$0xFFFFFF80];
	v43 =	vpop (erf);
	[tilespmem:s14+$0x50] =	vst v4  }
0x2e8: {  	v42 =	vperm.xlane v2, v29;
	v40 =	vperm.xlane v2, v30;
	v45 =	vld [tilespmem:s13+$0xFFFFFF90];
	[tilespmem:s16+$0x0] =	vst v43;
	v4 =	vpop (erf)  }
0x2e9: {  	[tilespmem:s16+$0xFFFFFFE0] =	vst v4;
	v63 =	vperm.xlane v4, v28;
	v46 =	vld [tilespmem:s13+$0xFFFFFFA0];
	v0 =	vmul.f32 v0, v3  }
0x2ea: {  	v56 =	vperm.xlane v4, v27;
	v57 =	vperm.xlane v4, v7;
	v3 =	vld [tilespmem:s13+$0xFFFFFF00];
	[tilespmem:s14+$0x60] =	vst v1  }
0x2eb: {  	v55 =	vperm.xlane v4, v29;
	v53 =	vperm.xlane v4, v30;
	v1 =	vimm.s32 $0x6;
	v58 =	vld [tilespmem:s13+$0xFFFFFF10];
	[tilespmem:s13+$0xF0] =	vst v0  }
0x2ec: {  	v54 =	vperm.xlane v4, v32;
	v52 =	vperm.xlane v4, v1;
	v59 =	vld [tilespmem:s13+$0xFFFFFF20];
	[tilespmem:s11+$0xA0] =	vst v49  }
0x2ed: {  	v36 =	vperm.xlane v2, v32;
	v49 =	vperm.xlane v4, v6;
	v60 =	vld [tilespmem:s13+$0xFFFFFF30];
	[tilespmem:s11+$0xB0] =	vst v50  }
0x2ee: {  	v35 =	vperm.xlane v2, v6;
	v37 =	vperm.xlane v2, v1;
	v50 =	vld [tilespmem:s13+$0xFFFFFF40];
	[tilespmem:s11+$0xC0] =	vst v51  }
.Ltmp7:
0x2ef: {  	v34 =	vperm.xlane v43, v28;
	v27 =	vperm.xlane v43, v27;
	v51 =	vld [tilespmem:s13+$0xFFFFFF50];
	[tilespmem:s11+$0xD0] =	vst v47;
	(pc) =	sbr.rel @p2 .LBB2_12-.Ltmp7, $4  }
0x2f0: {  	v28 =	vperm.xlane v43, v7;
	v29 =	vperm.xlane v43, v29;
	v61 =	vld [tilespmem:s13+$0xFFFFFF60];
	[tilespmem:s11+$0xE0] =	vst v48;
	s11 =	smov.u32 s14;
	s14 =	smov.u32 s13  }
0x2f1: {  	v33 =	vperm.xlane v43, v30;
	v32 =	vperm.xlane v43, v32;
	v62 =	vld [tilespmem:s13+$0xFFFFFF70]  }
0x2f2: {  	v30 =	vperm.xlane v43, v1;
	v47 =	vperm.xlane v43, v6;
	v48 =	vld [tilespmem:s13+$0xFFFFFFB0]  }
0x2f3: {  	s16 =	sadd.s32 $0x40, s16;
	v0 =	vmul.f32 v63, v3;
	v43 =	vperm.xlane v5, v1;
	v63 =	vld [tilespmem:s13+$0xFFFFFFC0]  }
0x2f4: {  	v1 =	vmul.f32 v56, v58  }
0x2f5: {  	v2 =	vmul.f32 v57, v59;
	[tilespmem:s13+$0xFFFFFF00] =	vst v0  }
0x2f6: {  	v6 =	vmul.f32 v55, v60;
	[tilespmem:s13+$0xFFFFFF10] =	vst v1  }
0x2f7: {  	v7 =	vmul.f32 v53, v50;
	[tilespmem:s13+$0xFFFFFF20] =	vst v2  }
0x2f8: {  	v50 =	vmul.f32 v54, v51;
	[tilespmem:s13+$0xFFFFFF30] =	vst v6  }
0x2f9: {  	v51 =	vmul.f32 v41, v44;
	[tilespmem:s13+$0xFFFFFF40] =	vst v7  }
0x2fa: {  	v3 =	vmul.f32 v38, v45;
	[tilespmem:s13+$0xFFFFFF50] =	vst v50  }
0x2fb: {  	v4 =	vmul.f32 v39, v46;
	[tilespmem:s13+$0xFFFFFF80] =	vst v51  }
0x2fc: {  	v58 =	vmul.f32 v13, v23;
	[tilespmem:s13+$0xFFFFFF90] =	vst v3  }
0x2fd: {  	v60 =	vmul.f32 v25, v26;
	[tilespmem:s13+$0xFFFFFFA0] =	vst v4  }
0x2fe: {  	v52 =	vmul.f32 v52, v61;
	[tilespmem:s11+$0x70] =	vst v58  }
0x2ff: {  	v54 =	vmul.f32 v49, v62;
	[tilespmem:s13+$0x80] =	vst v60  }
0x300: {  	v62 =	vmul.f32 v24, v31;
	[tilespmem:s13+$0xFFFFFF60] =	vst v52  }
0x301: {  	v53 =	vld [tilespmem:s13+$0xFFFFFFD0];
	v49 =	vmul.f32 v9, v14;
	[tilespmem:s13+$0xFFFFFF70] =	vst v54  }
0x302: {  	v55 =	vld [tilespmem:s13+$0xFFFFFFE0];
	v50 =	vmul.f32 v8, v15;
	[tilespmem:s13+$0x90] =	vst v62  }
0x303: {  	v57 =	vld [tilespmem:s13+$0xFFFFFFF0];
	v56 =	vmul.f32 v42, v48;
	[tilespmem:s11+$0xA0] =	vst v49  }
0x304: {  	v59 =	vld [tilespmem:s13+$0x0];
	v52 =	vmul.f32 v11, v16;
	[tilespmem:s11+$0xB0] =	vst v50  }
0x305: {  	v38 =	vld [tilespmem:s13+$0x40];
	v5 =	vmul.f32 v40, v63;
	[tilespmem:s13+$0xFFFFFFB0] =	vst v56  }
0x306: {  	v39 =	vld [tilespmem:s13+$0x50];
	v54 =	vmul.f32 v10, v17;
	[tilespmem:s11+$0xC0] =	vst v52  }
0x307: {  	v61 =	vld [tilespmem:s13+$0x10];
	v2 =	vmul.f32 v36, v53;
	[tilespmem:s13+$0xFFFFFFC0] =	vst v5  }
0x308: {  	v51 =	vld [tilespmem:s13+$0xA0];
	v1 =	vmul.f32 v37, v55;
	[tilespmem:s11+$0xD0] =	vst v54  }
0x309: {  	v63 =	vld [tilespmem:s13+$0x20];
	v0 =	vmul.f32 v35, v57;
	[tilespmem:s13+$0xFFFFFFD0] =	vst v2  }
0x30a: {  	v31 =	vld [tilespmem:s13+$0x30];
	v41 =	vmul.f32 v34, v59;
	[tilespmem:s13+$0xFFFFFFE0] =	vst v1  }
0x30b: {  	v42 =	vld [tilespmem:s13+$0x70];
	v56 =	vmul.f32 v12, v18;
	[tilespmem:s13+$0xFFFFFFF0] =	vst v0  }
0x30c: {  	v40 =	vld [tilespmem:s13+$0x60];
	v44 =	vmul.f32 v27, v61;
	[tilespmem:s13+$0x0] =	vst v41  }
0x30d: {  	v53 =	vld [tilespmem:s13+$0xB0];
	[tilespmem:s11+$0xE0] =	vst v56;
	v60 =	vmul.f32 v22, v51  }
0x30e: {  	v55 =	vld [tilespmem:s13+$0xC0];
	[tilespmem:s13+$0x10] =	vst v44;
	v45 =	vmul.f32 v28, v63  }
0x30f: {  	v57 =	vld [tilespmem:s13+$0xD0];
	v4 =	vmul.f32 v29, v31;
	[tilespmem:s14+$0xA0] =	vst v60  }
0x310: {  	v46 =	vmul.f32 v33, v38;
	[tilespmem:s13+$0x20] =	vst v45  }
0x311: {  	v48 =	vmul.f32 v32, v39;
	[tilespmem:s14+$0x30] =	vst v4  }
0x312: {  	v58 =	vld [tilespmem:s14+$0xE0];
	v2 =	vmul.f32 v30, v40;
	[tilespmem:s14+$0x40] =	vst v46  }
0x313: {  	v59 =	vmul.f32 v47, v42;
	[tilespmem:s14+$0x50] =	vst v48  }
0x314: {  	v61 =	vmul.f32 v21, v53;
	[tilespmem:s14+$0x60] =	vst v2  }
0x315: {  	v62 =	vmul.f32 v20, v55;
	[tilespmem:s14+$0x70] =	vst v59  }
0x316: {  	v63 =	vmul.f32 v19, v57;
	[tilespmem:s14+$0xB0] =	vst v61  }
0x317: {  	v2 =	vmul.f32 v43, v58;
	[tilespmem:s14+$0xC0] =	vst v62  }
0x318: {  	[tilespmem:s14+$0xD0] =	vst v63  }
0x319: {  	s10 =	sadd.s32 $0x1440, s10;
	[tilespmem:s14+$0xE0] =	vst v2  }
0x31a: {  	[spmem:s2] =	stream.indirect.scatter.add.f32 [tilespmem:s29], [sflag:$0x3], $0x80, s10, s20, $0xb8;
	[tilespmem:$0x1DB80] =	vst v63  }
0x31b: {  	_ = 	snop  }
0x31c: {  	[spmem:s1] =	stream.indirect.scatter.add.f32 [tilespmem:s25], [sflag:$0x3], $0x10, s10, s20, $0xb8;
	[tilespmem:$0x1DB80] =	vst v63  }
0x31d: {  	_ =	swait.ge [sflag:s31], $0x2000  }
.Ltmp8:
0x31e: {  	[sflag:s31] =	ssyncset.done $0x0;
	(pc) =	sbr.rel @p1 .LBB2_15-.Ltmp8, $4  }
0x31f: {  	[sflag:s31] =	ssyncadd.s32 $0xFFFFE000  }
0x320: {  	_ =	swait.ge [sflag:s31], $0x400  }
0x321: {  	[sflag:s31] =	ssyncset.done $0x0  }
0x322: {  	[sflag:s31] =	ssyncadd.s32 $0xFFFFFC00  }
0x323: {  	s10 =	sadd.s32 $0xC0, s9  }
0x324: {  	[tilespmem:s25], [sflag:$0x2] =	stream.indirect.gather [hbm4b:s4+s20], $0x10, s10, s20, $0xb8;
	[tilespmem:$0x1DB80] =	vst v63  }
.Ltmp9:
0x325: {  	_ = 	snop;
	(pc) =	sbr.rel .LBB2_9-.Ltmp9, $4  }
0x326: {  	s16 =	sadd.s32 $0x14C0, s9  }
0x327: {  	[tilespmem:s28], [sflag:$0x2] =	stream.indirect.gather [hbm4b:s5+s20], $0x10, s16, s20, $0xb8;
	[tilespmem:$0x1DB80] =	vst v63  }
0x328: {  	s7 =	sadd.s32 $0x1, s7;
	v5 =	vimm.s32 $0x0  }
0x329: {  	v6 =	vimm.s32 $0x1;
	v7 =	vimm.s32 $0x2;
	v62 =	vimm.s32 $0x3;
	[tilespmem:s29], [sflag:$0x2] =	stream.indirect.gather [hbm4b:s6+s20], $0x80, s10, s20, $0xb8;
	[tilespmem:$0x1DB80] =	vst v63  }
.LBB2_16:
0x32a: {  	_ =	sfence.sel $0x180000  }
0x32b: {  	[bflag:$0x0] =	sbarrier.arrive $0xFFFF  }
0x32c: {  	_ =	strace $0x90000047  }
0x32d: {  	[bflag:$0x2] =	sbarrier.arrive $0xFFFF  }
0x32e: {  	s0 =	rddreg [dreg:$0x4]  }
0x32f: {  	s0 =	sadd.s32 @!p0 $0x100000, s0  }
0x330: {  	[sflag:s0] =	ssyncadd.tile.s32 @!p0 $0x1;
	_ =	shalt  }
.Lfunc_end2:
_tile_overlayer_lowered:
.L_overlay_start_2:
0x331: {  	(tag) =	ssettag $0x2  }
0x332: {  	s0 =	rddreg [dreg:$0x0];
	s2 =	stileid.u32  }
0x333: {  	s1 =	rddreg [dreg:$0x1];
	p0 =	sne.s32 s2, $0x0  }
0x334: {  	s3 =	rddreg [dreg:$0x2];
	[bflag:$0x3] =	sbarrier.arrive $0xFFFF;
	s2 =	simm.s32 @!p0 $0x1C04  }
0x335: {  	[timem:s3], [sflag:s2] =	dma.local @!p0 [hbm:s0], s1  }
0x336: {  	s0 =	simm.s32 @!p0 $0x4  }
0x337: {  	_ =	swait.ge @!p0 [sflag:s0], s1  }
0x338: {  	s1 =	ssub.s32 @!p0 $0x0, s1;
	[sflag:s0] =	ssyncset.done @!p0 $0x0  }
0x339: {  	[sflag:s0] =	ssyncadd.s32 @!p0 s1  }
0x33a: {  	[bflag:$0x3] =	sbarrier.arrive $0xFFFF  }
0x33b: {  	_ =	shalt  }

</sc_bundles>
